<compile_context>
chip_gen: v7x
topology: tpu7x:2x2x1
jax: 0.10.2.dev20260603
libtpu: 0.0.44.dev20260713+nightly
codegen_flags: <defaults>
</compile_context>

<pallas_src>
import functools

import jax
import jax.numpy as jnp
from jax import lax
from jax.experimental import pallas as pl
from jax.experimental.pallas import tpu as pltpu
from jax.experimental.pallas import tpu_sc as plsc

NUM_HEADS = 16
SEQ = 2048
TBL = 1023
TBL_FLAT = TBL * NUM_HEADS
EXT_PITCH = 4352
LANES = 16
PAL_H = 8
PAL_W = 4088
ROWS_PER_WORKER = PAL_H // 2


def _sc_body(table_hbm, pal_hbm, tbl_v, ext_v, sem):
    head = lax.axis_index("s")
    half = lax.axis_index("c")

    pltpu.sync_copy(table_hbm, tbl_v.at[pl.ds(0, TBL_FLAT)])

    lane = lax.iota(jnp.int32, LANES)
    row_base = half * ROWS_PER_WORKER
    q0 = (PAL_H - 1) - row_base

    def build(it, _):
        base = it * (2 * LANES)
        for u in range(2):
            off = base + u * LANES
            pos = off + lane
            for j in range(ROWS_PER_WORKER):
                r_idx = jnp.clip(pos + (q0 - j) + (-1536), 0, TBL - 1)
                vals = plsc.load_gather(tbl_v, [r_idx * NUM_HEADS + head])
                ext_v[j, pl.ds(off, LANES)] = vals
        return 0

    lax.fori_loop(0, EXT_PITCH // (2 * LANES), build, 0)

    pltpu.async_copy(
        ext_v.at[:, pl.ds(0, PAL_W)],
        pal_hbm.at[pl.ds(head * PAL_H + row_base, ROWS_PER_WORKER), :],
        sem)
    pltpu.make_async_copy(
        pal_hbm.at[pl.ds(0, ROWS_PER_WORKER), :],
        ext_v.at[:, pl.ds(0, PAL_W)],
        sem).wait()


def _tc_body(pal_ref, out_ref):
    for g in range(SEQ // PAL_H):
        off = (SEQ - PAL_H) - PAL_H * g
        out_ref[0, pl.ds(PAL_H * g, PAL_H)] = pal_ref[:, off:off + SEQ]


@jax.jit
def _materialize(table_flat):
    sc = functools.partial(
        pl.kernel,
        out_type=jax.ShapeDtypeStruct((NUM_HEADS * PAL_H, PAL_W), jnp.float32),
        mesh=plsc.VectorSubcoreMesh(core_axis_name="c", subcore_axis_name="s"),
        scratch_types=[
            pltpu.VMEM((16384,), jnp.float32),
            pltpu.VMEM((ROWS_PER_WORKER, EXT_PITCH), jnp.float32),
            pltpu.SemaphoreType.DMA,
        ],
        compiler_params=pltpu.CompilerParams(
            needs_layout_passes=False, use_tc_tiling_on_sc=False),
    )(_sc_body)
    pal = sc(table_flat)

    out = pl.pallas_call(
        _tc_body,
        out_shape=jax.ShapeDtypeStruct((NUM_HEADS, SEQ, SEQ), jnp.float32),
        grid=(NUM_HEADS,),
        in_specs=[pl.BlockSpec((PAL_H, PAL_W), lambda h: (h, 0))],
        out_specs=pl.BlockSpec((1, SEQ, SEQ), lambda h: (h, 0, 0)),
    )(pal)
    return out


def kernel(bias_table, seq_len):
    del seq_len
    return _materialize(bias_table.reshape(-1))

# --- scband reference (transcript-rebuilt; emitter-appended) ---
"""Pipeline reference for scband-relative-position-bias-3461743640604 (READ-ONLY COPY).

The authoritative reference and input builder live on the scoring server;
editing this copy changes nothing except your own understanding.
"""

import jax, jax.numpy as jnp
import numpy as np

MAX_DISTANCE = 512
NUM_HEADS = 16
SEQ_LEN = 2048


def setup_inputs(seed: int = 0) -> dict:
    key = jax.random.key(seed)
    # learned parameter: bias_table [2*max_distance-1, num_heads], trunc_normal std=0.02 (approx with normal)
    bias_table = jax.random.normal(key, (2 * MAX_DISTANCE - 1, NUM_HEADS), dtype=jnp.float32) * 0.02
    return {"bias_table": bias_table, "seq_len": SEQ_LEN}


def reference(bias_table, seq_len):
    seq_len = jnp.asarray(seq_len, dtype=jnp.int32)
    coords = jnp.arange(SEQ_LEN, dtype=jnp.int32) + (seq_len - seq_len)
    relative = coords[None, :] - coords[:, None] + MAX_DISTANCE - 1
    relative = jnp.clip(relative, 0, 2 * MAX_DISTANCE - 2)
    # embedding-style gather: [S, S] indices into [2*max_distance-1, H] table -> [S, S, H]
    bias = jnp.take(bias_table, relative, axis=0)
    return jnp.transpose(bias, (2, 0, 1))

if __name__ == "__main__":
    import jax
    _d = setup_inputs()
    print(jax.jit(kernel)(*tuple(_d.values())))

</pallas_src>

<mosaic_0001>
#map = affine_map<(d0, d1) -> (0)>
#map1 = affine_map<(d0, d1) -> (0, 0)>
module attributes {stable_mosaic.version = 14 : i64} {
  func.func @_sc_body(%arg0: i32, %arg1: i32, %arg2: memref<16368xf32, #tpu.memory_space<hbm>>, %arg3: memref<128x4088xf32, #tpu.memory_space<hbm>>, %arg4: memref<16384xf32, #tpu.memory_space<vmem>>, %arg5: memref<4x4352xf32, #tpu.memory_space<vmem>>, %arg6: memref<!tpu.dma_semaphore, #tpu.memory_space<semaphore_mem>>) attributes {dimension_semantics = [#tpu.dimension_semantics<core_parallel>, #tpu.dimension_semantics<subcore_parallel>], iteration_bounds = array<i64: 2, 16>, scalar_prefetch = 0 : i64, scratch_operands = 3 : i64, tpu.core_type = #tpu.core_type<sc_vector_subcore>, window_params = [{transform_indices = #map}, {transform_indices = #map1}]} {
    "tpu.region"() ({
      %run_scoped3A = tpu.sem_alloc : memref<!tpu.dma_semaphore, #tpu.memory_space<semaphore_mem>>
      %dma_start3A_30 = arith.constant 0 : i32
      %dma_start3A_31 = tpu.memref_slice %arg4[%dma_start3A_30] : memref<16384xf32, #tpu.memory_space<vmem>> -> memref<16368xf32, #tpu.memory_space<vmem>>
      %dma_start3A_32 = arith.constant 0 : i32
      %dma_start3A_33 = tpu.memref_slice %arg4[%dma_start3A_32] : memref<16384xf32, #tpu.memory_space<vmem>> -> memref<16368xf32, #tpu.memory_space<vmem>>
      tpu.enqueue_dma source(%arg2 : memref<16368xf32, #tpu.memory_space<hbm>>) target(%dma_start3A_33 : memref<16368xf32, #tpu.memory_space<vmem>>) target_semaphore(%run_scoped3A : memref<!tpu.dma_semaphore, #tpu.memory_space<semaphore_mem>>)
      %dma_wait3A_34 = arith.constant 0 : i32
      %dma_wait3A_35 = tpu.memref_slice %arg4[%dma_wait3A_34] : memref<16384xf32, #tpu.memory_space<vmem>> -> memref<16368xf32, #tpu.memory_space<vmem>>
      %dma_wait3A_36 = arith.constant 0 : i32
      %dma_wait3A_37 = tpu.memref_slice %arg4[%dma_wait3A_36] : memref<16384xf32, #tpu.memory_space<vmem>> -> memref<16368xf32, #tpu.memory_space<vmem>>
      tpu.wait_dma2 semaphore(%run_scoped3A : memref<!tpu.dma_semaphore, #tpu.memory_space<semaphore_mem>>) src(%arg2 : memref<16368xf32, #tpu.memory_space<hbm>>) dst(%dma_wait3A_37 : memref<16368xf32, #tpu.memory_space<vmem>>)
      tpu.yield
    }) : () -> ()
    %iota3A = tpu.iota {dimensions = array<i32: 0>} : vector<16xi32>
    %mul3A = arith.constant 4 : i32
    %mul3A_0 = arith.muli %arg0, %mul3A : i32
    %sub3A = arith.constant 7 : i32
    %sub3A_1 = arith.subi %sub3A, %mul3A_0 : i32
    %scan3A = arith.constant 0 : i32
    %scan3A_2 = arith.constant 0 : i32
    %scan3A_3 = arith.constant 136 : i32
    %scan3A_4 = arith.addi %scan3A_2, %scan3A_3 : i32
    %scan3A_5 = arith.constant 1 : i32
    %scan3A_6 = scf.for %scan3A_30 = %scan3A_2 to %scan3A_4 step %scan3A_5 iter_args(%scan3A_31 = %scan3A) -> (i32)  : i32 {
      %mul3A_32 = arith.constant 32 : i32
      %mul3A_33 = arith.muli %scan3A_30, %mul3A_32 : i32
      %add3A_34 = arith.constant 0 : i32
      %add3A_35 = arith.addi %mul3A_33, %add3A_34 : i32
      %add3A_36 = vector.broadcast %add3A_35 : i32 to vector<16xi32>
      %add3A_37 = arith.addi %add3A_36, %iota3A : vector<16xi32>
      %sub3A_38 = arith.constant 0 : i32
      %sub3A_39 = arith.subi %sub3A_1, %sub3A_38 : i32
      %add3A_40 = vector.broadcast %sub3A_39 : i32 to vector<16xi32>
      %add3A_41 = arith.addi %add3A_37, %add3A_40 : vector<16xi32>
      %add3A_42 = arith.constant -1536 : i32
      %add3A_43 = vector.broadcast %add3A_42 : i32 to vector<16xi32>
      %add3A_44 = arith.addi %add3A_41, %add3A_43 : vector<16xi32>
      %jit3A = arith.constant 0 : i32
      %jit3A_45 = arith.constant 1022 : i32
      %max3A = vector.broadcast %jit3A : i32 to vector<16xi32>
      %max3A_46 = arith.maxsi %max3A, %add3A_44 : vector<16xi32>
      %min3A = vector.broadcast %jit3A_45 : i32 to vector<16xi32>
      %min3A_47 = arith.minsi %min3A, %max3A_46 : vector<16xi32>
      %mul3A_48 = arith.constant 16 : i32
      %mul3A_49 = vector.broadcast %mul3A_48 : i32 to vector<16xi32>
      %mul3A_50 = arith.muli %min3A_47, %mul3A_49 : vector<16xi32>
      %add3A_51 = vector.broadcast %arg1 : i32 to vector<16xi32>
      %add3A_52 = arith.addi %mul3A_50, %add3A_51 : vector<16xi32>
      %gather3A = tpu.vector_load_idx %arg4[%add3A_52] : memref<16384xf32, #tpu.memory_space<vmem>>[vector<16xi32>], vector<16xf32>,
      %swap3A = arith.constant 0 : i32
      %swap3A_53 = arith.index_cast %swap3A : i32 to index
      %swap3A_54 = arith.index_cast %add3A_35 : i32 to index
      %swap3A_55 = tpu.vector_load %arg5[%swap3A_53, %swap3A_54] {strides = array<i32>} : memref<4x4352xf32, #tpu.memory_space<vmem>>, vector<16xf32>,
      tpu.vector_store %arg5[%swap3A_53, %swap3A_54], %gather3A {strides = array<i32>} : memref<4x4352xf32, #tpu.memory_space<vmem>>, vector<16xf32>,
      %sub3A_56 = arith.constant 1 : i32
      %sub3A_57 = arith.subi %sub3A_1, %sub3A_56 : i32
      %add3A_58 = vector.broadcast %sub3A_57 : i32 to vector<16xi32>
      %add3A_59 = arith.addi %add3A_37, %add3A_58 : vector<16xi32>
      %add3A_60 = arith.constant -1536 : i32
      %add3A_61 = vector.broadcast %add3A_60 : i32 to vector<16xi32>
      %add3A_62 = arith.addi %add3A_59, %add3A_61 : vector<16xi32>
      %jit3A_63 = arith.constant 0 : i32
      %jit3A_64 = arith.constant 1022 : i32
      %max3A_65 = vector.broadcast %jit3A_63 : i32 to vector<16xi32>
      %max3A_66 = arith.maxsi %max3A_65, %add3A_62 : vector<16xi32>
      %min3A_67 = vector.broadcast %jit3A_64 : i32 to vector<16xi32>
      %min3A_68 = arith.minsi %min3A_67, %max3A_66 : vector<16xi32>
      %mul3A_69 = arith.constant 16 : i32
      %mul3A_70 = vector.broadcast %mul3A_69 : i32 to vector<16xi32>
      %mul3A_71 = arith.muli %min3A_68, %mul3A_70 : vector<16xi32>
      %add3A_72 = vector.broadcast %arg1 : i32 to vector<16xi32>
      %add3A_73 = arith.addi %mul3A_71, %add3A_72 : vector<16xi32>
      %gather3A_74 = tpu.vector_load_idx %arg4[%add3A_73] : memref<16384xf32, #tpu.memory_space<vmem>>[vector<16xi32>], vector<16xf32>,
      %swap3A_75 = arith.constant 1 : i32
      %swap3A_76 = arith.index_cast %swap3A_75 : i32 to index
      %swap3A_77 = arith.index_cast %add3A_35 : i32 to index
      %swap3A_78 = tpu.vector_load %arg5[%swap3A_76, %swap3A_77] {strides = array<i32>} : memref<4x4352xf32, #tpu.memory_space<vmem>>, vector<16xf32>,
      tpu.vector_store %arg5[%swap3A_76, %swap3A_77], %gather3A_74 {strides = array<i32>} : memref<4x4352xf32, #tpu.memory_space<vmem>>, vector<16xf32>,
      %sub3A_79 = arith.constant 2 : i32
      %sub3A_80 = arith.subi %sub3A_1, %sub3A_79 : i32
      %add3A_81 = vector.broadcast %sub3A_80 : i32 to vector<16xi32>
      %add3A_82 = arith.addi %add3A_37, %add3A_81 : vector<16xi32>
      %add3A_83 = arith.constant -1536 : i32
      %add3A_84 = vector.broadcast %add3A_83 : i32 to vector<16xi32>
      %add3A_85 = arith.addi %add3A_82, %add3A_84 : vector<16xi32>
      %jit3A_86 = arith.constant 0 : i32
      %jit3A_87 = arith.constant 1022 : i32
      %max3A_88 = vector.broadcast %jit3A_86 : i32 to vector<16xi32>
      %max3A_89 = arith.maxsi %max3A_88, %add3A_85 : vector<16xi32>
      %min3A_90 = vector.broadcast %jit3A_87 : i32 to vector<16xi32>
      %min3A_91 = arith.minsi %min3A_90, %max3A_89 : vector<16xi32>
      %mul3A_92 = arith.constant 16 : i32
      %mul3A_93 = vector.broadcast %mul3A_92 : i32 to vector<16xi32>
      %mul3A_94 = arith.muli %min3A_91, %mul3A_93 : vector<16xi32>
      %add3A_95 = vector.broadcast %arg1 : i32 to vector<16xi32>
      %add3A_96 = arith.addi %mul3A_94, %add3A_95 : vector<16xi32>
      %gather3A_97 = tpu.vector_load_idx %arg4[%add3A_96] : memref<16384xf32, #tpu.memory_space<vmem>>[vector<16xi32>], vector<16xf32>,
      %swap3A_98 = arith.constant 2 : i32
      %swap3A_99 = arith.index_cast %swap3A_98 : i32 to index
      %swap3A_100 = arith.index_cast %add3A_35 : i32 to index
      %swap3A_101 = tpu.vector_load %arg5[%swap3A_99, %swap3A_100] {strides = array<i32>} : memref<4x4352xf32, #tpu.memory_space<vmem>>, vector<16xf32>,
      tpu.vector_store %arg5[%swap3A_99, %swap3A_100], %gather3A_97 {strides = array<i32>} : memref<4x4352xf32, #tpu.memory_space<vmem>>, vector<16xf32>,
      %sub3A_102 = arith.constant 3 : i32
      %sub3A_103 = arith.subi %sub3A_1, %sub3A_102 : i32
      %add3A_104 = vector.broadcast %sub3A_103 : i32 to vector<16xi32>
      %add3A_105 = arith.addi %add3A_37, %add3A_104 : vector<16xi32>
      %add3A_106 = arith.constant -1536 : i32
      %add3A_107 = vector.broadcast %add3A_106 : i32 to vector<16xi32>
      %add3A_108 = arith.addi %add3A_105, %add3A_107 : vector<16xi32>
      %jit3A_109 = arith.constant 0 : i32
      %jit3A_110 = arith.constant 1022 : i32
      %max3A_111 = vector.broadcast %jit3A_109 : i32 to vector<16xi32>
      %max3A_112 = arith.maxsi %max3A_111, %add3A_108 : vector<16xi32>
      %min3A_113 = vector.broadcast %jit3A_110 : i32 to vector<16xi32>
      %min3A_114 = arith.minsi %min3A_113, %max3A_112 : vector<16xi32>
      %mul3A_115 = arith.constant 16 : i32
      %mul3A_116 = vector.broadcast %mul3A_115 : i32 to vector<16xi32>
      %mul3A_117 = arith.muli %min3A_114, %mul3A_116 : vector<16xi32>
      %add3A_118 = vector.broadcast %arg1 : i32 to vector<16xi32>
      %add3A_119 = arith.addi %mul3A_117, %add3A_118 : vector<16xi32>
      %gather3A_120 = tpu.vector_load_idx %arg4[%add3A_119] : memref<16384xf32, #tpu.memory_space<vmem>>[vector<16xi32>], vector<16xf32>,
      %swap3A_121 = arith.constant 3 : i32
      %swap3A_122 = arith.index_cast %swap3A_121 : i32 to index
      %swap3A_123 = arith.index_cast %add3A_35 : i32 to index
      %swap3A_124 = tpu.vector_load %arg5[%swap3A_122, %swap3A_123] {strides = array<i32>} : memref<4x4352xf32, #tpu.memory_space<vmem>>, vector<16xf32>,
      tpu.vector_store %arg5[%swap3A_122, %swap3A_123], %gather3A_120 {strides = array<i32>} : memref<4x4352xf32, #tpu.memory_space<vmem>>, vector<16xf32>,
      %add3A_125 = arith.constant 16 : i32
      %add3A_126 = arith.addi %mul3A_33, %add3A_125 : i32
      %add3A_127 = vector.broadcast %add3A_126 : i32 to vector<16xi32>
      %add3A_128 = arith.addi %add3A_127, %iota3A : vector<16xi32>
      %sub3A_129 = arith.constant 0 : i32
      %sub3A_130 = arith.subi %sub3A_1, %sub3A_129 : i32
      %add3A_131 = vector.broadcast %sub3A_130 : i32 to vector<16xi32>
      %add3A_132 = arith.addi %add3A_128, %add3A_131 : vector<16xi32>
      %add3A_133 = arith.constant -1536 : i32
      %add3A_134 = vector.broadcast %add3A_133 : i32 to vector<16xi32>
      %add3A_135 = arith.addi %add3A_132, %add3A_134 : vector<16xi32>
      %jit3A_136 = arith.constant 0 : i32
      %jit3A_137 = arith.constant 1022 : i32
      %max3A_138 = vector.broadcast %jit3A_136 : i32 to vector<16xi32>
      %max3A_139 = arith.maxsi %max3A_138, %add3A_135 : vector<16xi32>
      %min3A_140 = vector.broadcast %jit3A_137 : i32 to vector<16xi32>
      %min3A_141 = arith.minsi %min3A_140, %max3A_139 : vector<16xi32>
      %mul3A_142 = arith.constant 16 : i32
      %mul3A_143 = vector.broadcast %mul3A_142 : i32 to vector<16xi32>
      %mul3A_144 = arith.muli %min3A_141, %mul3A_143 : vector<16xi32>
      %add3A_145 = vector.broadcast %arg1 : i32 to vector<16xi32>
      %add3A_146 = arith.addi %mul3A_144, %add3A_145 : vector<16xi32>
      %gather3A_147 = tpu.vector_load_idx %arg4[%add3A_146] : memref<16384xf32, #tpu.memory_space<vmem>>[vector<16xi32>], vector<16xf32>,
      %swap3A_148 = arith.constant 0 : i32
      %swap3A_149 = arith.index_cast %swap3A_148 : i32 to index
      %swap3A_150 = arith.index_cast %add3A_126 : i32 to index
      %swap3A_151 = tpu.vector_load %arg5[%swap3A_149, %swap3A_150] {strides = array<i32>} : memref<4x4352xf32, #tpu.memory_space<vmem>>, vector<16xf32>,
      tpu.vector_store %arg5[%swap3A_149, %swap3A_150], %gather3A_147 {strides = array<i32>} : memref<4x4352xf32, #tpu.memory_space<vmem>>, vector<16xf32>,
      %sub3A_152 = arith.constant 1 : i32
      %sub3A_153 = arith.subi %sub3A_1, %sub3A_152 : i32
      %add3A_154 = vector.broadcast %sub3A_153 : i32 to vector<16xi32>
      %add3A_155 = arith.addi %add3A_128, %add3A_154 : vector<16xi32>
      %add3A_156 = arith.constant -1536 : i32
      %add3A_157 = vector.broadcast %add3A_156 : i32 to vector<16xi32>
      %add3A_158 = arith.addi %add3A_155, %add3A_157 : vector<16xi32>
      %jit3A_159 = arith.constant 0 : i32
      %jit3A_160 = arith.constant 1022 : i32
      %max3A_161 = vector.broadcast %jit3A_159 : i32 to vector<16xi32>
      %max3A_162 = arith.maxsi %max3A_161, %add3A_158 : vector<16xi32>
      %min3A_163 = vector.broadcast %jit3A_160 : i32 to vector<16xi32>
      %min3A_164 = arith.minsi %min3A_163, %max3A_162 : vector<16xi32>
      %mul3A_165 = arith.constant 16 : i32
      %mul3A_166 = vector.broadcast %mul3A_165 : i32 to vector<16xi32>
      %mul3A_167 = arith.muli %min3A_164, %mul3A_166 : vector<16xi32>
      %add3A_168 = vector.broadcast %arg1 : i32 to vector<16xi32>
      %add3A_169 = arith.addi %mul3A_167, %add3A_168 : vector<16xi32>
      %gather3A_170 = tpu.vector_load_idx %arg4[%add3A_169] : memref<16384xf32, #tpu.memory_space<vmem>>[vector<16xi32>], vector<16xf32>,
      %swap3A_171 = arith.constant 1 : i32
      %swap3A_172 = arith.index_cast %swap3A_171 : i32 to index
      %swap3A_173 = arith.index_cast %add3A_126 : i32 to index
      %swap3A_174 = tpu.vector_load %arg5[%swap3A_172, %swap3A_173] {strides = array<i32>} : memref<4x4352xf32, #tpu.memory_space<vmem>>, vector<16xf32>,
      tpu.vector_store %arg5[%swap3A_172, %swap3A_173], %gather3A_170 {strides = array<i32>} : memref<4x4352xf32, #tpu.memory_space<vmem>>, vector<16xf32>,
      %sub3A_175 = arith.constant 2 : i32
      %sub3A_176 = arith.subi %sub3A_1, %sub3A_175 : i32
      %add3A_177 = vector.broadcast %sub3A_176 : i32 to vector<16xi32>
      %add3A_178 = arith.addi %add3A_128, %add3A_177 : vector<16xi32>
      %add3A_179 = arith.constant -1536 : i32
      %add3A_180 = vector.broadcast %add3A_179 : i32 to vector<16xi32>
      %add3A_181 = arith.addi %add3A_178, %add3A_180 : vector<16xi32>
      %jit3A_182 = arith.constant 0 : i32
      %jit3A_183 = arith.constant 1022 : i32
      %max3A_184 = vector.broadcast %jit3A_182 : i32 to vector<16xi32>
      %max3A_185 = arith.maxsi %max3A_184, %add3A_181 : vector<16xi32>
      %min3A_186 = vector.broadcast %jit3A_183 : i32 to vector<16xi32>
      %min3A_187 = arith.minsi %min3A_186, %max3A_185 : vector<16xi32>
      %mul3A_188 = arith.constant 16 : i32
      %mul3A_189 = vector.broadcast %mul3A_188 : i32 to vector<16xi32>
      %mul3A_190 = arith.muli %min3A_187, %mul3A_189 : vector<16xi32>
      %add3A_191 = vector.broadcast %arg1 : i32 to vector<16xi32>
      %add3A_192 = arith.addi %mul3A_190, %add3A_191 : vector<16xi32>
      %gather3A_193 = tpu.vector_load_idx %arg4[%add3A_192] : memref<16384xf32, #tpu.memory_space<vmem>>[vector<16xi32>], vector<16xf32>,
      %swap3A_194 = arith.constant 2 : i32
      %swap3A_195 = arith.index_cast %swap3A_194 : i32 to index
      %swap3A_196 = arith.index_cast %add3A_126 : i32 to index
      %swap3A_197 = tpu.vector_load %arg5[%swap3A_195, %swap3A_196] {strides = array<i32>} : memref<4x4352xf32, #tpu.memory_space<vmem>>, vector<16xf32>,
      tpu.vector_store %arg5[%swap3A_195, %swap3A_196], %gather3A_193 {strides = array<i32>} : memref<4x4352xf32, #tpu.memory_space<vmem>>, vector<16xf32>,
      %sub3A_198 = arith.constant 3 : i32
      %sub3A_199 = arith.subi %sub3A_1, %sub3A_198 : i32
      %add3A_200 = vector.broadcast %sub3A_199 : i32 to vector<16xi32>
      %add3A_201 = arith.addi %add3A_128, %add3A_200 : vector<16xi32>
      %add3A_202 = arith.constant -1536 : i32
      %add3A_203 = vector.broadcast %add3A_202 : i32 to vector<16xi32>
      %add3A_204 = arith.addi %add3A_201, %add3A_203 : vector<16xi32>
      %jit3A_205 = arith.constant 0 : i32
      %jit3A_206 = arith.constant 1022 : i32
      %max3A_207 = vector.broadcast %jit3A_205 : i32 to vector<16xi32>
      %max3A_208 = arith.maxsi %max3A_207, %add3A_204 : vector<16xi32>
      %min3A_209 = vector.broadcast %jit3A_206 : i32 to vector<16xi32>
      %min3A_210 = arith.minsi %min3A_209, %max3A_208 : vector<16xi32>
      %mul3A_211 = arith.constant 16 : i32
      %mul3A_212 = vector.broadcast %mul3A_211 : i32 to vector<16xi32>
      %mul3A_213 = arith.muli %min3A_210, %mul3A_212 : vector<16xi32>
      %add3A_214 = vector.broadcast %arg1 : i32 to vector<16xi32>
      %add3A_215 = arith.addi %mul3A_213, %add3A_214 : vector<16xi32>
      %gather3A_216 = tpu.vector_load_idx %arg4[%add3A_215] : memref<16384xf32, #tpu.memory_space<vmem>>[vector<16xi32>], vector<16xf32>,
      %swap3A_217 = arith.constant 3 : i32
      %swap3A_218 = arith.index_cast %swap3A_217 : i32 to index
      %swap3A_219 = arith.index_cast %add3A_126 : i32 to index
      %swap3A_220 = tpu.vector_load %arg5[%swap3A_218, %swap3A_219] {strides = array<i32>} : memref<4x4352xf32, #tpu.memory_space<vmem>>, vector<16xf32>,
      tpu.vector_store %arg5[%swap3A_218, %swap3A_219], %gather3A_216 {strides = array<i32>} : memref<4x4352xf32, #tpu.memory_space<vmem>>, vector<16xf32>,
      %scan3A_221 = arith.constant 0 : i32
      scf.yield %scan3A_221 : i32
    }
    %scan3A_7 = arith.constant 136 : i32
    %mul3A_8 = arith.constant 8 : i32
    %mul3A_9 = arith.muli %arg1, %mul3A_8 : i32
    %add3A = arith.addi %mul3A_9, %mul3A_0 : i32
    %dma_start3A = arith.constant 0 : i32
    %dma_start3A_10 = arith.constant 0 : i32
    %dma_start3A_11 = tpu.memref_slice %arg5[%dma_start3A, %dma_start3A_10] : memref<4x4352xf32, #tpu.memory_space<vmem>> -> memref<4x4088xf32, #tpu.memory_space<vmem>>
    %dma_start3A_12 = arith.constant 0 : i32
    %dma_start3A_13 = tpu.memref_slice %arg3[%add3A, %dma_start3A_12] : memref<128x4088xf32, #tpu.memory_space<hbm>> -> memref<4x4088xf32, #tpu.memory_space<hbm>>
    %dma_start3A_14 = arith.constant 0 : i32
    %dma_start3A_15 = tpu.memref_slice %arg3[%add3A, %dma_start3A_14] : memref<128x4088xf32, #tpu.memory_space<hbm>> -> memref<4x4088xf32, #tpu.memory_space<hbm>>
    %dma_start3A_16 = arith.constant 0 : i32
    %dma_start3A_17 = arith.constant 0 : i32
    %dma_start3A_18 = tpu.memref_slice %arg5[%dma_start3A_16, %dma_start3A_17] : memref<4x4352xf32, #tpu.memory_space<vmem>> -> memref<4x4088xf32, #tpu.memory_space<vmem>>
    tpu.enqueue_dma source(%dma_start3A_18 : memref<4x4088xf32, #tpu.memory_space<vmem>>) target(%dma_start3A_15 : memref<4x4088xf32, #tpu.memory_space<hbm>>) target_semaphore(%arg6 : memref<!tpu.dma_semaphore, #tpu.memory_space<semaphore_mem>>)
    %dma_wait3A = arith.constant 0 : i32
    %dma_wait3A_19 = arith.constant 0 : i32
    %dma_wait3A_20 = tpu.memref_slice %arg5[%dma_wait3A, %dma_wait3A_19] : memref<4x4352xf32, #tpu.memory_space<vmem>> -> memref<4x4088xf32, #tpu.memory_space<vmem>>
    %dma_wait3A_21 = arith.constant 0 : i32
    %dma_wait3A_22 = arith.constant 0 : i32
    %dma_wait3A_23 = tpu.memref_slice %arg3[%dma_wait3A_21, %dma_wait3A_22] : memref<128x4088xf32, #tpu.memory_space<hbm>> -> memref<4x4088xf32, #tpu.memory_space<hbm>>
    %dma_wait3A_24 = arith.constant 0 : i32
    %dma_wait3A_25 = arith.constant 0 : i32
    %dma_wait3A_26 = tpu.memref_slice %arg5[%dma_wait3A_24, %dma_wait3A_25] : memref<4x4352xf32, #tpu.memory_space<vmem>> -> memref<4x4088xf32, #tpu.memory_space<vmem>>
    %dma_wait3A_27 = arith.constant 0 : i32
    %dma_wait3A_28 = arith.constant 0 : i32
    %dma_wait3A_29 = tpu.memref_slice %arg3[%dma_wait3A_27, %dma_wait3A_28] : memref<128x4088xf32, #tpu.memory_space<hbm>> -> memref<4x4088xf32, #tpu.memory_space<hbm>>
    tpu.wait_dma2 semaphore(%arg6 : memref<!tpu.dma_semaphore, #tpu.memory_space<semaphore_mem>>) src(%dma_wait3A_29 : memref<4x4088xf32, #tpu.memory_space<hbm>>) dst(%dma_wait3A_26 : memref<4x4088xf32, #tpu.memory_space<vmem>>)
    return
  }
}

module attributes {stable_mosaic.version = 14 : i64} {
  func.func @_tc_body(%arg0: i32, %arg1: memref<8x4088xf32, #tpu.memory_space<vmem>>, %arg2: memref<1x2048x2048xf32, #tpu.memory_space<vmem>>) attributes {dimension_semantics = [#tpu.dimension_semantics<arbitrary>], iteration_bounds = array<i64: 16>, scalar_prefetch = 0 : i64, scratch_operands = 0 : i64, tpu.core_type = #tpu.core_type<tc>, window_params = [{transform_indices = @transform_0, window_bounds = array<i64: 8, 4088>}, {transform_indices = @transform_1, window_bounds = array<i64: 1, 2048, 2048>}]} {
    %get3A = arith.constant 0 : index
    %get3A_0 = arith.constant 2040 : index
    %get3A_1 = vector.load %arg1[%get3A, %get3A_0] : memref<8x4088xf32, #tpu.memory_space<vmem>>, vector<8x2048xf32>
    %swap3A = arith.constant 0 : index
    %swap3A_2 = arith.constant 0 : index
    %swap3A_3 = arith.constant 0 : index
    %swap3A_4 = vector.load %arg2[%swap3A, %swap3A_2, %swap3A_3] : memref<1x2048x2048xf32, #tpu.memory_space<vmem>>, vector<1x8x2048xf32>
    %swap3A_5 = vector.shape_cast %swap3A_4 : vector<1x8x2048xf32> to vector<8x2048xf32>
    %swap3A_6 = vector.shape_cast %get3A_1 : vector<8x2048xf32> to vector<1x8x2048xf32>
    tpu.vector_store %arg2[%swap3A, %swap3A_2, %swap3A_3], %swap3A_6 {strides = array<i32>} : memref<1x2048x2048xf32, #tpu.memory_space<vmem>>, vector<1x8x2048xf32>,
    %get3A_7 = arith.constant 0 : index
    %get3A_8 = arith.constant 2032 : index
    %get3A_9 = vector.load %arg1[%get3A_7, %get3A_8] : memref<8x4088xf32, #tpu.memory_space<vmem>>, vector<8x2048xf32>
    %swap3A_10 = arith.constant 0 : index
    %swap3A_11 = arith.constant 8 : index
    %swap3A_12 = arith.constant 0 : index
    %swap3A_13 = vector.load %arg2[%swap3A_10, %swap3A_11, %swap3A_12] : memref<1x2048x2048xf32, #tpu.memory_space<vmem>>, vector<1x8x2048xf32>
    %swap3A_14 = vector.shape_cast %swap3A_13 : vector<1x8x2048xf32> to vector<8x2048xf32>
    %swap3A_15 = vector.shape_cast %get3A_9 : vector<8x2048xf32> to vector<1x8x2048xf32>
    tpu.vector_store %arg2[%swap3A_10, %swap3A_11, %swap3A_12], %swap3A_15 {strides = array<i32>} : memref<1x2048x2048xf32, #tpu.memory_space<vmem>>, vector<1x8x2048xf32>,
    %get3A_16 = arith.constant 0 : index
    %get3A_17 = arith.constant 2024 : index
    %get3A_18 = vector.load %arg1[%get3A_16, %get3A_17] : memref<8x4088xf32, #tpu.memory_space<vmem>>, vector<8x2048xf32>
    %swap3A_19 = arith.constant 0 : index
    %swap3A_20 = arith.constant 16 : index
    %swap3A_21 = arith.constant 0 : index
    %swap3A_22 = vector.load %arg2[%swap3A_19, %swap3A_20, %swap3A_21] : memref<1x2048x2048xf32, #tpu.memory_space<vmem>>, vector<1x8x2048xf32>
    %swap3A_23 = vector.shape_cast %swap3A_22 : vector<1x8x2048xf32> to vector<8x2048xf32>
    %swap3A_24 = vector.shape_cast %get3A_18 : vector<8x2048xf32> to vector<1x8x2048xf32>
    tpu.vector_store %arg2[%swap3A_19, %swap3A_20, %swap3A_21], %swap3A_24 {strides = array<i32>} : memref<1x2048x2048xf32, #tpu.memory_space<vmem>>, vector<1x8x2048xf32>,
    %get3A_25 = arith.constant 0 : index
    %get3A_26 = arith.constant 2016 : index
    %get3A_27 = vector.load %arg1[%get3A_25, %get3A_26] : memref<8x4088xf32, #tpu.memory_space<vmem>>, vector<8x2048xf32>
    %swap3A_28 = arith.constant 0 : index
    %swap3A_29 = arith.constant 24 : index
    %swap3A_30 = arith.constant 0 : index
    %swap3A_31 = vector.load %arg2[%swap3A_28, %swap3A_29, %swap3A_30] : memref<1x2048x2048xf32, #tpu.memory_space<vmem>>, vector<1x8x2048xf32>
    %swap3A_32 = vector.shape_cast %swap3A_31 : vector<1x8x2048xf32> to vector<8x2048xf32>
    %swap3A_33 = vector.shape_cast %get3A_27 : vector<8x2048xf32> to vector<1x8x2048xf32>
    tpu.vector_store %arg2[%swap3A_28, %swap3A_29, %swap3A_30], %swap3A_33 {strides = array<i32>} : memref<1x2048x2048xf32, #tpu.memory_space<vmem>>, vector<1x8x2048xf32>,
    %get3A_34 = arith.constant 0 : index
    %get3A_35 = arith.constant 2008 : index
    %get3A_36 = vector.load %arg1[%get3A_34, %get3A_35] : memref<8x4088xf32, #tpu.memory_space<vmem>>, vector<8x2048xf32>
    %swap3A_37 = arith.constant 0 : index
    %swap3A_38 = arith.constant 32 : index
    %swap3A_39 = arith.constant 0 : index
    %swap3A_40 = vector.load %arg2[%swap3A_37, %swap3A_38, %swap3A_39] : memref<1x2048x2048xf32, #tpu.memory_space<vmem>>, vector<1x8x2048xf32>
    %swap3A_41 = vector.shape_cast %swap3A_40 : vector<1x8x2048xf32> to vector<8x2048xf32>
    %swap3A_42 = vector.shape_cast %get3A_36 : vector<8x2048xf32> to vector<1x8x2048xf32>
    tpu.vector_store %arg2[%swap3A_37, %swap3A_38, %swap3A_39], %swap3A_42 {strides = array<i32>} : memref<1x2048x2048xf32, #tpu.memory_space<vmem>>, vector<1x8x2048xf32>,
    %get3A_43 = arith.constant 0 : index
    %get3A_44 = arith.constant 2000 : index
    %get3A_45 = vector.load %arg1[%get3A_43, %get3A_44] : memref<8x4088xf32, #tpu.memory_space<vmem>>, vector<8x2048xf32>
    %swap3A_46 = arith.constant 0 : index
    %swap3A_47 = arith.constant 40 : index
    %swap3A_48 = arith.constant 0 : index
    %swap3A_49 = vector.load %arg2[%swap3A_46, %swap3A_47, %swap3A_48] : memref<1x2048x2048xf32, #tpu.memory_space<vmem>>, vector<1x8x2048xf32>
    %swap3A_50 = vector.shape_cast %swap3A_49 : vector<1x8x2048xf32> to vector<8x2048xf32>
    %swap3A_51 = vector.shape_cast %get3A_45 : vector<8x2048xf32> to vector<1x8x2048xf32>
    tpu.vector_store %arg2[%swap3A_46, %swap3A_47, %swap3A_48], %swap3A_51 {strides = array<i32>} : memref<1x2048x2048xf32, #tpu.memory_space<vmem>>, vector<1x8x2048xf32>,
    %get3A_52 = arith.constant 0 : index
    %get3A_53 = arith.constant 1992 : index
    %get3A_54 = vector.load %arg1[%get3A_52, %get3A_53] : memref<8x4088xf32, #tpu.memory_space<vmem>>, vector<8x2048xf32>
    %swap3A_55 = arith.constant 0 : index
    %swap3A_56 = arith.constant 48 : index
    %swap3A_57 = arith.constant 0 : index
    %swap3A_58 = vector.load %arg2[%swap3A_55, %swap3A_56, %swap3A_57] : memref<1x2048x2048xf32, #tpu.memory_space<vmem>>, vector<1x8x2048xf32>
    %swap3A_59 = vector.shape_cast %swap3A_58 : vector<1x8x2048xf32> to vector<8x2048xf32>
    %swap3A_60 = vector.shape_cast %get3A_54 : vector<8x2048xf32> to vector<1x8x2048xf32>
    tpu.vector_store %arg2[%swap3A_55, %swap3A_56, %swap3A_57], %swap3A_60 {strides = array<i32>} : memref<1x2048x2048xf32, #tpu.memory_space<vmem>>, vector<1x8x2048xf32>,
    %get3A_61 = arith.constant 0 : index
    %get3A_62 = arith.constant 1984 : index
    %get3A_63 = vector.load %arg1[%get3A_61, %get3A_62] : memref<8x4088xf32, #tpu.memory_space<vmem>>, vector<8x2048xf32>
    %swap3A_64 = arith.constant 0 : index
    %swap3A_65 = arith.constant 56 : index
    %swap3A_66 = arith.constant 0 : index
    %swap3A_67 = vector.load %arg2[%swap3A_64, %swap3A_65, %swap3A_66] : memref<1x2048x2048xf32, #tpu.memory_space<vmem>>, vector<1x8x2048xf32>
    %swap3A_68 = vector.shape_cast %swap3A_67 : vector<1x8x2048xf32> to vector<8x2048xf32>
    %swap3A_69 = vector.shape_cast %get3A_63 : vector<8x2048xf32> to vector<1x8x2048xf32>
    tpu.vector_store %arg2[%swap3A_64, %swap3A_65, %swap3A_66], %swap3A_69 {strides = array<i32>} : memref<1x2048x2048xf32, #tpu.memory_space<vmem>>, vector<1x8x2048xf32>,
    %get3A_70 = arith.constant 0 : index
    %get3A_71 = arith.constant 1976 : index
    %get3A_72 = vector.load %arg1[%get3A_70, %get3A_71] : memref<8x4088xf32, #tpu.memory_space<vmem>>, vector<8x2048xf32>
    %swap3A_73 = arith.constant 0 : index
    %swap3A_74 = arith.constant 64 : index
    %swap3A_75 = arith.constant 0 : index
    %swap3A_76 = vector.load %arg2[%swap3A_73, %swap3A_74, %swap3A_75] : memref<1x2048x2048xf32, #tpu.memory_space<vmem>>, vector<1x8x2048xf32>
    %swap3A_77 = vector.shape_cast %swap3A_76 : vector<1x8x2048xf32> to vector<8x2048xf32>
    %swap3A_78 = vector.shape_cast %get3A_72 : vector<8x2048xf32> to vector<1x8x2048xf32>
    tpu.vector_store %arg2[%swap3A_73, %swap3A_74, %swap3A_75], %swap3A_78 {strides = array<i32>} : memref<1x2048x2048xf32, #tpu.memory_space<vmem>>, vector<1x8x2048xf32>,
    %get3A_79 = arith.constant 0 : index
    %get3A_80 = arith.constant 1968 : index
    %get3A_81 = vector.load %arg1[%get3A_79, %get3A_80] : memref<8x4088xf32, #tpu.memory_space<vmem>>, vector<8x2048xf32>
    %swap3A_82 = arith.constant 0 : index
    %swap3A_83 = arith.constant 72 : index
    %swap3A_84 = arith.constant 0 : index
    %swap3A_85 = vector.load %arg2[%swap3A_82, %swap3A_83, %swap3A_84] : memref<1x2048x2048xf32, #tpu.memory_space<vmem>>, vector<1x8x2048xf32>
    %swap3A_86 = vector.shape_cast %swap3A_85 : vector<1x8x2048xf32> to vector<8x2048xf32>
    %swap3A_87 = vector.shape_cast %get3A_81 : vector<8x2048xf32> to vector<1x8x2048xf32>
    tpu.vector_store %arg2[%swap3A_82, %swap3A_83, %swap3A_84], %swap3A_87 {strides = array<i32>} : memref<1x2048x2048xf32, #tpu.memory_space<vmem>>, vector<1x8x2048xf32>,
    %get3A_88 = arith.constant 0 : index
    %get3A_89 = arith.constant 1960 : index
    %get3A_90 = vector.load %arg1[%get3A_88, %get3A_89] : memref<8x4088xf32, #tpu.memory_space<vmem>>, vector<8x2048xf32>
    %swap3A_91 = arith.constant 0 : index
    %swap3A_92 = arith.constant 80 : index
    %swap3A_93 = arith.constant 0 : index
    %swap3A_94 = vector.load %arg2[%swap3A_91, %swap3A_92, %swap3A_93] : memref<1x2048x2048xf32, #tpu.memory_space<vmem>>, vector<1x8x2048xf32>
    %swap3A_95 = vector.shape_cast %swap3A_94 : vector<1x8x2048xf32> to vector<8x2048xf32>
    %swap3A_96 = vector.shape_cast %get3A_90 : vector<8x2048xf32> to vector<1x8x2048xf32>
    tpu.vector_store %arg2[%swap3A_91, %swap3A_92, %swap3A_93], %swap3A_96 {strides = array<i32>} : memref<1x2048x2048xf32, #tpu.memory_space<vmem>>, vector<1x8x2048xf32>,
    %get3A_97 = arith.constant 0 : index
    %get3A_98 = arith.constant 1952 : index
    %get3A_99 = vector.load %arg1[%get3A_97, %get3A_98] : memref<8x4088xf32, #tpu.memory_space<vmem>>, vector<8x2048xf32>
    %swap3A_100 = arith.constant 0 : index
    %swap3A_101 = arith.constant 88 : index
    %swap3A_102 = arith.constant 0 : index
    %swap3A_103 = vector.load %arg2[%swap3A_100, %swap3A_101, %swap3A_102] : memref<1x2048x2048xf32, #tpu.memory_space<vmem>>, vector<1x8x2048xf32>
    %swap3A_104 = vector.shape_cast %swap3A_103 : vector<1x8x2048xf32> to vector<8x2048xf32>
    %swap3A_105 = vector.shape_cast %get3A_99 : vector<8x2048xf32> to vector<1x8x2048xf32>
    tpu.vector_store %arg2[%swap3A_100, %swap3A_101, %swap3A_102], %swap3A_105 {strides = array<i32>} : memref<1x2048x2048xf32, #tpu.memory_space<vmem>>, vector<1x8x2048xf32>,
    %get3A_106 = arith.constant 0 : index
    %get3A_107 = arith.constant 1944 : index
    %get3A_108 = vector.load %arg1[%get3A_106, %get3A_107] : memref<8x4088xf32, #tpu.memory_space<vmem>>, vector<8x2048xf32>
    %swap3A_109 = arith.constant 0 : index
    %swap3A_110 = arith.constant 96 : index
    %swap3A_111 = arith.constant 0 : index
    %swap3A_112 = vector.load %arg2[%swap3A_109, %swap3A_110, %swap3A_111] : memref<1x2048x2048xf32, #tpu.memory_space<vmem>>, vector<1x8x2048xf32>
    %swap3A_113 = vector.shape_cast %swap3A_112 : vector<1x8x2048xf32> to vector<8x2048xf32>
    %swap3A_114 = vector.shape_cast %get3A_108 : vector<8x2048xf32> to vector<1x8x2048xf32>
    tpu.vector_store %arg2[%swap3A_109, %swap3A_110, %swap3A_111], %swap3A_114 {strides = array<i32>} : memref<1x2048x2048xf32, #tpu.memory_space<vmem>>, vector<1x8x2048xf32>,
    %get3A_115 = arith.constant 0 : index
    %get3A_116 = arith.constant 1936 : index
    %get3A_117 = vector.load %arg1[%get3A_115, %get3A_116] : memref<8x4088xf32, #tpu.memory_space<vmem>>, vector<8x2048xf32>
    %swap3A_118 = arith.constant 0 : index
    %swap3A_119 = arith.constant 104 : index
    %swap3A_120 = arith.constant 0 : index
    %swap3A_121 = vector.load %arg2[%swap3A_118, %swap3A_119, %swap3A_120] : memref<1x2048x2048xf32, #tpu.memory_space<vmem>>, vector<1x8x2048xf32>
    %swap3A_122 = vector.shape_cast %swap3A_121 : vector<1x8x2048xf32> to vector<8x2048xf32>
    %swap3A_123 = vector.shape_cast %get3A_117 : vector<8x2048xf32> to vector<1x8x2048xf32>
    tpu.vector_store %arg2[%swap3A_118, %swap3A_119, %swap3A_120], %swap3A_123 {strides = array<i32>} : memref<1x2048x2048xf32, #tpu.memory_space<vmem>>, vector<1x8x2048xf32>,
    %get3A_124 = arith.constant 0 : index
    %get3A_125 = arith.constant 1928 : index
    %get3A_126 = vector.load %arg1[%get3A_124, %get3A_125] : memref<8x4088xf32, #tpu.memory_space<vmem>>, vector<8x2048xf32>
    %swap3A_127 = arith.constant 0 : index
    %swap3A_128 = arith.constant 112 : index
    %swap3A_129 = arith.constant 0 : index
    %swap3A_130 = vector.load %arg2[%swap3A_127, %swap3A_128, %swap3A_129] : memref<1x2048x2048xf32, #tpu.memory_space<vmem>>, vector<1x8x2048xf32>
    %swap3A_131 = vector.shape_cast %swap3A_130 : vector<1x8x2048xf32> to vector<8x2048xf32>
    %swap3A_132 = vector.shape_cast %get3A_126 : vector<8x2048xf32> to vector<1x8x2048xf32>
    tpu.vector_store %arg2[%swap3A_127, %swap3A_128, %swap3A_129], %swap3A_132 {strides = array<i32>} : memref<1x2048x2048xf32, #tpu.memory_space<vmem>>, vector<1x8x2048xf32>,
    %get3A_133 = arith.constant 0 : index
    %get3A_134 = arith.constant 1920 : index
    %get3A_135 = vector.load %arg1[%get3A_133, %get3A_134] : memref<8x4088xf32, #tpu.memory_space<vmem>>, vector<8x2048xf32>
    %swap3A_136 = arith.constant 0 : index
    %swap3A_137 = arith.constant 120 : index
    %swap3A_138 = arith.constant 0 : index
    %swap3A_139 = vector.load %arg2[%swap3A_136, %swap3A_137, %swap3A_138] : memref<1x2048x2048xf32, #tpu.memory_space<vmem>>, vector<1x8x2048xf32>
    %swap3A_140 = vector.shape_cast %swap3A_139 : vector<1x8x2048xf32> to vector<8x2048xf32>
    %swap3A_141 = vector.shape_cast %get3A_135 : vector<8x2048xf32> to vector<1x8x2048xf32>
    tpu.vector_store %arg2[%swap3A_136, %swap3A_137, %swap3A_138], %swap3A_141 {strides = array<i32>} : memref<1x2048x2048xf32, #tpu.memory_space<vmem>>, vector<1x8x2048xf32>,
    %get3A_142 = arith.constant 0 : index
    %get3A_143 = arith.constant 1912 : index
    %get3A_144 = vector.load %arg1[%get3A_142, %get3A_143] : memref<8x4088xf32, #tpu.memory_space<vmem>>, vector<8x2048xf32>
    %swap3A_145 = arith.constant 0 : index
    %swap3A_146 = arith.constant 128 : index
    %swap3A_147 = arith.constant 0 : index
    %swap3A_148 = vector.load %arg2[%swap3A_145, %swap3A_146, %swap3A_147] : memref<1x2048x2048xf32, #tpu.memory_space<vmem>>, vector<1x8x2048xf32>
    %swap3A_149 = vector.shape_cast %swap3A_148 : vector<1x8x2048xf32> to vector<8x2048xf32>
    %swap3A_150 = vector.shape_cast %get3A_144 : vector<8x2048xf32> to vector<1x8x2048xf32>
    tpu.vector_store %arg2[%swap3A_145, %swap3A_146, %swap3A_147], %swap3A_150 {strides = array<i32>} : memref<1x2048x2048xf32, #tpu.memory_space<vmem>>, vector<1x8x2048xf32>,
    %get3A_151 = arith.constant 0 : index
    %get3A_152 = arith.constant 1904 : index
    %get3A_153 = vector.load %arg1[%get3A_151, %get3A_152] : memref<8x4088xf32, #tpu.memory_space<vmem>>, vector<8x2048xf32>
    %swap3A_154 = arith.constant 0 : index
    %swap3A_155 = arith.constant 136 : index
    %swap3A_156 = arith.constant 0 : index
    %swap3A_157 = vector.load %arg2[%swap3A_154, %swap3A_155, %swap3A_156] : memref<1x2048x2048xf32, #tpu.memory_space<vmem>>, vector<1x8x2048xf32>
    %swap3A_158 = vector.shape_cast %swap3A_157 : vector<1x8x2048xf32> to vector<8x2048xf32>
    %swap3A_159 = vector.shape_cast %get3A_153 : vector<8x2048xf32> to vector<1x8x2048xf32>
    tpu.vector_store %arg2[%swap3A_154, %swap3A_155, %swap3A_156], %swap3A_159 {strides = array<i32>} : memref<1x2048x2048xf32, #tpu.memory_space<vmem>>, vector<1x8x2048xf32>,
    %get3A_160 = arith.constant 0 : index
    %get3A_161 = arith.constant 1896 : index
    %get3A_162 = vector.load %arg1[%get3A_160, %get3A_161] : memref<8x4088xf32, #tpu.memory_space<vmem>>, vector<8x2048xf32>
    %swap3A_163 = arith.constant 0 : index
    %swap3A_164 = arith.constant 144 : index
    %swap3A_165 = arith.constant 0 : index
    %swap3A_166 = vector.load %arg2[%swap3A_163, %swap3A_164, %swap3A_165] : memref<1x2048x2048xf32, #tpu.memory_space<vmem>>, vector<1x8x2048xf32>
    %swap3A_167 = vector.shape_cast %swap3A_166 : vector<1x8x2048xf32> to vector<8x2048xf32>
    %swap3A_168 = vector.shape_cast %get3A_162 : vector<8x2048xf32> to vector<1x8x2048xf32>
    tpu.vector_store %arg2[%swap3A_163, %swap3A_164, %swap3A_165], %swap3A_168 {strides = array<i32>} : memref<1x2048x2048xf32, #tpu.memory_space<vmem>>, vector<1x8x2048xf32>,
    %get3A_169 = arith.constant 0 : index
    %get3A_170 = arith.constant 1888 : index
    %get3A_171 = vector.load %arg1[%get3A_169, %get3A_170] : memref<8x4088xf32, #tpu.memory_space<vmem>>, vector<8x2048xf32>
    %swap3A_172 = arith.constant 0 : index
    %swap3A_173 = arith.constant 152 : index
    %swap3A_174 = arith.constant 0 : index
    %swap3A_175 = vector.load %arg2[%swap3A_172, %swap3A_173, %swap3A_174] : memref<1x2048x2048xf32, #tpu.memory_space<vmem>>, vector<1x8x2048xf32>
    %swap3A_176 = vector.shape_cast %swap3A_175 : vector<1x8x2048xf32> to vector<8x2048xf32>
    %swap3A_177 = vector.shape_cast %get3A_171 : vector<8x2048xf32> to vector<1x8x2048xf32>
    tpu.vector_store %arg2[%swap3A_172, %swap3A_173, %swap3A_174], %swap3A_177 {strides = array<i32>} : memref<1x2048x2048xf32, #tpu.memory_space<vmem>>, vector<1x8x2048xf32>,
    %get3A_178 = arith.constant 0 : index
    %get3A_179 = arith.constant 1880 : index
    %get3A_180 = vector.load %arg1[%get3A_178, %get3A_179] : memref<8x4088xf32, #tpu.memory_space<vmem>>, vector<8x2048xf32>
    %swap3A_181 = arith.constant 0 : index
    %swap3A_182 = arith.constant 160 : index
    %swap3A_183 = arith.constant 0 : index
    %swap3A_184 = vector.load %arg2[%swap3A_181, %swap3A_182, %swap3A_183] : memref<1x2048x2048xf32, #tpu.memory_space<vmem>>, vector<1x8x2048xf32>
    %swap3A_185 = vector.shape_cast %swap3A_184 : vector<1x8x2048xf32> to vector<8x2048xf32>
    %swap3A_186 = vector.shape_cast %get3A_180 : vector<8x2048xf32> to vector<1x8x2048xf32>
    tpu.vector_store %arg2[%swap3A_181, %swap3A_182, %swap3A_183], %swap3A_186 {strides = array<i32>} : memref<1x2048x2048xf32, #tpu.memory_space<vmem>>, vector<1x8x2048xf32>,
    %get3A_187 = arith.constant 0 : index
    %get3A_188 = arith.constant 1872 : index
    %get3A_189 = vector.load %arg1[%get3A_187, %get3A_188] : memref<8x4088xf32, #tpu.memory_space<vmem>>, vector<8x2048xf32>
    %swap3A_190 = arith.constant 0 : index
    %swap3A_191 = arith.constant 168 : index
    %swap3A_192 = arith.constant 0 : index
    %swap3A_193 = vector.load %arg2[%swap3A_190, %swap3A_191, %swap3A_192] : memref<1x2048x2048xf32, #tpu.memory_space<vmem>>, vector<1x8x2048xf32>
    %swap3A_194 = vector.shape_cast %swap3A_193 : vector<1x8x2048xf32> to vector<8x2048xf32>
    %swap3A_195 = vector.shape_cast %get3A_189 : vector<8x2048xf32> to vector<1x8x2048xf32>
    tpu.vector_store %arg2[%swap3A_190, %swap3A_191, %swap3A_192], %swap3A_195 {strides = array<i32>} : memref<1x2048x2048xf32, #tpu.memory_space<vmem>>, vector<1x8x2048xf32>,
    %get3A_196 = arith.constant 0 : index
    %get3A_197 = arith.constant 1864 : index
    %get3A_198 = vector.load %arg1[%get3A_196, %get3A_197] : memref<8x4088xf32, #tpu.memory_space<vmem>>, vector<8x2048xf32>
    %swap3A_199 = arith.constant 0 : index
    %swap3A_200 = arith.constant 176 : index
    %swap3A_201 = arith.constant 0 : index
    %swap3A_202 = vector.load %arg2[%swap3A_199, %swap3A_200, %swap3A_201] : memref<1x2048x2048xf32, #tpu.memory_space<vmem>>, vector<1x8x2048xf32>
    %swap3A_203 = vector.shape_cast %swap3A_202 : vector<1x8x2048xf32> to vector<8x2048xf32>
    %swap3A_204 = vector.shape_cast %get3A_198 : vector<8x2048xf32> to vector<1x8x2048xf32>
    tpu.vector_store %arg2[%swap3A_199, %swap3A_200, %swap3A_201], %swap3A_204 {strides = array<i32>} : memref<1x2048x2048xf32, #tpu.memory_space<vmem>>, vector<1x8x2048xf32>,
    %get3A_205 = arith.constant 0 : index
    %get3A_206 = arith.constant 1856 : index
    %get3A_207 = vector.load %arg1[%get3A_205, %get3A_206] : memref<8x4088xf32, #tpu.memory_space<vmem>>, vector<8x2048xf32>
    %swap3A_208 = arith.constant 0 : index
    %swap3A_209 = arith.constant 184 : index
    %swap3A_210 = arith.constant 0 : index
    %swap3A_211 = vector.load %arg2[%swap3A_208, %swap3A_209, %swap3A_210] : memref<1x2048x2048xf32, #tpu.memory_space<vmem>>, vector<1x8x2048xf32>
    %swap3A_212 = vector.shape_cast %swap3A_211 : vector<1x8x2048xf32> to vector<8x2048xf32>
    %swap3A_213 = vector.shape_cast %get3A_207 : vector<8x2048xf32> to vector<1x8x2048xf32>
    tpu.vector_store %arg2[%swap3A_208, %swap3A_209, %swap3A_210], %swap3A_213 {strides = array<i32>} : memref<1x2048x2048xf32, #tpu.memory_space<vmem>>, vector<1x8x2048xf32>,
    %get3A_214 = arith.constant 0 : index
    %get3A_215 = arith.constant 1848 : index
    %get3A_216 = vector.load %arg1[%get3A_214, %get3A_215] : memref<8x4088xf32, #tpu.memory_space<vmem>>, vector<8x2048xf32>
    %swap3A_217 = arith.constant 0 : index
    %swap3A_218 = arith.constant 192 : index
    %swap3A_219 = arith.constant 0 : index
    %swap3A_220 = vector.load %arg2[%swap3A_217, %swap3A_218, %swap3A_219] : memref<1x2048x2048xf32, #tpu.memory_space<vmem>>, vector<1x8x2048xf32>
    %swap3A_221 = vector.shape_cast %swap3A_220 : vector<1x8x2048xf32> to vector<8x2048xf32>
    %swap3A_222 = vector.shape_cast %get3A_216 : vector<8x2048xf32> to vector<1x8x2048xf32>
    tpu.vector_store %arg2[%swap3A_217, %swap3A_218, %swap3A_219], %swap3A_222 {strides = array<i32>} : memref<1x2048x2048xf32, #tpu.memory_space<vmem>>, vector<1x8x2048xf32>,
    %get3A_223 = arith.constant 0 : index
    %get3A_224 = arith.constant 1840 : index
    %get3A_225 = vector.load %arg1[%get3A_223, %get3A_224] : memref<8x4088xf32, #tpu.memory_space<vmem>>, vector<8x2048xf32>
    %swap3A_226 = arith.constant 0 : index
    %swap3A_227 = arith.constant 200 : index
    %swap3A_228 = arith.constant 0 : index
    %swap3A_229 = vector.load %arg2[%swap3A_226, %swap3A_227, %swap3A_228] : memref<1x2048x2048xf32, #tpu.memory_space<vmem>>, vector<1x8x2048xf32>
    %swap3A_230 = vector.shape_cast %swap3A_229 : vector<1x8x2048xf32> to vector<8x2048xf32>
    %swap3A_231 = vector.shape_cast %get3A_225 : vector<8x2048xf32> to vector<1x8x2048xf32>
    tpu.vector_store %arg2[%swap3A_226, %swap3A_227, %swap3A_228], %swap3A_231 {strides = array<i32>} : memref<1x2048x2048xf32, #tpu.memory_space<vmem>>, vector<1x8x2048xf32>,
    %get3A_232 = arith.constant 0 : index
    %get3A_233 = arith.constant 1832 : index
    %get3A_234 = vector.load %arg1[%get3A_232, %get3A_233] : memref<8x4088xf32, #tpu.memory_space<vmem>>, vector<8x2048xf32>
    %swap3A_235 = arith.constant 0 : index
    %swap3A_236 = arith.constant 208 : index
    %swap3A_237 = arith.constant 0 : index
    %swap3A_238 = vector.load %arg2[%swap3A_235, %swap3A_236, %swap3A_237] : memref<1x2048x2048xf32, #tpu.memory_space<vmem>>, vector<1x8x2048xf32>
    %swap3A_239 = vector.shape_cast %swap3A_238 : vector<1x8x2048xf32> to vector<8x2048xf32>
    %swap3A_240 = vector.shape_cast %get3A_234 : vector<8x2048xf32> to vector<1x8x2048xf32>
    tpu.vector_store %arg2[%swap3A_235, %swap3A_236, %swap3A_237], %swap3A_240 {strides = array<i32>} : memref<1x2048x2048xf32, #tpu.memory_space<vmem>>, vector<1x8x2048xf32>,
    %get3A_241 = arith.constant 0 : index
    %get3A_242 = arith.constant 1824 : index
    %get3A_243 = vector.load %arg1[%get3A_241, %get3A_242] : memref<8x4088xf32, #tpu.memory_space<vmem>>, vector<8x2048xf32>
    %swap3A_244 = arith.constant 0 : index
    %swap3A_245 = arith.constant 216 : index
    %swap3A_246 = arith.constant 0 : index
    %swap3A_247 = vector.load %arg2[%swap3A_244, %swap3A_245, %swap3A_246] : memref<1x2048x2048xf32, #tpu.memory_space<vmem>>, vector<1x8x2048xf32>
    %swap3A_248 = vector.shape_cast %swap3A_247 : vector<1x8x2048xf32> to vector<8x2048xf32>
    %swap3A_249 = vector.shape_cast %get3A_243 : vector<8x2048xf32> to vector<1x8x2048xf32>
    tpu.vector_store %arg2[%swap3A_244, %swap3A_245, %swap3A_246], %swap3A_249 {strides = array<i32>} : memref<1x2048x2048xf32, #tpu.memory_space<vmem>>, vector<1x8x2048xf32>,
    %get3A_250 = arith.constant 0 : index
    %get3A_251 = arith.constant 1816 : index
    %get3A_252 = vector.load %arg1[%get3A_250, %get3A_251] : memref<8x4088xf32, #tpu.memory_space<vmem>>, vector<8x2048xf32>
    %swap3A_253 = arith.constant 0 : index
    %swap3A_254 = arith.constant 224 : index
    %swap3A_255 = arith.constant 0 : index
    %swap3A_256 = vector.load %arg2[%swap3A_253, %swap3A_254, %swap3A_255] : memref<1x2048x2048xf32, #tpu.memory_space<vmem>>, vector<1x8x2048xf32>
    %swap3A_257 = vector.shape_cast %swap3A_256 : vector<1x8x2048xf32> to vector<8x2048xf32>
    %swap3A_258 = vector.shape_cast %get3A_252 : vector<8x2048xf32> to vector<1x8x2048xf32>
    tpu.vector_store %arg2[%swap3A_253, %swap3A_254, %swap3A_255], %swap3A_258 {strides = array<i32>} : memref<1x2048x2048xf32, #tpu.memory_space<vmem>>, vector<1x8x2048xf32>,
    %get3A_259 = arith.constant 0 : index
    %get3A_260 = arith.constant 1808 : index
    %get3A_261 = vector.load %arg1[%get3A_259, %get3A_260] : memref<8x4088xf32, #tpu.memory_space<vmem>>, vector<8x2048xf32>
    %swap3A_262 = arith.constant 0 : index
    %swap3A_263 = arith.constant 232 : index
    %swap3A_264 = arith.constant 0 : index
    %swap3A_265 = vector.load %arg2[%swap3A_262, %swap3A_263, %swap3A_264] : memref<1x2048x2048xf32, #tpu.memory_space<vmem>>, vector<1x8x2048xf32>
    %swap3A_266 = vector.shape_cast %swap3A_265 : vector<1x8x2048xf32> to vector<8x2048xf32>
    %swap3A_267 = vector.shape_cast %get3A_261 : vector<8x2048xf32> to vector<1x8x2048xf32>
    tpu.vector_store %arg2[%swap3A_262, %swap3A_263, %swap3A_264], %swap3A_267 {strides = array<i32>} : memref<1x2048x2048xf32, #tpu.memory_space<vmem>>, vector<1x8x2048xf32>,
    %get3A_268 = arith.constant 0 : index
    %get3A_269 = arith.constant 1800 : index
    %get3A_270 = vector.load %arg1[%get3A_268, %get3A_269] : memref<8x4088xf32, #tpu.memory_space<vmem>>, vector<8x2048xf32>
    %swap3A_271 = arith.constant 0 : index
    %swap3A_272 = arith.constant 240 : index
    %swap3A_273 = arith.constant 0 : index
    %swap3A_274 = vector.load %arg2[%swap3A_271, %swap3A_272, %swap3A_273] : memref<1x2048x2048xf32, #tpu.memory_space<vmem>>, vector<1x8x2048xf32>
    %swap3A_275 = vector.shape_cast %swap3A_274 : vector<1x8x2048xf32> to vector<8x2048xf32>
    %swap3A_276 = vector.shape_cast %get3A_270 : vector<8x2048xf32> to vector<1x8x2048xf32>
    tpu.vector_store %arg2[%swap3A_271, %swap3A_272, %swap3A_273], %swap3A_276 {strides = array<i32>} : memref<1x2048x2048xf32, #tpu.memory_space<vmem>>, vector<1x8x2048xf32>,
    %get3A_277 = arith.constant 0 : index
    %get3A_278 = arith.constant 1792 : index
    %get3A_279 = vector.load %arg1[%get3A_277, %get3A_278] : memref<8x4088xf32, #tpu.memory_space<vmem>>, vector<8x2048xf32>
    %swap3A_280 = arith.constant 0 : index
    %swap3A_281 = arith.constant 248 : index
    %swap3A_282 = arith.constant 0 : index
    %swap3A_283 = vector.load %arg2[%swap3A_280, %swap3A_281, %swap3A_282] : memref<1x2048x2048xf32, #tpu.memory_space<vmem>>, vector<1x8x2048xf32>
    %swap3A_284 = vector.shape_cast %swap3A_283 : vector<1x8x2048xf32> to vector<8x2048xf32>
    %swap3A_285 = vector.shape_cast %get3A_279 : vector<8x2048xf32> to vector<1x8x2048xf32>
    tpu.vector_store %arg2[%swap3A_280, %swap3A_281, %swap3A_282], %swap3A_285 {strides = array<i32>} : memref<1x2048x2048xf32, #tpu.memory_space<vmem>>, vector<1x8x2048xf32>,
    %get3A_286 = arith.constant 0 : index
    %get3A_287 = arith.constant 1784 : index
    %get3A_288 = vector.load %arg1[%get3A_286, %get3A_287] : memref<8x4088xf32, #tpu.memory_space<vmem>>, vector<8x2048xf32>
    %swap3A_289 = arith.constant 0 : index
    %swap3A_290 = arith.constant 256 : index
    %swap3A_291 = arith.constant 0 : index
    %swap3A_292 = vector.load %arg2[%swap3A_289, %swap3A_290, %swap3A_291] : memref<1x2048x2048xf32, #tpu.memory_space<vmem>>, vector<1x8x2048xf32>
    %swap3A_293 = vector.shape_cast %swap3A_292 : vector<1x8x2048xf32> to vector<8x2048xf32>
    %swap3A_294 = vector.shape_cast %get3A_288 : vector<8x2048xf32> to vector<1x8x2048xf32>
    tpu.vector_store %arg2[%swap3A_289, %swap3A_290, %swap3A_291], %swap3A_294 {strides = array<i32>} : memref<1x2048x2048xf32, #tpu.memory_space<vmem>>, vector<1x8x2048xf32>,
    %get3A_295 = arith.constant 0 : index
    %get3A_296 = arith.constant 1776 : index
    %get3A_297 = vector.load %arg1[%get3A_295, %get3A_296] : memref<8x4088xf32, #tpu.memory_space<vmem>>, vector<8x2048xf32>
    %swap3A_298 = arith.constant 0 : index
    %swap3A_299 = arith.constant 264 : index
    %swap3A_300 = arith.constant 0 : index
    %swap3A_301 = vector.load %arg2[%swap3A_298, %swap3A_299, %swap3A_300] : memref<1x2048x2048xf32, #tpu.memory_space<vmem>>, vector<1x8x2048xf32>
    %swap3A_302 = vector.shape_cast %swap3A_301 : vector<1x8x2048xf32> to vector<8x2048xf32>
    %swap3A_303 = vector.shape_cast %get3A_297 : vector<8x2048xf32> to vector<1x8x2048xf32>
    tpu.vector_store %arg2[%swap3A_298, %swap3A_299, %swap3A_300], %swap3A_303 {strides = array<i32>} : memref<1x2048x2048xf32, #tpu.memory_space<vmem>>, vector<1x8x2048xf32>,
    %get3A_304 = arith.constant 0 : index
    %get3A_305 = arith.constant 1768 : index
    %get3A_306 = vector.load %arg1[%get3A_304, %get3A_305] : memref<8x4088xf32, #tpu.memory_space<vmem>>, vector<8x2048xf32>
    %swap3A_307 = arith.constant 0 : index
    %swap3A_308 = arith.constant 272 : index
    %swap3A_309 = arith.constant 0 : index
    %swap3A_310 = vector.load %arg2[%swap3A_307, %swap3A_308, %swap3A_309] : memref<1x2048x2048xf32, #tpu.memory_space<vmem>>, vector<1x8x2048xf32>
    %swap3A_311 = vector.shape_cast %swap3A_310 : vector<1x8x2048xf32> to vector<8x2048xf32>
    %swap3A_312 = vector.shape_cast %get3A_306 : vector<8x2048xf32> to vector<1x8x2048xf32>
    tpu.vector_store %arg2[%swap3A_307, %swap3A_308, %swap3A_309], %swap3A_312 {strides = array<i32>} : memref<1x2048x2048xf32, #tpu.memory_space<vmem>>, vector<1x8x2048xf32>,
    %get3A_313 = arith.constant 0 : index
    %get3A_314 = arith.constant 1760 : index
    %get3A_315 = vector.load %arg1[%get3A_313, %get3A_314] : memref<8x4088xf32, #tpu.memory_space<vmem>>, vector<8x2048xf32>
    %swap3A_316 = arith.constant 0 : index
    %swap3A_317 = arith.constant 280 : index
    %swap3A_318 = arith.constant 0 : index
    %swap3A_319 = vector.load %arg2[%swap3A_316, %swap3A_317, %swap3A_318] : memref<1x2048x2048xf32, #tpu.memory_space<vmem>>, vector<1x8x2048xf32>
    %swap3A_320 = vector.shape_cast %swap3A_319 : vector<1x8x2048xf32> to vector<8x2048xf32>
    %swap3A_321 = vector.shape_cast %get3A_315 : vector<8x2048xf32> to vector<1x8x2048xf32>
    tpu.vector_store %arg2[%swap3A_316, %swap3A_317, %swap3A_318], %swap3A_321 {strides = array<i32>} : memref<1x2048x2048xf32, #tpu.memory_space<vmem>>, vector<1x8x2048xf32>,
    %get3A_322 = arith.constant 0 : index
    %get3A_323 = arith.constant 1752 : index
    %get3A_324 = vector.load %arg1[%get3A_322, %get3A_323] : memref<8x4088xf32, #tpu.memory_space<vmem>>, vector<8x2048xf32>
    %swap3A_325 = arith.constant 0 : index
    %swap3A_326 = arith.constant 288 : index
    %swap3A_327 = arith.constant 0 : index
    %swap3A_328 = vector.load %arg2[%swap3A_325, %swap3A_326, %swap3A_327] : memref<1x2048x2048xf32, #tpu.memory_space<vmem>>, vector<1x8x2048xf32>
    %swap3A_329 = vector.shape_cast %swap3A_328 : vector<1x8x2048xf32> to vector<8x2048xf32>
    %swap3A_330 = vector.shape_cast %get3A_324 : vector<8x2048xf32> to vector<1x8x2048xf32>
    tpu.vector_store %arg2[%swap3A_325, %swap3A_326, %swap3A_327], %swap3A_330 {strides = array<i32>} : memref<1x2048x2048xf32, #tpu.memory_space<vmem>>, vector<1x8x2048xf32>,
    %get3A_331 = arith.constant 0 : index
    %get3A_332 = arith.constant 1744 : index
    %get3A_333 = vector.load %arg1[%get3A_331, %get3A_332] : memref<8x4088xf32, #tpu.memory_space<vmem>>, vector<8x2048xf32>
    %swap3A_334 = arith.constant 0 : index
    %swap3A_335 = arith.constant 296 : index
    %swap3A_336 = arith.constant 0 : index
    %swap3A_337 = vector.load %arg2[%swap3A_334, %swap3A_335, %swap3A_336] : memref<1x2048x2048xf32, #tpu.memory_space<vmem>>, vector<1x8x2048xf32>
    %swap3A_338 = vector.shape_cast %swap3A_337 : vector<1x8x2048xf32> to vector<8x2048xf32>
    %swap3A_339 = vector.shape_cast %get3A_333 : vector<8x2048xf32> to vector<1x8x2048xf32>
    tpu.vector_store %arg2[%swap3A_334, %swap3A_335, %swap3A_336], %swap3A_339 {strides = array<i32>} : memref<1x2048x2048xf32, #tpu.memory_space<vmem>>, vector<1x8x2048xf32>,
    %get3A_340 = arith.constant 0 : index
    %get3A_341 = arith.constant 1736 : index
    %get3A_342 = vector.load %arg1[%get3A_340, %get3A_341] : memref<8x4088xf32, #tpu.memory_space<vmem>>, vector<8x2048xf32>
    %swap3A_343 = arith.constant 0 : index
    %swap3A_344 = arith.constant 304 : index
    %swap3A_345 = arith.constant 0 : index
    %swap3A_346 = vector.load %arg2[%swap3A_343, %swap3A_344, %swap3A_345] : memref<1x2048x2048xf32, #tpu.memory_space<vmem>>, vector<1x8x2048xf32>
    %swap3A_347 = vector.shape_cast %swap3A_346 : vector<1x8x2048xf32> to vector<8x2048xf32>
    %swap3A_348 = vector.shape_cast %get3A_342 : vector<8x2048xf32> to vector<1x8x2048xf32>
    tpu.vector_store %arg2[%swap3A_343, %swap3A_344, %swap3A_345], %swap3A_348 {strides = array<i32>} : memref<1x2048x2048xf32, #tpu.memory_space<vmem>>, vector<1x8x2048xf32>,
    %get3A_349 = arith.constant 0 : index
    %get3A_350 = arith.constant 1728 : index
    %get3A_351 = vector.load %arg1[%get3A_349, %get3A_350] : memref<8x4088xf32, #tpu.memory_space<vmem>>, vector<8x2048xf32>
    %swap3A_352 = arith.constant 0 : index
    %swap3A_353 = arith.constant 312 : index
    %swap3A_354 = arith.constant 0 : index
    %swap3A_355 = vector.load %arg2[%swap3A_352, %swap3A_353, %swap3A_354] : memref<1x2048x2048xf32, #tpu.memory_space<vmem>>, vector<1x8x2048xf32>
    %swap3A_356 = vector.shape_cast %swap3A_355 : vector<1x8x2048xf32> to vector<8x2048xf32>
    %swap3A_357 = vector.shape_cast %get3A_351 : vector<8x2048xf32> to vector<1x8x2048xf32>
    tpu.vector_store %arg2[%swap3A_352, %swap3A_353, %swap3A_354], %swap3A_357 {strides = array<i32>} : memref<1x2048x2048xf32, #tpu.memory_space<vmem>>, vector<1x8x2048xf32>,
    %get3A_358 = arith.constant 0 : index
    %get3A_359 = arith.constant 1720 : index
    %get3A_360 = vector.load %arg1[%get3A_358, %get3A_359] : memref<8x4088xf32, #tpu.memory_space<vmem>>, vector<8x2048xf32>
    %swap3A_361 = arith.constant 0 : index
    %swap3A_362 = arith.constant 320 : index
    %swap3A_363 = arith.constant 0 : index
    %swap3A_364 = vector.load %arg2[%swap3A_361, %swap3A_362, %swap3A_363] : memref<1x2048x2048xf32, #tpu.memory_space<vmem>>, vector<1x8x2048xf32>
    %swap3A_365 = vector.shape_cast %swap3A_364 : vector<1x8x2048xf32> to vector<8x2048xf32>
    %swap3A_366 = vector.shape_cast %get3A_360 : vector<8x2048xf32> to vector<1x8x2048xf32>
    tpu.vector_store %arg2[%swap3A_361, %swap3A_362, %swap3A_363], %swap3A_366 {strides = array<i32>} : memref<1x2048x2048xf32, #tpu.memory_space<vmem>>, vector<1x8x2048xf32>,
    %get3A_367 = arith.constant 0 : index
    %get3A_368 = arith.constant 1712 : index
    %get3A_369 = vector.load %arg1[%get3A_367, %get3A_368] : memref<8x4088xf32, #tpu.memory_space<vmem>>, vector<8x2048xf32>
    %swap3A_370 = arith.constant 0 : index
    %swap3A_371 = arith.constant 328 : index
    %swap3A_372 = arith.constant 0 : index
    %swap3A_373 = vector.load %arg2[%swap3A_370, %swap3A_371, %swap3A_372] : memref<1x2048x2048xf32, #tpu.memory_space<vmem>>, vector<1x8x2048xf32>
    %swap3A_374 = vector.shape_cast %swap3A_373 : vector<1x8x2048xf32> to vector<8x2048xf32>
    %swap3A_375 = vector.shape_cast %get3A_369 : vector<8x2048xf32> to vector<1x8x2048xf32>
    tpu.vector_store %arg2[%swap3A_370, %swap3A_371, %swap3A_372], %swap3A_375 {strides = array<i32>} : memref<1x2048x2048xf32, #tpu.memory_space<vmem>>, vector<1x8x2048xf32>,
    %get3A_376 = arith.constant 0 : index
    %get3A_377 = arith.constant 1704 : index
    %get3A_378 = vector.load %arg1[%get3A_376, %get3A_377] : memref<8x4088xf32, #tpu.memory_space<vmem>>, vector<8x2048xf32>
    %swap3A_379 = arith.constant 0 : index
    %swap3A_380 = arith.constant 336 : index
    %swap3A_381 = arith.constant 0 : index
    %swap3A_382 = vector.load %arg2[%swap3A_379, %swap3A_380, %swap3A_381] : memref<1x2048x2048xf32, #tpu.memory_space<vmem>>, vector<1x8x2048xf32>
    %swap3A_383 = vector.shape_cast %swap3A_382 : vector<1x8x2048xf32> to vector<8x2048xf32>
    %swap3A_384 = vector.shape_cast %get3A_378 : vector<8x2048xf32> to vector<1x8x2048xf32>
    tpu.vector_store %arg2[%swap3A_379, %swap3A_380, %swap3A_381], %swap3A_384 {strides = array<i32>} : memref<1x2048x2048xf32, #tpu.memory_space<vmem>>, vector<1x8x2048xf32>,
    %get3A_385 = arith.constant 0 : index
    %get3A_386 = arith.constant 1696 : index
    %get3A_387 = vector.load %arg1[%get3A_385, %get3A_386] : memref<8x4088xf32, #tpu.memory_space<vmem>>, vector<8x2048xf32>
    %swap3A_388 = arith.constant 0 : index
    %swap3A_389 = arith.constant 344 : index
    %swap3A_390 = arith.constant 0 : index
    %swap3A_391 = vector.load %arg2[%swap3A_388, %swap3A_389, %swap3A_390] : memref<1x2048x2048xf32, #tpu.memory_space<vmem>>, vector<1x8x2048xf32>
    %swap3A_392 = vector.shape_cast %swap3A_391 : vector<1x8x2048xf32> to vector<8x2048xf32>
    %swap3A_393 = vector.shape_cast %get3A_387 : vector<8x2048xf32> to vector<1x8x2048xf32>
    tpu.vector_store %arg2[%swap3A_388, %swap3A_389, %swap3A_390], %swap3A_393 {strides = array<i32>} : memref<1x2048x2048xf32, #tpu.memory_space<vmem>>, vector<1x8x2048xf32>,
    %get3A_394 = arith.constant 0 : index
    %get3A_395 = arith.constant 1688 : index
    %get3A_396 = vector.load %arg1[%get3A_394, %get3A_395] : memref<8x4088xf32, #tpu.memory_space<vmem>>, vector<8x2048xf32>
    %swap3A_397 = arith.constant 0 : index
    %swap3A_398 = arith.constant 352 : index
    %swap3A_399 = arith.constant 0 : index
    %swap3A_400 = vector.load %arg2[%swap3A_397, %swap3A_398, %swap3A_399] : memref<1x2048x2048xf32, #tpu.memory_space<vmem>>, vector<1x8x2048xf32>
    %swap3A_401 = vector.shape_cast %swap3A_400 : vector<1x8x2048xf32> to vector<8x2048xf32>
    %swap3A_402 = vector.shape_cast %get3A_396 : vector<8x2048xf32> to vector<1x8x2048xf32>
    tpu.vector_store %arg2[%swap3A_397, %swap3A_398, %swap3A_399], %swap3A_402 {strides = array<i32>} : memref<1x2048x2048xf32, #tpu.memory_space<vmem>>, vector<1x8x2048xf32>,
    %get3A_403 = arith.constant 0 : index
    %get3A_404 = arith.constant 1680 : index
    %get3A_405 = vector.load %arg1[%get3A_403, %get3A_404] : memref<8x4088xf32, #tpu.memory_space<vmem>>, vector<8x2048xf32>
    %swap3A_406 = arith.constant 0 : index
    %swap3A_407 = arith.constant 360 : index
    %swap3A_408 = arith.constant 0 : index
    %swap3A_409 = vector.load %arg2[%swap3A_406, %swap3A_407, %swap3A_408] : memref<1x2048x2048xf32, #tpu.memory_space<vmem>>, vector<1x8x2048xf32>
    %swap3A_410 = vector.shape_cast %swap3A_409 : vector<1x8x2048xf32> to vector<8x2048xf32>
    %swap3A_411 = vector.shape_cast %get3A_405 : vector<8x2048xf32> to vector<1x8x2048xf32>
    tpu.vector_store %arg2[%swap3A_406, %swap3A_407, %swap3A_408], %swap3A_411 {strides = array<i32>} : memref<1x2048x2048xf32, #tpu.memory_space<vmem>>, vector<1x8x2048xf32>,
    %get3A_412 = arith.constant 0 : index
    %get3A_413 = arith.constant 1672 : index
    %get3A_414 = vector.load %arg1[%get3A_412, %get3A_413] : memref<8x4088xf32, #tpu.memory_space<vmem>>, vector<8x2048xf32>
    %swap3A_415 = arith.constant 0 : index
    %swap3A_416 = arith.constant 368 : index
    %swap3A_417 = arith.constant 0 : index
    %swap3A_418 = vector.load %arg2[%swap3A_415, %swap3A_416, %swap3A_417] : memref<1x2048x2048xf32, #tpu.memory_space<vmem>>, vector<1x8x2048xf32>
    %swap3A_419 = vector.shape_cast %swap3A_418 : vector<1x8x2048xf32> to vector<8x2048xf32>
    %swap3A_420 = vector.shape_cast %get3A_414 : vector<8x2048xf32> to vector<1x8x2048xf32>
    tpu.vector_store %arg2[%swap3A_415, %swap3A_416, %swap3A_417], %swap3A_420 {strides = array<i32>} : memref<1x2048x2048xf32, #tpu.memory_space<vmem>>, vector<1x8x2048xf32>,
    %get3A_421 = arith.constant 0 : index
    %get3A_422 = arith.constant 1664 : index
    %get3A_423 = vector.load %arg1[%get3A_421, %get3A_422] : memref<8x4088xf32, #tpu.memory_space<vmem>>, vector<8x2048xf32>
    %swap3A_424 = arith.constant 0 : index
    %swap3A_425 = arith.constant 376 : index
    %swap3A_426 = arith.constant 0 : index
    %swap3A_427 = vector.load %arg2[%swap3A_424, %swap3A_425, %swap3A_426] : memref<1x2048x2048xf32, #tpu.memory_space<vmem>>, vector<1x8x2048xf32>
    %swap3A_428 = vector.shape_cast %swap3A_427 : vector<1x8x2048xf32> to vector<8x2048xf32>
    %swap3A_429 = vector.shape_cast %get3A_423 : vector<8x2048xf32> to vector<1x8x2048xf32>
    tpu.vector_store %arg2[%swap3A_424, %swap3A_425, %swap3A_426], %swap3A_429 {strides = array<i32>} : memref<1x2048x2048xf32, #tpu.memory_space<vmem>>, vector<1x8x2048xf32>,
    %get3A_430 = arith.constant 0 : index
    %get3A_431 = arith.constant 1656 : index
    %get3A_432 = vector.load %arg1[%get3A_430, %get3A_431] : memref<8x4088xf32, #tpu.memory_space<vmem>>, vector<8x2048xf32>
    %swap3A_433 = arith.constant 0 : index
    %swap3A_434 = arith.constant 384 : index
    %swap3A_435 = arith.constant 0 : index
    %swap3A_436 = vector.load %arg2[%swap3A_433, %swap3A_434, %swap3A_435] : memref<1x2048x2048xf32, #tpu.memory_space<vmem>>, vector<1x8x2048xf32>
    %swap3A_437 = vector.shape_cast %swap3A_436 : vector<1x8x2048xf32> to vector<8x2048xf32>
    %swap3A_438 = vector.shape_cast %get3A_432 : vector<8x2048xf32> to vector<1x8x2048xf32>
    tpu.vector_store %arg2[%swap3A_433, %swap3A_434, %swap3A_435], %swap3A_438 {strides = array<i32>} : memref<1x2048x2048xf32, #tpu.memory_space<vmem>>, vector<1x8x2048xf32>,
    %get3A_439 = arith.constant 0 : index
    %get3A_440 = arith.constant 1648 : index
    %get3A_441 = vector.load %arg1[%get3A_439, %get3A_440] : memref<8x4088xf32, #tpu.memory_space<vmem>>, vector<8x2048xf32>
    %swap3A_442 = arith.constant 0 : index
    %swap3A_443 = arith.constant 392 : index
    %swap3A_444 = arith.constant 0 : index
    %swap3A_445 = vector.load %arg2[%swap3A_442, %swap3A_443, %swap3A_444] : memref<1x2048x2048xf32, #tpu.memory_space<vmem>>, vector<1x8x2048xf32>
    %swap3A_446 = vector.shape_cast %swap3A_445 : vector<1x8x2048xf32> to vector<8x2048xf32>
    %swap3A_447 = vector.shape_cast %get3A_441 : vector<8x2048xf32> to vector<1x8x2048xf32>
    tpu.vector_store %arg2[%swap3A_442, %swap3A_443, %swap3A_444], %swap3A_447 {strides = array<i32>} : memref<1x2048x2048xf32, #tpu.memory_space<vmem>>, vector<1x8x2048xf32>,
    %get3A_448 = arith.constant 0 : index
    %get3A_449 = arith.constant 1640 : index
    %get3A_450 = vector.load %arg1[%get3A_448, %get3A_449] : memref<8x4088xf32, #tpu.memory_space<vmem>>, vector<8x2048xf32>
    %swap3A_451 = arith.constant 0 : index
    %swap3A_452 = arith.constant 400 : index
    %swap3A_453 = arith.constant 0 : index
    %swap3A_454 = vector.load %arg2[%swap3A_451, %swap3A_452, %swap3A_453] : memref<1x2048x2048xf32, #tpu.memory_space<vmem>>, vector<1x8x2048xf32>
    %swap3A_455 = vector.shape_cast %swap3A_454 : vector<1x8x2048xf32> to vector<8x2048xf32>
    %swap3A_456 = vector.shape_cast %get3A_450 : vector<8x2048xf32> to vector<1x8x2048xf32>
    tpu.vector_store %arg2[%swap3A_451, %swap3A_452, %swap3A_453], %swap3A_456 {strides = array<i32>} : memref<1x2048x2048xf32, #tpu.memory_space<vmem>>, vector<1x8x2048xf32>,
    %get3A_457 = arith.constant 0 : index
    %get3A_458 = arith.constant 1632 : index
    %get3A_459 = vector.load %arg1[%get3A_457, %get3A_458] : memref<8x4088xf32, #tpu.memory_space<vmem>>, vector<8x2048xf32>
    %swap3A_460 = arith.constant 0 : index
    %swap3A_461 = arith.constant 408 : index
    %swap3A_462 = arith.constant 0 : index
    %swap3A_463 = vector.load %arg2[%swap3A_460, %swap3A_461, %swap3A_462] : memref<1x2048x2048xf32, #tpu.memory_space<vmem>>, vector<1x8x2048xf32>
    %swap3A_464 = vector.shape_cast %swap3A_463 : vector<1x8x2048xf32> to vector<8x2048xf32>
    %swap3A_465 = vector.shape_cast %get3A_459 : vector<8x2048xf32> to vector<1x8x2048xf32>
    tpu.vector_store %arg2[%swap3A_460, %swap3A_461, %swap3A_462], %swap3A_465 {strides = array<i32>} : memref<1x2048x2048xf32, #tpu.memory_space<vmem>>, vector<1x8x2048xf32>,
    %get3A_466 = arith.constant 0 : index
    %get3A_467 = arith.constant 1624 : index
    %get3A_468 = vector.load %arg1[%get3A_466, %get3A_467] : memref<8x4088xf32, #tpu.memory_space<vmem>>, vector<8x2048xf32>
    %swap3A_469 = arith.constant 0 : index
    %swap3A_470 = arith.constant 416 : index
    %swap3A_471 = arith.constant 0 : index
    %swap3A_472 = vector.load %arg2[%swap3A_469, %swap3A_470, %swap3A_471] : memref<1x2048x2048xf32, #tpu.memory_space<vmem>>, vector<1x8x2048xf32>
    %swap3A_473 = vector.shape_cast %swap3A_472 : vector<1x8x2048xf32> to vector<8x2048xf32>
    %swap3A_474 = vector.shape_cast %get3A_468 : vector<8x2048xf32> to vector<1x8x2048xf32>
    tpu.vector_store %arg2[%swap3A_469, %swap3A_470, %swap3A_471], %swap3A_474 {strides = array<i32>} : memref<1x2048x2048xf32, #tpu.memory_space<vmem>>, vector<1x8x2048xf32>,
    %get3A_475 = arith.constant 0 : index
    %get3A_476 = arith.constant 1616 : index
    %get3A_477 = vector.load %arg1[%get3A_475, %get3A_476] : memref<8x4088xf32, #tpu.memory_space<vmem>>, vector<8x2048xf32>
    %swap3A_478 = arith.constant 0 : index
    %swap3A_479 = arith.constant 424 : index
    %swap3A_480 = arith.constant 0 : index
    %swap3A_481 = vector.load %arg2[%swap3A_478, %swap3A_479, %swap3A_480] : memref<1x2048x2048xf32, #tpu.memory_space<vmem>>, vector<1x8x2048xf32>
    %swap3A_482 = vector.shape_cast %swap3A_481 : vector<1x8x2048xf32> to vector<8x2048xf32>
    %swap3A_483 = vector.shape_cast %get3A_477 : vector<8x2048xf32> to vector<1x8x2048xf32>
    tpu.vector_store %arg2[%swap3A_478, %swap3A_479, %swap3A_480], %swap3A_483 {strides = array<i32>} : memref<1x2048x2048xf32, #tpu.memory_space<vmem>>, vector<1x8x2048xf32>,
    %get3A_484 = arith.constant 0 : index
    %get3A_485 = arith.constant 1608 : index
    %get3A_486 = vector.load %arg1[%get3A_484, %get3A_485] : memref<8x4088xf32, #tpu.memory_space<vmem>>, vector<8x2048xf32>
    %swap3A_487 = arith.constant 0 : index
    %swap3A_488 = arith.constant 432 : index
    %swap3A_489 = arith.constant 0 : index
    %swap3A_490 = vector.load %arg2[%swap3A_487, %swap3A_488, %swap3A_489] : memref<1x2048x2048xf32, #tpu.memory_space<vmem>>, vector<1x8x2048xf32>
    %swap3A_491 = vector.shape_cast %swap3A_490 : vector<1x8x2048xf32> to vector<8x2048xf32>
    %swap3A_492 = vector.shape_cast %get3A_486 : vector<8x2048xf32> to vector<1x8x2048xf32>
    tpu.vector_store %arg2[%swap3A_487, %swap3A_488, %swap3A_489], %swap3A_492 {strides = array<i32>} : memref<1x2048x2048xf32, #tpu.memory_space<vmem>>, vector<1x8x2048xf32>,
    %get3A_493 = arith.constant 0 : index
    %get3A_494 = arith.constant 1600 : index
    %get3A_495 = vector.load %arg1[%get3A_493, %get3A_494] : memref<8x4088xf32, #tpu.memory_space<vmem>>, vector<8x2048xf32>
    %swap3A_496 = arith.constant 0 : index
    %swap3A_497 = arith.constant 440 : index
    %swap3A_498 = arith.constant 0 : index
    %swap3A_499 = vector.load %arg2[%swap3A_496, %swap3A_497, %swap3A_498] : memref<1x2048x2048xf32, #tpu.memory_space<vmem>>, vector<1x8x2048xf32>
    %swap3A_500 = vector.shape_cast %swap3A_499 : vector<1x8x2048xf32> to vector<8x2048xf32>
    %swap3A_501 = vector.shape_cast %get3A_495 : vector<8x2048xf32> to vector<1x8x2048xf32>
    tpu.vector_store %arg2[%swap3A_496, %swap3A_497, %swap3A_498], %swap3A_501 {strides = array<i32>} : memref<1x2048x2048xf32, #tpu.memory_space<vmem>>, vector<1x8x2048xf32>,
    %get3A_502 = arith.constant 0 : index
    %get3A_503 = arith.constant 1592 : index
    %get3A_504 = vector.load %arg1[%get3A_502, %get3A_503] : memref<8x4088xf32, #tpu.memory_space<vmem>>, vector<8x2048xf32>
    %swap3A_505 = arith.constant 0 : index
    %swap3A_506 = arith.constant 448 : index
    %swap3A_507 = arith.constant 0 : index
    %swap3A_508 = vector.load %arg2[%swap3A_505, %swap3A_506, %swap3A_507] : memref<1x2048x2048xf32, #tpu.memory_space<vmem>>, vector<1x8x2048xf32>
    %swap3A_509 = vector.shape_cast %swap3A_508 : vector<1x8x2048xf32> to vector<8x2048xf32>
    %swap3A_510 = vector.shape_cast %get3A_504 : vector<8x2048xf32> to vector<1x8x2048xf32>
    tpu.vector_store %arg2[%swap3A_505, %swap3A_506, %swap3A_507], %swap3A_510 {strides = array<i32>} : memref<1x2048x2048xf32, #tpu.memory_space<vmem>>, vector<1x8x2048xf32>,
    %get3A_511 = arith.constant 0 : index
    %get3A_512 = arith.constant 1584 : index
    %get3A_513 = vector.load %arg1[%get3A_511, %get3A_512] : memref<8x4088xf32, #tpu.memory_space<vmem>>, vector<8x2048xf32>
    %swap3A_514 = arith.constant 0 : index
    %swap3A_515 = arith.constant 456 : index
    %swap3A_516 = arith.constant 0 : index
    %swap3A_517 = vector.load %arg2[%swap3A_514, %swap3A_515, %swap3A_516] : memref<1x2048x2048xf32, #tpu.memory_space<vmem>>, vector<1x8x2048xf32>
    %swap3A_518 = vector.shape_cast %swap3A_517 : vector<1x8x2048xf32> to vector<8x2048xf32>
    %swap3A_519 = vector.shape_cast %get3A_513 : vector<8x2048xf32> to vector<1x8x2048xf32>
    tpu.vector_store %arg2[%swap3A_514, %swap3A_515, %swap3A_516], %swap3A_519 {strides = array<i32>} : memref<1x2048x2048xf32, #tpu.memory_space<vmem>>, vector<1x8x2048xf32>,
    %get3A_520 = arith.constant 0 : index
    %get3A_521 = arith.constant 1576 : index
    %get3A_522 = vector.load %arg1[%get3A_520, %get3A_521] : memref<8x4088xf32, #tpu.memory_space<vmem>>, vector<8x2048xf32>
    %swap3A_523 = arith.constant 0 : index
    %swap3A_524 = arith.constant 464 : index
    %swap3A_525 = arith.constant 0 : index
    %swap3A_526 = vector.load %arg2[%swap3A_523, %swap3A_524, %swap3A_525] : memref<1x2048x2048xf32, #tpu.memory_space<vmem>>, vector<1x8x2048xf32>
    %swap3A_527 = vector.shape_cast %swap3A_526 : vector<1x8x2048xf32> to vector<8x2048xf32>
    %swap3A_528 = vector.shape_cast %get3A_522 : vector<8x2048xf32> to vector<1x8x2048xf32>
    tpu.vector_store %arg2[%swap3A_523, %swap3A_524, %swap3A_525], %swap3A_528 {strides = array<i32>} : memref<1x2048x2048xf32, #tpu.memory_space<vmem>>, vector<1x8x2048xf32>,
    %get3A_529 = arith.constant 0 : index
    %get3A_530 = arith.constant 1568 : index
    %get3A_531 = vector.load %arg1[%get3A_529, %get3A_530] : memref<8x4088xf32, #tpu.memory_space<vmem>>, vector<8x2048xf32>
    %swap3A_532 = arith.constant 0 : index
    %swap3A_533 = arith.constant 472 : index
    %swap3A_534 = arith.constant 0 : index
    %swap3A_535 = vector.load %arg2[%swap3A_532, %swap3A_533, %swap3A_534] : memref<1x2048x2048xf32, #tpu.memory_space<vmem>>, vector<1x8x2048xf32>
    %swap3A_536 = vector.shape_cast %swap3A_535 : vector<1x8x2048xf32> to vector<8x2048xf32>
    %swap3A_537 = vector.shape_cast %get3A_531 : vector<8x2048xf32> to vector<1x8x2048xf32>
    tpu.vector_store %arg2[%swap3A_532, %swap3A_533, %swap3A_534], %swap3A_537 {strides = array<i32>} : memref<1x2048x2048xf32, #tpu.memory_space<vmem>>, vector<1x8x2048xf32>,
    %get3A_538 = arith.constant 0 : index
    %get3A_539 = arith.constant 1560 : index
    %get3A_540 = vector.load %arg1[%get3A_538, %get3A_539] : memref<8x4088xf32, #tpu.memory_space<vmem>>, vector<8x2048xf32>
    %swap3A_541 = arith.constant 0 : index
    %swap3A_542 = arith.constant 480 : index
    %swap3A_543 = arith.constant 0 : index
    %swap3A_544 = vector.load %arg2[%swap3A_541, %swap3A_542, %swap3A_543] : memref<1x2048x2048xf32, #tpu.memory_space<vmem>>, vector<1x8x2048xf32>
    %swap3A_545 = vector.shape_cast %swap3A_544 : vector<1x8x2048xf32> to vector<8x2048xf32>
    %swap3A_546 = vector.shape_cast %get3A_540 : vector<8x2048xf32> to vector<1x8x2048xf32>
    tpu.vector_store %arg2[%swap3A_541, %swap3A_542, %swap3A_543], %swap3A_546 {strides = array<i32>} : memref<1x2048x2048xf32, #tpu.memory_space<vmem>>, vector<1x8x2048xf32>,
    %get3A_547 = arith.constant 0 : index
    %get3A_548 = arith.constant 1552 : index
    %get3A_549 = vector.load %arg1[%get3A_547, %get3A_548] : memref<8x4088xf32, #tpu.memory_space<vmem>>, vector<8x2048xf32>
    %swap3A_550 = arith.constant 0 : index
    %swap3A_551 = arith.constant 488 : index
    %swap3A_552 = arith.constant 0 : index
    %swap3A_553 = vector.load %arg2[%swap3A_550, %swap3A_551, %swap3A_552] : memref<1x2048x2048xf32, #tpu.memory_space<vmem>>, vector<1x8x2048xf32>
    %swap3A_554 = vector.shape_cast %swap3A_553 : vector<1x8x2048xf32> to vector<8x2048xf32>
    %swap3A_555 = vector.shape_cast %get3A_549 : vector<8x2048xf32> to vector<1x8x2048xf32>
    tpu.vector_store %arg2[%swap3A_550, %swap3A_551, %swap3A_552], %swap3A_555 {strides = array<i32>} : memref<1x2048x2048xf32, #tpu.memory_space<vmem>>, vector<1x8x2048xf32>,
    %get3A_556 = arith.constant 0 : index
    %get3A_557 = arith.constant 1544 : index
    %get3A_558 = vector.load %arg1[%get3A_556, %get3A_557] : memref<8x4088xf32, #tpu.memory_space<vmem>>, vector<8x2048xf32>
    %swap3A_559 = arith.constant 0 : index
    %swap3A_560 = arith.constant 496 : index
    %swap3A_561 = arith.constant 0 : index
    %swap3A_562 = vector.load %arg2[%swap3A_559, %swap3A_560, %swap3A_561] : memref<1x2048x2048xf32, #tpu.memory_space<vmem>>, vector<1x8x2048xf32>
    %swap3A_563 = vector.shape_cast %swap3A_562 : vector<1x8x2048xf32> to vector<8x2048xf32>
    %swap3A_564 = vector.shape_cast %get3A_558 : vector<8x2048xf32> to vector<1x8x2048xf32>
    tpu.vector_store %arg2[%swap3A_559, %swap3A_560, %swap3A_561], %swap3A_564 {strides = array<i32>} : memref<1x2048x2048xf32, #tpu.memory_space<vmem>>, vector<1x8x2048xf32>,
    %get3A_565 = arith.constant 0 : index
    %get3A_566 = arith.constant 1536 : index
    %get3A_567 = vector.load %arg1[%get3A_565, %get3A_566] : memref<8x4088xf32, #tpu.memory_space<vmem>>, vector<8x2048xf32>
    %swap3A_568 = arith.constant 0 : index
    %swap3A_569 = arith.constant 504 : index
    %swap3A_570 = arith.constant 0 : index
    %swap3A_571 = vector.load %arg2[%swap3A_568, %swap3A_569, %swap3A_570] : memref<1x2048x2048xf32, #tpu.memory_space<vmem>>, vector<1x8x2048xf32>
    %swap3A_572 = vector.shape_cast %swap3A_571 : vector<1x8x2048xf32> to vector<8x2048xf32>
    %swap3A_573 = vector.shape_cast %get3A_567 : vector<8x2048xf32> to vector<1x8x2048xf32>
    tpu.vector_store %arg2[%swap3A_568, %swap3A_569, %swap3A_570], %swap3A_573 {strides = array<i32>} : memref<1x2048x2048xf32, #tpu.memory_space<vmem>>, vector<1x8x2048xf32>,
    %get3A_574 = arith.constant 0 : index
    %get3A_575 = arith.constant 1528 : index
    %get3A_576 = vector.load %arg1[%get3A_574, %get3A_575] : memref<8x4088xf32, #tpu.memory_space<vmem>>, vector<8x2048xf32>
    %swap3A_577 = arith.constant 0 : index
    %swap3A_578 = arith.constant 512 : index
    %swap3A_579 = arith.constant 0 : index
    %swap3A_580 = vector.load %arg2[%swap3A_577, %swap3A_578, %swap3A_579] : memref<1x2048x2048xf32, #tpu.memory_space<vmem>>, vector<1x8x2048xf32>
    %swap3A_581 = vector.shape_cast %swap3A_580 : vector<1x8x2048xf32> to vector<8x2048xf32>
    %swap3A_582 = vector.shape_cast %get3A_576 : vector<8x2048xf32> to vector<1x8x2048xf32>
    tpu.vector_store %arg2[%swap3A_577, %swap3A_578, %swap3A_579], %swap3A_582 {strides = array<i32>} : memref<1x2048x2048xf32, #tpu.memory_space<vmem>>, vector<1x8x2048xf32>,
    %get3A_583 = arith.constant 0 : index
    %get3A_584 = arith.constant 1520 : index
    %get3A_585 = vector.load %arg1[%get3A_583, %get3A_584] : memref<8x4088xf32, #tpu.memory_space<vmem>>, vector<8x2048xf32>
    %swap3A_586 = arith.constant 0 : index
    %swap3A_587 = arith.constant 520 : index
    %swap3A_588 = arith.constant 0 : index
    %swap3A_589 = vector.load %arg2[%swap3A_586, %swap3A_587, %swap3A_588] : memref<1x2048x2048xf32, #tpu.memory_space<vmem>>, vector<1x8x2048xf32>
    %swap3A_590 = vector.shape_cast %swap3A_589 : vector<1x8x2048xf32> to vector<8x2048xf32>
    %swap3A_591 = vector.shape_cast %get3A_585 : vector<8x2048xf32> to vector<1x8x2048xf32>
    tpu.vector_store %arg2[%swap3A_586, %swap3A_587, %swap3A_588], %swap3A_591 {strides = array<i32>} : memref<1x2048x2048xf32, #tpu.memory_space<vmem>>, vector<1x8x2048xf32>,
    %get3A_592 = arith.constant 0 : index
    %get3A_593 = arith.constant 1512 : index
    %get3A_594 = vector.load %arg1[%get3A_592, %get3A_593] : memref<8x4088xf32, #tpu.memory_space<vmem>>, vector<8x2048xf32>
    %swap3A_595 = arith.constant 0 : index
    %swap3A_596 = arith.constant 528 : index
    %swap3A_597 = arith.constant 0 : index
    %swap3A_598 = vector.load %arg2[%swap3A_595, %swap3A_596, %swap3A_597] : memref<1x2048x2048xf32, #tpu.memory_space<vmem>>, vector<1x8x2048xf32>
    %swap3A_599 = vector.shape_cast %swap3A_598 : vector<1x8x2048xf32> to vector<8x2048xf32>
    %swap3A_600 = vector.shape_cast %get3A_594 : vector<8x2048xf32> to vector<1x8x2048xf32>
    tpu.vector_store %arg2[%swap3A_595, %swap3A_596, %swap3A_597], %swap3A_600 {strides = array<i32>} : memref<1x2048x2048xf32, #tpu.memory_space<vmem>>, vector<1x8x2048xf32>,
    %get3A_601 = arith.constant 0 : index
    %get3A_602 = arith.constant 1504 : index
    %get3A_603 = vector.load %arg1[%get3A_601, %get3A_602] : memref<8x4088xf32, #tpu.memory_space<vmem>>, vector<8x2048xf32>
    %swap3A_604 = arith.constant 0 : index
    %swap3A_605 = arith.constant 536 : index
    %swap3A_606 = arith.constant 0 : index
    %swap3A_607 = vector.load %arg2[%swap3A_604, %swap3A_605, %swap3A_606] : memref<1x2048x2048xf32, #tpu.memory_space<vmem>>, vector<1x8x2048xf32>
    %swap3A_608 = vector.shape_cast %swap3A_607 : vector<1x8x2048xf32> to vector<8x2048xf32>
    %swap3A_609 = vector.shape_cast %get3A_603 : vector<8x2048xf32> to vector<1x8x2048xf32>
    tpu.vector_store %arg2[%swap3A_604, %swap3A_605, %swap3A_606], %swap3A_609 {strides = array<i32>} : memref<1x2048x2048xf32, #tpu.memory_space<vmem>>, vector<1x8x2048xf32>,
    %get3A_610 = arith.constant 0 : index
    %get3A_611 = arith.constant 1496 : index
    %get3A_612 = vector.load %arg1[%get3A_610, %get3A_611] : memref<8x4088xf32, #tpu.memory_space<vmem>>, vector<8x2048xf32>
    %swap3A_613 = arith.constant 0 : index
    %swap3A_614 = arith.constant 544 : index
    %swap3A_615 = arith.constant 0 : index
    %swap3A_616 = vector.load %arg2[%swap3A_613, %swap3A_614, %swap3A_615] : memref<1x2048x2048xf32, #tpu.memory_space<vmem>>, vector<1x8x2048xf32>
    %swap3A_617 = vector.shape_cast %swap3A_616 : vector<1x8x2048xf32> to vector<8x2048xf32>
    %swap3A_618 = vector.shape_cast %get3A_612 : vector<8x2048xf32> to vector<1x8x2048xf32>
    tpu.vector_store %arg2[%swap3A_613, %swap3A_614, %swap3A_615], %swap3A_618 {strides = array<i32>} : memref<1x2048x2048xf32, #tpu.memory_space<vmem>>, vector<1x8x2048xf32>,
    %get3A_619 = arith.constant 0 : index
    %get3A_620 = arith.constant 1488 : index
    %get3A_621 = vector.load %arg1[%get3A_619, %get3A_620] : memref<8x4088xf32, #tpu.memory_space<vmem>>, vector<8x2048xf32>
    %swap3A_622 = arith.constant 0 : index
    %swap3A_623 = arith.constant 552 : index
    %swap3A_624 = arith.constant 0 : index
    %swap3A_625 = vector.load %arg2[%swap3A_622, %swap3A_623, %swap3A_624] : memref<1x2048x2048xf32, #tpu.memory_space<vmem>>, vector<1x8x2048xf32>
    %swap3A_626 = vector.shape_cast %swap3A_625 : vector<1x8x2048xf32> to vector<8x2048xf32>
    %swap3A_627 = vector.shape_cast %get3A_621 : vector<8x2048xf32> to vector<1x8x2048xf32>
    tpu.vector_store %arg2[%swap3A_622, %swap3A_623, %swap3A_624], %swap3A_627 {strides = array<i32>} : memref<1x2048x2048xf32, #tpu.memory_space<vmem>>, vector<1x8x2048xf32>,
    %get3A_628 = arith.constant 0 : index
    %get3A_629 = arith.constant 1480 : index
    %get3A_630 = vector.load %arg1[%get3A_628, %get3A_629] : memref<8x4088xf32, #tpu.memory_space<vmem>>, vector<8x2048xf32>
    %swap3A_631 = arith.constant 0 : index
    %swap3A_632 = arith.constant 560 : index
    %swap3A_633 = arith.constant 0 : index
    %swap3A_634 = vector.load %arg2[%swap3A_631, %swap3A_632, %swap3A_633] : memref<1x2048x2048xf32, #tpu.memory_space<vmem>>, vector<1x8x2048xf32>
    %swap3A_635 = vector.shape_cast %swap3A_634 : vector<1x8x2048xf32> to vector<8x2048xf32>
    %swap3A_636 = vector.shape_cast %get3A_630 : vector<8x2048xf32> to vector<1x8x2048xf32>
    tpu.vector_store %arg2[%swap3A_631, %swap3A_632, %swap3A_633], %swap3A_636 {strides = array<i32>} : memref<1x2048x2048xf32, #tpu.memory_space<vmem>>, vector<1x8x2048xf32>,
    %get3A_637 = arith.constant 0 : index
    %get3A_638 = arith.constant 1472 : index
    %get3A_639 = vector.load %arg1[%get3A_637, %get3A_638] : memref<8x4088xf32, #tpu.memory_space<vmem>>, vector<8x2048xf32>
    %swap3A_640 = arith.constant 0 : index
    %swap3A_641 = arith.constant 568 : index
    %swap3A_642 = arith.constant 0 : index
    %swap3A_643 = vector.load %arg2[%swap3A_640, %swap3A_641, %swap3A_642] : memref<1x2048x2048xf32, #tpu.memory_space<vmem>>, vector<1x8x2048xf32>
    %swap3A_644 = vector.shape_cast %swap3A_643 : vector<1x8x2048xf32> to vector<8x2048xf32>
    %swap3A_645 = vector.shape_cast %get3A_639 : vector<8x2048xf32> to vector<1x8x2048xf32>
    tpu.vector_store %arg2[%swap3A_640, %swap3A_641, %swap3A_642], %swap3A_645 {strides = array<i32>} : memref<1x2048x2048xf32, #tpu.memory_space<vmem>>, vector<1x8x2048xf32>,
    %get3A_646 = arith.constant 0 : index
    %get3A_647 = arith.constant 1464 : index
    %get3A_648 = vector.load %arg1[%get3A_646, %get3A_647] : memref<8x4088xf32, #tpu.memory_space<vmem>>, vector<8x2048xf32>
    %swap3A_649 = arith.constant 0 : index
    %swap3A_650 = arith.constant 576 : index
    %swap3A_651 = arith.constant 0 : index
    %swap3A_652 = vector.load %arg2[%swap3A_649, %swap3A_650, %swap3A_651] : memref<1x2048x2048xf32, #tpu.memory_space<vmem>>, vector<1x8x2048xf32>
    %swap3A_653 = vector.shape_cast %swap3A_652 : vector<1x8x2048xf32> to vector<8x2048xf32>
    %swap3A_654 = vector.shape_cast %get3A_648 : vector<8x2048xf32> to vector<1x8x2048xf32>
    tpu.vector_store %arg2[%swap3A_649, %swap3A_650, %swap3A_651], %swap3A_654 {strides = array<i32>} : memref<1x2048x2048xf32, #tpu.memory_space<vmem>>, vector<1x8x2048xf32>,
    %get3A_655 = arith.constant 0 : index
    %get3A_656 = arith.constant 1456 : index
    %get3A_657 = vector.load %arg1[%get3A_655, %get3A_656] : memref<8x4088xf32, #tpu.memory_space<vmem>>, vector<8x2048xf32>
    %swap3A_658 = arith.constant 0 : index
    %swap3A_659 = arith.constant 584 : index
    %swap3A_660 = arith.constant 0 : index
    %swap3A_661 = vector.load %arg2[%swap3A_658, %swap3A_659, %swap3A_660] : memref<1x2048x2048xf32, #tpu.memory_space<vmem>>, vector<1x8x2048xf32>
    %swap3A_662 = vector.shape_cast %swap3A_661 : vector<1x8x2048xf32> to vector<8x2048xf32>
    %swap3A_663 = vector.shape_cast %get3A_657 : vector<8x2048xf32> to vector<1x8x2048xf32>
    tpu.vector_store %arg2[%swap3A_658, %swap3A_659, %swap3A_660], %swap3A_663 {strides = array<i32>} : memref<1x2048x2048xf32, #tpu.memory_space<vmem>>, vector<1x8x2048xf32>,
    %get3A_664 = arith.constant 0 : index
    %get3A_665 = arith.constant 1448 : index
    %get3A_666 = vector.load %arg1[%get3A_664, %get3A_665] : memref<8x4088xf32, #tpu.memory_space<vmem>>, vector<8x2048xf32>
    %swap3A_667 = arith.constant 0 : index
    %swap3A_668 = arith.constant 592 : index
    %swap3A_669 = arith.constant 0 : index
    %swap3A_670 = vector.load %arg2[%swap3A_667, %swap3A_668, %swap3A_669] : memref<1x2048x2048xf32, #tpu.memory_space<vmem>>, vector<1x8x2048xf32>
    %swap3A_671 = vector.shape_cast %swap3A_670 : vector<1x8x2048xf32> to vector<8x2048xf32>
    %swap3A_672 = vector.shape_cast %get3A_666 : vector<8x2048xf32> to vector<1x8x2048xf32>
    tpu.vector_store %arg2[%swap3A_667, %swap3A_668, %swap3A_669], %swap3A_672 {strides = array<i32>} : memref<1x2048x2048xf32, #tpu.memory_space<vmem>>, vector<1x8x2048xf32>,
    %get3A_673 = arith.constant 0 : index
    %get3A_674 = arith.constant 1440 : index
    %get3A_675 = vector.load %arg1[%get3A_673, %get3A_674] : memref<8x4088xf32, #tpu.memory_space<vmem>>, vector<8x2048xf32>
    %swap3A_676 = arith.constant 0 : index
    %swap3A_677 = arith.constant 600 : index
    %swap3A_678 = arith.constant 0 : index
    %swap3A_679 = vector.load %arg2[%swap3A_676, %swap3A_677, %swap3A_678] : memref<1x2048x2048xf32, #tpu.memory_space<vmem>>, vector<1x8x2048xf32>
    %swap3A_680 = vector.shape_cast %swap3A_679 : vector<1x8x2048xf32> to vector<8x2048xf32>
    %swap3A_681 = vector.shape_cast %get3A_675 : vector<8x2048xf32> to vector<1x8x2048xf32>
    tpu.vector_store %arg2[%swap3A_676, %swap3A_677, %swap3A_678], %swap3A_681 {strides = array<i32>} : memref<1x2048x2048xf32, #tpu.memory_space<vmem>>, vector<1x8x2048xf32>,
    %get3A_682 = arith.constant 0 : index
    %get3A_683 = arith.constant 1432 : index
    %get3A_684 = vector.load %arg1[%get3A_682, %get3A_683] : memref<8x4088xf32, #tpu.memory_space<vmem>>, vector<8x2048xf32>
    %swap3A_685 = arith.constant 0 : index
    %swap3A_686 = arith.constant 608 : index
    %swap3A_687 = arith.constant 0 : index
    %swap3A_688 = vector.load %arg2[%swap3A_685, %swap3A_686, %swap3A_687] : memref<1x2048x2048xf32, #tpu.memory_space<vmem>>, vector<1x8x2048xf32>
    %swap3A_689 = vector.shape_cast %swap3A_688 : vector<1x8x2048xf32> to vector<8x2048xf32>
    %swap3A_690 = vector.shape_cast %get3A_684 : vector<8x2048xf32> to vector<1x8x2048xf32>
    tpu.vector_store %arg2[%swap3A_685, %swap3A_686, %swap3A_687], %swap3A_690 {strides = array<i32>} : memref<1x2048x2048xf32, #tpu.memory_space<vmem>>, vector<1x8x2048xf32>,
    %get3A_691 = arith.constant 0 : index
    %get3A_692 = arith.constant 1424 : index
    %get3A_693 = vector.load %arg1[%get3A_691, %get3A_692] : memref<8x4088xf32, #tpu.memory_space<vmem>>, vector<8x2048xf32>
    %swap3A_694 = arith.constant 0 : index
    %swap3A_695 = arith.constant 616 : index
    %swap3A_696 = arith.constant 0 : index
    %swap3A_697 = vector.load %arg2[%swap3A_694, %swap3A_695, %swap3A_696] : memref<1x2048x2048xf32, #tpu.memory_space<vmem>>, vector<1x8x2048xf32>
    %swap3A_698 = vector.shape_cast %swap3A_697 : vector<1x8x2048xf32> to vector<8x2048xf32>
    %swap3A_699 = vector.shape_cast %get3A_693 : vector<8x2048xf32> to vector<1x8x2048xf32>
    tpu.vector_store %arg2[%swap3A_694, %swap3A_695, %swap3A_696], %swap3A_699 {strides = array<i32>} : memref<1x2048x2048xf32, #tpu.memory_space<vmem>>, vector<1x8x2048xf32>,
    %get3A_700 = arith.constant 0 : index
    %get3A_701 = arith.constant 1416 : index
    %get3A_702 = vector.load %arg1[%get3A_700, %get3A_701] : memref<8x4088xf32, #tpu.memory_space<vmem>>, vector<8x2048xf32>
    %swap3A_703 = arith.constant 0 : index
    %swap3A_704 = arith.constant 624 : index
    %swap3A_705 = arith.constant 0 : index
    %swap3A_706 = vector.load %arg2[%swap3A_703, %swap3A_704, %swap3A_705] : memref<1x2048x2048xf32, #tpu.memory_space<vmem>>, vector<1x8x2048xf32>
    %swap3A_707 = vector.shape_cast %swap3A_706 : vector<1x8x2048xf32> to vector<8x2048xf32>
    %swap3A_708 = vector.shape_cast %get3A_702 : vector<8x2048xf32> to vector<1x8x2048xf32>
    tpu.vector_store %arg2[%swap3A_703, %swap3A_704, %swap3A_705], %swap3A_708 {strides = array<i32>} : memref<1x2048x2048xf32, #tpu.memory_space<vmem>>, vector<1x8x2048xf32>,
    %get3A_709 = arith.constant 0 : index
    %get3A_710 = arith.constant 1408 : index
    %get3A_711 = vector.load %arg1[%get3A_709, %get3A_710] : memref<8x4088xf32, #tpu.memory_space<vmem>>, vector<8x2048xf32>
    %swap3A_712 = arith.constant 0 : index
    %swap3A_713 = arith.constant 632 : index
    %swap3A_714 = arith.constant 0 : index
    %swap3A_715 = vector.load %arg2[%swap3A_712, %swap3A_713, %swap3A_714] : memref<1x2048x2048xf32, #tpu.memory_space<vmem>>, vector<1x8x2048xf32>
    %swap3A_716 = vector.shape_cast %swap3A_715 : vector<1x8x2048xf32> to vector<8x2048xf32>
    %swap3A_717 = vector.shape_cast %get3A_711 : vector<8x2048xf32> to vector<1x8x2048xf32>
    tpu.vector_store %arg2[%swap3A_712, %swap3A_713, %swap3A_714], %swap3A_717 {strides = array<i32>} : memref<1x2048x2048xf32, #tpu.memory_space<vmem>>, vector<1x8x2048xf32>,
    %get3A_718 = arith.constant 0 : index
    %get3A_719 = arith.constant 1400 : index
    %get3A_720 = vector.load %arg1[%get3A_718, %get3A_719] : memref<8x4088xf32, #tpu.memory_space<vmem>>, vector<8x2048xf32>
    %swap3A_721 = arith.constant 0 : index
    %swap3A_722 = arith.constant 640 : index
    %swap3A_723 = arith.constant 0 : index
    %swap3A_724 = vector.load %arg2[%swap3A_721, %swap3A_722, %swap3A_723] : memref<1x2048x2048xf32, #tpu.memory_space<vmem>>, vector<1x8x2048xf32>
    %swap3A_725 = vector.shape_cast %swap3A_724 : vector<1x8x2048xf32> to vector<8x2048xf32>
    %swap3A_726 = vector.shape_cast %get3A_720 : vector<8x2048xf32> to vector<1x8x2048xf32>
    tpu.vector_store %arg2[%swap3A_721, %swap3A_722, %swap3A_723], %swap3A_726 {strides = array<i32>} : memref<1x2048x2048xf32, #tpu.memory_space<vmem>>, vector<1x8x2048xf32>,
    %get3A_727 = arith.constant 0 : index
    %get3A_728 = arith.constant 1392 : index
    %get3A_729 = vector.load %arg1[%get3A_727, %get3A_728] : memref<8x4088xf32, #tpu.memory_space<vmem>>, vector<8x2048xf32>
    %swap3A_730 = arith.constant 0 : index
    %swap3A_731 = arith.constant 648 : index
    %swap3A_732 = arith.constant 0 : index
    %swap3A_733 = vector.load %arg2[%swap3A_730, %swap3A_731, %swap3A_732] : memref<1x2048x2048xf32, #tpu.memory_space<vmem>>, vector<1x8x2048xf32>
    %swap3A_734 = vector.shape_cast %swap3A_733 : vector<1x8x2048xf32> to vector<8x2048xf32>
    %swap3A_735 = vector.shape_cast %get3A_729 : vector<8x2048xf32> to vector<1x8x2048xf32>
    tpu.vector_store %arg2[%swap3A_730, %swap3A_731, %swap3A_732], %swap3A_735 {strides = array<i32>} : memref<1x2048x2048xf32, #tpu.memory_space<vmem>>, vector<1x8x2048xf32>,
    %get3A_736 = arith.constant 0 : index
    %get3A_737 = arith.constant 1384 : index
    %get3A_738 = vector.load %arg1[%get3A_736, %get3A_737] : memref<8x4088xf32, #tpu.memory_space<vmem>>, vector<8x2048xf32>
    %swap3A_739 = arith.constant 0 : index
    %swap3A_740 = arith.constant 656 : index
    %swap3A_741 = arith.constant 0 : index
    %swap3A_742 = vector.load %arg2[%swap3A_739, %swap3A_740, %swap3A_741] : memref<1x2048x2048xf32, #tpu.memory_space<vmem>>, vector<1x8x2048xf32>
    %swap3A_743 = vector.shape_cast %swap3A_742 : vector<1x8x2048xf32> to vector<8x2048xf32>
    %swap3A_744 = vector.shape_cast %get3A_738 : vector<8x2048xf32> to vector<1x8x2048xf32>
    tpu.vector_store %arg2[%swap3A_739, %swap3A_740, %swap3A_741], %swap3A_744 {strides = array<i32>} : memref<1x2048x2048xf32, #tpu.memory_space<vmem>>, vector<1x8x2048xf32>,
    %get3A_745 = arith.constant 0 : index
    %get3A_746 = arith.constant 1376 : index
    %get3A_747 = vector.load %arg1[%get3A_745, %get3A_746] : memref<8x4088xf32, #tpu.memory_space<vmem>>, vector<8x2048xf32>
    %swap3A_748 = arith.constant 0 : index
    %swap3A_749 = arith.constant 664 : index
    %swap3A_750 = arith.constant 0 : index
    %swap3A_751 = vector.load %arg2[%swap3A_748, %swap3A_749, %swap3A_750] : memref<1x2048x2048xf32, #tpu.memory_space<vmem>>, vector<1x8x2048xf32>
    %swap3A_752 = vector.shape_cast %swap3A_751 : vector<1x8x2048xf32> to vector<8x2048xf32>
    %swap3A_753 = vector.shape_cast %get3A_747 : vector<8x2048xf32> to vector<1x8x2048xf32>
    tpu.vector_store %arg2[%swap3A_748, %swap3A_749, %swap3A_750], %swap3A_753 {strides = array<i32>} : memref<1x2048x2048xf32, #tpu.memory_space<vmem>>, vector<1x8x2048xf32>,
    %get3A_754 = arith.constant 0 : index
    %get3A_755 = arith.constant 1368 : index
    %get3A_756 = vector.load %arg1[%get3A_754, %get3A_755] : memref<8x4088xf32, #tpu.memory_space<vmem>>, vector<8x2048xf32>
    %swap3A_757 = arith.constant 0 : index
    %swap3A_758 = arith.constant 672 : index
    %swap3A_759 = arith.constant 0 : index
    %swap3A_760 = vector.load %arg2[%swap3A_757, %swap3A_758, %swap3A_759] : memref<1x2048x2048xf32, #tpu.memory_space<vmem>>, vector<1x8x2048xf32>
    %swap3A_761 = vector.shape_cast %swap3A_760 : vector<1x8x2048xf32> to vector<8x2048xf32>
    %swap3A_762 = vector.shape_cast %get3A_756 : vector<8x2048xf32> to vector<1x8x2048xf32>
    tpu.vector_store %arg2[%swap3A_757, %swap3A_758, %swap3A_759], %swap3A_762 {strides = array<i32>} : memref<1x2048x2048xf32, #tpu.memory_space<vmem>>, vector<1x8x2048xf32>,
    %get3A_763 = arith.constant 0 : index
    %get3A_764 = arith.constant 1360 : index
    %get3A_765 = vector.load %arg1[%get3A_763, %get3A_764] : memref<8x4088xf32, #tpu.memory_space<vmem>>, vector<8x2048xf32>
    %swap3A_766 = arith.constant 0 : index
    %swap3A_767 = arith.constant 680 : index
    %swap3A_768 = arith.constant 0 : index
    %swap3A_769 = vector.load %arg2[%swap3A_766, %swap3A_767, %swap3A_768] : memref<1x2048x2048xf32, #tpu.memory_space<vmem>>, vector<1x8x2048xf32>
    %swap3A_770 = vector.shape_cast %swap3A_769 : vector<1x8x2048xf32> to vector<8x2048xf32>
    %swap3A_771 = vector.shape_cast %get3A_765 : vector<8x2048xf32> to vector<1x8x2048xf32>
    tpu.vector_store %arg2[%swap3A_766, %swap3A_767, %swap3A_768], %swap3A_771 {strides = array<i32>} : memref<1x2048x2048xf32, #tpu.memory_space<vmem>>, vector<1x8x2048xf32>,
    %get3A_772 = arith.constant 0 : index
    %get3A_773 = arith.constant 1352 : index
    %get3A_774 = vector.load %arg1[%get3A_772, %get3A_773] : memref<8x4088xf32, #tpu.memory_space<vmem>>, vector<8x2048xf32>
    %swap3A_775 = arith.constant 0 : index
    %swap3A_776 = arith.constant 688 : index
    %swap3A_777 = arith.constant 0 : index
    %swap3A_778 = vector.load %arg2[%swap3A_775, %swap3A_776, %swap3A_777] : memref<1x2048x2048xf32, #tpu.memory_space<vmem>>, vector<1x8x2048xf32>
    %swap3A_779 = vector.shape_cast %swap3A_778 : vector<1x8x2048xf32> to vector<8x2048xf32>
    %swap3A_780 = vector.shape_cast %get3A_774 : vector<8x2048xf32> to vector<1x8x2048xf32>
    tpu.vector_store %arg2[%swap3A_775, %swap3A_776, %swap3A_777], %swap3A_780 {strides = array<i32>} : memref<1x2048x2048xf32, #tpu.memory_space<vmem>>, vector<1x8x2048xf32>,
    %get3A_781 = arith.constant 0 : index
    %get3A_782 = arith.constant 1344 : index
    %get3A_783 = vector.load %arg1[%get3A_781, %get3A_782] : memref<8x4088xf32, #tpu.memory_space<vmem>>, vector<8x2048xf32>
    %swap3A_784 = arith.constant 0 : index
    %swap3A_785 = arith.constant 696 : index
    %swap3A_786 = arith.constant 0 : index
    %swap3A_787 = vector.load %arg2[%swap3A_784, %swap3A_785, %swap3A_786] : memref<1x2048x2048xf32, #tpu.memory_space<vmem>>, vector<1x8x2048xf32>
    %swap3A_788 = vector.shape_cast %swap3A_787 : vector<1x8x2048xf32> to vector<8x2048xf32>
    %swap3A_789 = vector.shape_cast %get3A_783 : vector<8x2048xf32> to vector<1x8x2048xf32>
    tpu.vector_store %arg2[%swap3A_784, %swap3A_785, %swap3A_786], %swap3A_789 {strides = array<i32>} : memref<1x2048x2048xf32, #tpu.memory_space<vmem>>, vector<1x8x2048xf32>,
    %get3A_790 = arith.constant 0 : index
    %get3A_791 = arith.constant 1336 : index
    %get3A_792 = vector.load %arg1[%get3A_790, %get3A_791] : memref<8x4088xf32, #tpu.memory_space<vmem>>, vector<8x2048xf32>
    %swap3A_793 = arith.constant 0 : index
    %swap3A_794 = arith.constant 704 : index
    %swap3A_795 = arith.constant 0 : index
    %swap3A_796 = vector.load %arg2[%swap3A_793, %swap3A_794, %swap3A_795] : memref<1x2048x2048xf32, #tpu.memory_space<vmem>>, vector<1x8x2048xf32>
    %swap3A_797 = vector.shape_cast %swap3A_796 : vector<1x8x2048xf32> to vector<8x2048xf32>
    %swap3A_798 = vector.shape_cast %get3A_792 : vector<8x2048xf32> to vector<1x8x2048xf32>
    tpu.vector_store %arg2[%swap3A_793, %swap3A_794, %swap3A_795], %swap3A_798 {strides = array<i32>} : memref<1x2048x2048xf32, #tpu.memory_space<vmem>>, vector<1x8x2048xf32>,
    %get3A_799 = arith.constant 0 : index
    %get3A_800 = arith.constant 1328 : index
    %get3A_801 = vector.load %arg1[%get3A_799, %get3A_800] : memref<8x4088xf32, #tpu.memory_space<vmem>>, vector<8x2048xf32>
    %swap3A_802 = arith.constant 0 : index
    %swap3A_803 = arith.constant 712 : index
    %swap3A_804 = arith.constant 0 : index
    %swap3A_805 = vector.load %arg2[%swap3A_802, %swap3A_803, %swap3A_804] : memref<1x2048x2048xf32, #tpu.memory_space<vmem>>, vector<1x8x2048xf32>
    %swap3A_806 = vector.shape_cast %swap3A_805 : vector<1x8x2048xf32> to vector<8x2048xf32>
    %swap3A_807 = vector.shape_cast %get3A_801 : vector<8x2048xf32> to vector<1x8x2048xf32>
    tpu.vector_store %arg2[%swap3A_802, %swap3A_803, %swap3A_804], %swap3A_807 {strides = array<i32>} : memref<1x2048x2048xf32, #tpu.memory_space<vmem>>, vector<1x8x2048xf32>,
    %get3A_808 = arith.constant 0 : index
    %get3A_809 = arith.constant 1320 : index
    %get3A_810 = vector.load %arg1[%get3A_808, %get3A_809] : memref<8x4088xf32, #tpu.memory_space<vmem>>, vector<8x2048xf32>
    %swap3A_811 = arith.constant 0 : index
    %swap3A_812 = arith.constant 720 : index
    %swap3A_813 = arith.constant 0 : index
    %swap3A_814 = vector.load %arg2[%swap3A_811, %swap3A_812, %swap3A_813] : memref<1x2048x2048xf32, #tpu.memory_space<vmem>>, vector<1x8x2048xf32>
    %swap3A_815 = vector.shape_cast %swap3A_814 : vector<1x8x2048xf32> to vector<8x2048xf32>
    %swap3A_816 = vector.shape_cast %get3A_810 : vector<8x2048xf32> to vector<1x8x2048xf32>
    tpu.vector_store %arg2[%swap3A_811, %swap3A_812, %swap3A_813], %swap3A_816 {strides = array<i32>} : memref<1x2048x2048xf32, #tpu.memory_space<vmem>>, vector<1x8x2048xf32>,
    %get3A_817 = arith.constant 0 : index
    %get3A_818 = arith.constant 1312 : index
    %get3A_819 = vector.load %arg1[%get3A_817, %get3A_818] : memref<8x4088xf32, #tpu.memory_space<vmem>>, vector<8x2048xf32>
    %swap3A_820 = arith.constant 0 : index
    %swap3A_821 = arith.constant 728 : index
    %swap3A_822 = arith.constant 0 : index
    %swap3A_823 = vector.load %arg2[%swap3A_820, %swap3A_821, %swap3A_822] : memref<1x2048x2048xf32, #tpu.memory_space<vmem>>, vector<1x8x2048xf32>
    %swap3A_824 = vector.shape_cast %swap3A_823 : vector<1x8x2048xf32> to vector<8x2048xf32>
    %swap3A_825 = vector.shape_cast %get3A_819 : vector<8x2048xf32> to vector<1x8x2048xf32>
    tpu.vector_store %arg2[%swap3A_820, %swap3A_821, %swap3A_822], %swap3A_825 {strides = array<i32>} : memref<1x2048x2048xf32, #tpu.memory_space<vmem>>, vector<1x8x2048xf32>,
    %get3A_826 = arith.constant 0 : index
    %get3A_827 = arith.constant 1304 : index
    %get3A_828 = vector.load %arg1[%get3A_826, %get3A_827] : memref<8x4088xf32, #tpu.memory_space<vmem>>, vector<8x2048xf32>
    %swap3A_829 = arith.constant 0 : index
    %swap3A_830 = arith.constant 736 : index
    %swap3A_831 = arith.constant 0 : index
    %swap3A_832 = vector.load %arg2[%swap3A_829, %swap3A_830, %swap3A_831] : memref<1x2048x2048xf32, #tpu.memory_space<vmem>>, vector<1x8x2048xf32>
    %swap3A_833 = vector.shape_cast %swap3A_832 : vector<1x8x2048xf32> to vector<8x2048xf32>
    %swap3A_834 = vector.shape_cast %get3A_828 : vector<8x2048xf32> to vector<1x8x2048xf32>
    tpu.vector_store %arg2[%swap3A_829, %swap3A_830, %swap3A_831], %swap3A_834 {strides = array<i32>} : memref<1x2048x2048xf32, #tpu.memory_space<vmem>>, vector<1x8x2048xf32>,
    %get3A_835 = arith.constant 0 : index
    %get3A_836 = arith.constant 1296 : index
    %get3A_837 = vector.load %arg1[%get3A_835, %get3A_836] : memref<8x4088xf32, #tpu.memory_space<vmem>>, vector<8x2048xf32>
    %swap3A_838 = arith.constant 0 : index
    %swap3A_839 = arith.constant 744 : index
    %swap3A_840 = arith.constant 0 : index
    %swap3A_841 = vector.load %arg2[%swap3A_838, %swap3A_839, %swap3A_840] : memref<1x2048x2048xf32, #tpu.memory_space<vmem>>, vector<1x8x2048xf32>
    %swap3A_842 = vector.shape_cast %swap3A_841 : vector<1x8x2048xf32> to vector<8x2048xf32>
    %swap3A_843 = vector.shape_cast %get3A_837 : vector<8x2048xf32> to vector<1x8x2048xf32>
    tpu.vector_store %arg2[%swap3A_838, %swap3A_839, %swap3A_840], %swap3A_843 {strides = array<i32>} : memref<1x2048x2048xf32, #tpu.memory_space<vmem>>, vector<1x8x2048xf32>,
    %get3A_844 = arith.constant 0 : index
    %get3A_845 = arith.constant 1288 : index
    %get3A_846 = vector.load %arg1[%get3A_844, %get3A_845] : memref<8x4088xf32, #tpu.memory_space<vmem>>, vector<8x2048xf32>
    %swap3A_847 = arith.constant 0 : index
    %swap3A_848 = arith.constant 752 : index
    %swap3A_849 = arith.constant 0 : index
    %swap3A_850 = vector.load %arg2[%swap3A_847, %swap3A_848, %swap3A_849] : memref<1x2048x2048xf32, #tpu.memory_space<vmem>>, vector<1x8x2048xf32>
    %swap3A_851 = vector.shape_cast %swap3A_850 : vector<1x8x2048xf32> to vector<8x2048xf32>
    %swap3A_852 = vector.shape_cast %get3A_846 : vector<8x2048xf32> to vector<1x8x2048xf32>
    tpu.vector_store %arg2[%swap3A_847, %swap3A_848, %swap3A_849], %swap3A_852 {strides = array<i32>} : memref<1x2048x2048xf32, #tpu.memory_space<vmem>>, vector<1x8x2048xf32>,
    %get3A_853 = arith.constant 0 : index
    %get3A_854 = arith.constant 1280 : index
    %get3A_855 = vector.load %arg1[%get3A_853, %get3A_854] : memref<8x4088xf32, #tpu.memory_space<vmem>>, vector<8x2048xf32>
    %swap3A_856 = arith.constant 0 : index
    %swap3A_857 = arith.constant 760 : index
    %swap3A_858 = arith.constant 0 : index
    %swap3A_859 = vector.load %arg2[%swap3A_856, %swap3A_857, %swap3A_858] : memref<1x2048x2048xf32, #tpu.memory_space<vmem>>, vector<1x8x2048xf32>
    %swap3A_860 = vector.shape_cast %swap3A_859 : vector<1x8x2048xf32> to vector<8x2048xf32>
    %swap3A_861 = vector.shape_cast %get3A_855 : vector<8x2048xf32> to vector<1x8x2048xf32>
    tpu.vector_store %arg2[%swap3A_856, %swap3A_857, %swap3A_858], %swap3A_861 {strides = array<i32>} : memref<1x2048x2048xf32, #tpu.memory_space<vmem>>, vector<1x8x2048xf32>,
    %get3A_862 = arith.constant 0 : index
    %get3A_863 = arith.constant 1272 : index
    %get3A_864 = vector.load %arg1[%get3A_862, %get3A_863] : memref<8x4088xf32, #tpu.memory_space<vmem>>, vector<8x2048xf32>
    %swap3A_865 = arith.constant 0 : index
    %swap3A_866 = arith.constant 768 : index
    %swap3A_867 = arith.constant 0 : index
    %swap3A_868 = vector.load %arg2[%swap3A_865, %swap3A_866, %swap3A_867] : memref<1x2048x2048xf32, #tpu.memory_space<vmem>>, vector<1x8x2048xf32>
    %swap3A_869 = vector.shape_cast %swap3A_868 : vector<1x8x2048xf32> to vector<8x2048xf32>
    %swap3A_870 = vector.shape_cast %get3A_864 : vector<8x2048xf32> to vector<1x8x2048xf32>
    tpu.vector_store %arg2[%swap3A_865, %swap3A_866, %swap3A_867], %swap3A_870 {strides = array<i32>} : memref<1x2048x2048xf32, #tpu.memory_space<vmem>>, vector<1x8x2048xf32>,
    %get3A_871 = arith.constant 0 : index
    %get3A_872 = arith.constant 1264 : index
    %get3A_873 = vector.load %arg1[%get3A_871, %get3A_872] : memref<8x4088xf32, #tpu.memory_space<vmem>>, vector<8x2048xf32>
    %swap3A_874 = arith.constant 0 : index
    %swap3A_875 = arith.constant 776 : index
    %swap3A_876 = arith.constant 0 : index
    %swap3A_877 = vector.load %arg2[%swap3A_874, %swap3A_875, %swap3A_876] : memref<1x2048x2048xf32, #tpu.memory_space<vmem>>, vector<1x8x2048xf32>
    %swap3A_878 = vector.shape_cast %swap3A_877 : vector<1x8x2048xf32> to vector<8x2048xf32>
    %swap3A_879 = vector.shape_cast %get3A_873 : vector<8x2048xf32> to vector<1x8x2048xf32>
    tpu.vector_store %arg2[%swap3A_874, %swap3A_875, %swap3A_876], %swap3A_879 {strides = array<i32>} : memref<1x2048x2048xf32, #tpu.memory_space<vmem>>, vector<1x8x2048xf32>,
    %get3A_880 = arith.constant 0 : index
    %get3A_881 = arith.constant 1256 : index
    %get3A_882 = vector.load %arg1[%get3A_880, %get3A_881] : memref<8x4088xf32, #tpu.memory_space<vmem>>, vector<8x2048xf32>
    %swap3A_883 = arith.constant 0 : index
    %swap3A_884 = arith.constant 784 : index
    %swap3A_885 = arith.constant 0 : index
    %swap3A_886 = vector.load %arg2[%swap3A_883, %swap3A_884, %swap3A_885] : memref<1x2048x2048xf32, #tpu.memory_space<vmem>>, vector<1x8x2048xf32>
    %swap3A_887 = vector.shape_cast %swap3A_886 : vector<1x8x2048xf32> to vector<8x2048xf32>
    %swap3A_888 = vector.shape_cast %get3A_882 : vector<8x2048xf32> to vector<1x8x2048xf32>
    tpu.vector_store %arg2[%swap3A_883, %swap3A_884, %swap3A_885], %swap3A_888 {strides = array<i32>} : memref<1x2048x2048xf32, #tpu.memory_space<vmem>>, vector<1x8x2048xf32>,
    %get3A_889 = arith.constant 0 : index
    %get3A_890 = arith.constant 1248 : index
    %get3A_891 = vector.load %arg1[%get3A_889, %get3A_890] : memref<8x4088xf32, #tpu.memory_space<vmem>>, vector<8x2048xf32>
    %swap3A_892 = arith.constant 0 : index
    %swap3A_893 = arith.constant 792 : index
    %swap3A_894 = arith.constant 0 : index
    %swap3A_895 = vector.load %arg2[%swap3A_892, %swap3A_893, %swap3A_894] : memref<1x2048x2048xf32, #tpu.memory_space<vmem>>, vector<1x8x2048xf32>
    %swap3A_896 = vector.shape_cast %swap3A_895 : vector<1x8x2048xf32> to vector<8x2048xf32>
    %swap3A_897 = vector.shape_cast %get3A_891 : vector<8x2048xf32> to vector<1x8x2048xf32>
    tpu.vector_store %arg2[%swap3A_892, %swap3A_893, %swap3A_894], %swap3A_897 {strides = array<i32>} : memref<1x2048x2048xf32, #tpu.memory_space<vmem>>, vector<1x8x2048xf32>,
    %get3A_898 = arith.constant 0 : index
    %get3A_899 = arith.constant 1240 : index
    %get3A_900 = vector.load %arg1[%get3A_898, %get3A_899] : memref<8x4088xf32, #tpu.memory_space<vmem>>, vector<8x2048xf32>
    %swap3A_901 = arith.constant 0 : index
    %swap3A_902 = arith.constant 800 : index
    %swap3A_903 = arith.constant 0 : index
    %swap3A_904 = vector.load %arg2[%swap3A_901, %swap3A_902, %swap3A_903] : memref<1x2048x2048xf32, #tpu.memory_space<vmem>>, vector<1x8x2048xf32>
    %swap3A_905 = vector.shape_cast %swap3A_904 : vector<1x8x2048xf32> to vector<8x2048xf32>
    %swap3A_906 = vector.shape_cast %get3A_900 : vector<8x2048xf32> to vector<1x8x2048xf32>
    tpu.vector_store %arg2[%swap3A_901, %swap3A_902, %swap3A_903], %swap3A_906 {strides = array<i32>} : memref<1x2048x2048xf32, #tpu.memory_space<vmem>>, vector<1x8x2048xf32>,
    %get3A_907 = arith.constant 0 : index
    %get3A_908 = arith.constant 1232 : index
    %get3A_909 = vector.load %arg1[%get3A_907, %get3A_908] : memref<8x4088xf32, #tpu.memory_space<vmem>>, vector<8x2048xf32>
    %swap3A_910 = arith.constant 0 : index
    %swap3A_911 = arith.constant 808 : index
    %swap3A_912 = arith.constant 0 : index
    %swap3A_913 = vector.load %arg2[%swap3A_910, %swap3A_911, %swap3A_912] : memref<1x2048x2048xf32, #tpu.memory_space<vmem>>, vector<1x8x2048xf32>
    %swap3A_914 = vector.shape_cast %swap3A_913 : vector<1x8x2048xf32> to vector<8x2048xf32>
    %swap3A_915 = vector.shape_cast %get3A_909 : vector<8x2048xf32> to vector<1x8x2048xf32>
    tpu.vector_store %arg2[%swap3A_910, %swap3A_911, %swap3A_912], %swap3A_915 {strides = array<i32>} : memref<1x2048x2048xf32, #tpu.memory_space<vmem>>, vector<1x8x2048xf32>,
    %get3A_916 = arith.constant 0 : index
    %get3A_917 = arith.constant 1224 : index
    %get3A_918 = vector.load %arg1[%get3A_916, %get3A_917] : memref<8x4088xf32, #tpu.memory_space<vmem>>, vector<8x2048xf32>
    %swap3A_919 = arith.constant 0 : index
    %swap3A_920 = arith.constant 816 : index
    %swap3A_921 = arith.constant 0 : index
    %swap3A_922 = vector.load %arg2[%swap3A_919, %swap3A_920, %swap3A_921] : memref<1x2048x2048xf32, #tpu.memory_space<vmem>>, vector<1x8x2048xf32>
    %swap3A_923 = vector.shape_cast %swap3A_922 : vector<1x8x2048xf32> to vector<8x2048xf32>
    %swap3A_924 = vector.shape_cast %get3A_918 : vector<8x2048xf32> to vector<1x8x2048xf32>
    tpu.vector_store %arg2[%swap3A_919, %swap3A_920, %swap3A_921], %swap3A_924 {strides = array<i32>} : memref<1x2048x2048xf32, #tpu.memory_space<vmem>>, vector<1x8x2048xf32>,
    %get3A_925 = arith.constant 0 : index
    %get3A_926 = arith.constant 1216 : index
    %get3A_927 = vector.load %arg1[%get3A_925, %get3A_926] : memref<8x4088xf32, #tpu.memory_space<vmem>>, vector<8x2048xf32>
    %swap3A_928 = arith.constant 0 : index
    %swap3A_929 = arith.constant 824 : index
    %swap3A_930 = arith.constant 0 : index
    %swap3A_931 = vector.load %arg2[%swap3A_928, %swap3A_929, %swap3A_930] : memref<1x2048x2048xf32, #tpu.memory_space<vmem>>, vector<1x8x2048xf32>
    %swap3A_932 = vector.shape_cast %swap3A_931 : vector<1x8x2048xf32> to vector<8x2048xf32>
    %swap3A_933 = vector.shape_cast %get3A_927 : vector<8x2048xf32> to vector<1x8x2048xf32>
    tpu.vector_store %arg2[%swap3A_928, %swap3A_929, %swap3A_930], %swap3A_933 {strides = array<i32>} : memref<1x2048x2048xf32, #tpu.memory_space<vmem>>, vector<1x8x2048xf32>,
    %get3A_934 = arith.constant 0 : index
    %get3A_935 = arith.constant 1208 : index
    %get3A_936 = vector.load %arg1[%get3A_934, %get3A_935] : memref<8x4088xf32, #tpu.memory_space<vmem>>, vector<8x2048xf32>
    %swap3A_937 = arith.constant 0 : index
    %swap3A_938 = arith.constant 832 : index
    %swap3A_939 = arith.constant 0 : index
    %swap3A_940 = vector.load %arg2[%swap3A_937, %swap3A_938, %swap3A_939] : memref<1x2048x2048xf32, #tpu.memory_space<vmem>>, vector<1x8x2048xf32>
    %swap3A_941 = vector.shape_cast %swap3A_940 : vector<1x8x2048xf32> to vector<8x2048xf32>
    %swap3A_942 = vector.shape_cast %get3A_936 : vector<8x2048xf32> to vector<1x8x2048xf32>
    tpu.vector_store %arg2[%swap3A_937, %swap3A_938, %swap3A_939], %swap3A_942 {strides = array<i32>} : memref<1x2048x2048xf32, #tpu.memory_space<vmem>>, vector<1x8x2048xf32>,
    %get3A_943 = arith.constant 0 : index
    %get3A_944 = arith.constant 1200 : index
    %get3A_945 = vector.load %arg1[%get3A_943, %get3A_944] : memref<8x4088xf32, #tpu.memory_space<vmem>>, vector<8x2048xf32>
    %swap3A_946 = arith.constant 0 : index
    %swap3A_947 = arith.constant 840 : index
    %swap3A_948 = arith.constant 0 : index
    %swap3A_949 = vector.load %arg2[%swap3A_946, %swap3A_947, %swap3A_948] : memref<1x2048x2048xf32, #tpu.memory_space<vmem>>, vector<1x8x2048xf32>
    %swap3A_950 = vector.shape_cast %swap3A_949 : vector<1x8x2048xf32> to vector<8x2048xf32>
    %swap3A_951 = vector.shape_cast %get3A_945 : vector<8x2048xf32> to vector<1x8x2048xf32>
    tpu.vector_store %arg2[%swap3A_946, %swap3A_947, %swap3A_948], %swap3A_951 {strides = array<i32>} : memref<1x2048x2048xf32, #tpu.memory_space<vmem>>, vector<1x8x2048xf32>,
    %get3A_952 = arith.constant 0 : index
    %get3A_953 = arith.constant 1192 : index
    %get3A_954 = vector.load %arg1[%get3A_952, %get3A_953] : memref<8x4088xf32, #tpu.memory_space<vmem>>, vector<8x2048xf32>
    %swap3A_955 = arith.constant 0 : index
    %swap3A_956 = arith.constant 848 : index
    %swap3A_957 = arith.constant 0 : index
    %swap3A_958 = vector.load %arg2[%swap3A_955, %swap3A_956, %swap3A_957] : memref<1x2048x2048xf32, #tpu.memory_space<vmem>>, vector<1x8x2048xf32>
    %swap3A_959 = vector.shape_cast %swap3A_958 : vector<1x8x2048xf32> to vector<8x2048xf32>
    %swap3A_960 = vector.shape_cast %get3A_954 : vector<8x2048xf32> to vector<1x8x2048xf32>
    tpu.vector_store %arg2[%swap3A_955, %swap3A_956, %swap3A_957], %swap3A_960 {strides = array<i32>} : memref<1x2048x2048xf32, #tpu.memory_space<vmem>>, vector<1x8x2048xf32>,
    %get3A_961 = arith.constant 0 : index
    %get3A_962 = arith.constant 1184 : index
    %get3A_963 = vector.load %arg1[%get3A_961, %get3A_962] : memref<8x4088xf32, #tpu.memory_space<vmem>>, vector<8x2048xf32>
    %swap3A_964 = arith.constant 0 : index
    %swap3A_965 = arith.constant 856 : index
    %swap3A_966 = arith.constant 0 : index
    %swap3A_967 = vector.load %arg2[%swap3A_964, %swap3A_965, %swap3A_966] : memref<1x2048x2048xf32, #tpu.memory_space<vmem>>, vector<1x8x2048xf32>
    %swap3A_968 = vector.shape_cast %swap3A_967 : vector<1x8x2048xf32> to vector<8x2048xf32>
    %swap3A_969 = vector.shape_cast %get3A_963 : vector<8x2048xf32> to vector<1x8x2048xf32>
    tpu.vector_store %arg2[%swap3A_964, %swap3A_965, %swap3A_966], %swap3A_969 {strides = array<i32>} : memref<1x2048x2048xf32, #tpu.memory_space<vmem>>, vector<1x8x2048xf32>,
    %get3A_970 = arith.constant 0 : index
    %get3A_971 = arith.constant 1176 : index
    %get3A_972 = vector.load %arg1[%get3A_970, %get3A_971] : memref<8x4088xf32, #tpu.memory_space<vmem>>, vector<8x2048xf32>
    %swap3A_973 = arith.constant 0 : index
    %swap3A_974 = arith.constant 864 : index
    %swap3A_975 = arith.constant 0 : index
    %swap3A_976 = vector.load %arg2[%swap3A_973, %swap3A_974, %swap3A_975] : memref<1x2048x2048xf32, #tpu.memory_space<vmem>>, vector<1x8x2048xf32>
    %swap3A_977 = vector.shape_cast %swap3A_976 : vector<1x8x2048xf32> to vector<8x2048xf32>
    %swap3A_978 = vector.shape_cast %get3A_972 : vector<8x2048xf32> to vector<1x8x2048xf32>
    tpu.vector_store %arg2[%swap3A_973, %swap3A_974, %swap3A_975], %swap3A_978 {strides = array<i32>} : memref<1x2048x2048xf32, #tpu.memory_space<vmem>>, vector<1x8x2048xf32>,
    %get3A_979 = arith.constant 0 : index
    %get3A_980 = arith.constant 1168 : index
    %get3A_981 = vector.load %arg1[%get3A_979, %get3A_980] : memref<8x4088xf32, #tpu.memory_space<vmem>>, vector<8x2048xf32>
    %swap3A_982 = arith.constant 0 : index
    %swap3A_983 = arith.constant 872 : index
    %swap3A_984 = arith.constant 0 : index
    %swap3A_985 = vector.load %arg2[%swap3A_982, %swap3A_983, %swap3A_984] : memref<1x2048x2048xf32, #tpu.memory_space<vmem>>, vector<1x8x2048xf32>
    %swap3A_986 = vector.shape_cast %swap3A_985 : vector<1x8x2048xf32> to vector<8x2048xf32>
    %swap3A_987 = vector.shape_cast %get3A_981 : vector<8x2048xf32> to vector<1x8x2048xf32>
    tpu.vector_store %arg2[%swap3A_982, %swap3A_983, %swap3A_984], %swap3A_987 {strides = array<i32>} : memref<1x2048x2048xf32, #tpu.memory_space<vmem>>, vector<1x8x2048xf32>,
    %get3A_988 = arith.constant 0 : index
    %get3A_989 = arith.constant 1160 : index
    %get3A_990 = vector.load %arg1[%get3A_988, %get3A_989] : memref<8x4088xf32, #tpu.memory_space<vmem>>, vector<8x2048xf32>
    %swap3A_991 = arith.constant 0 : index
    %swap3A_992 = arith.constant 880 : index
    %swap3A_993 = arith.constant 0 : index
    %swap3A_994 = vector.load %arg2[%swap3A_991, %swap3A_992, %swap3A_993] : memref<1x2048x2048xf32, #tpu.memory_space<vmem>>, vector<1x8x2048xf32>
    %swap3A_995 = vector.shape_cast %swap3A_994 : vector<1x8x2048xf32> to vector<8x2048xf32>
    %swap3A_996 = vector.shape_cast %get3A_990 : vector<8x2048xf32> to vector<1x8x2048xf32>
    tpu.vector_store %arg2[%swap3A_991, %swap3A_992, %swap3A_993], %swap3A_996 {strides = array<i32>} : memref<1x2048x2048xf32, #tpu.memory_space<vmem>>, vector<1x8x2048xf32>,
    %get3A_997 = arith.constant 0 : index
    %get3A_998 = arith.constant 1152 : index
    %get3A_999 = vector.load %arg1[%get3A_997, %get3A_998] : memref<8x4088xf32, #tpu.memory_space<vmem>>, vector<8x2048xf32>
    %swap3A_1000 = arith.constant 0 : index
    %swap3A_1001 = arith.constant 888 : index
    %swap3A_1002 = arith.constant 0 : index
    %swap3A_1003 = vector.load %arg2[%swap3A_1000, %swap3A_1001, %swap3A_1002] : memref<1x2048x2048xf32, #tpu.memory_space<vmem>>, vector<1x8x2048xf32>
    %swap3A_1004 = vector.shape_cast %swap3A_1003 : vector<1x8x2048xf32> to vector<8x2048xf32>
    %swap3A_1005 = vector.shape_cast %get3A_999 : vector<8x2048xf32> to vector<1x8x2048xf32>
    tpu.vector_store %arg2[%swap3A_1000, %swap3A_1001, %swap3A_1002], %swap3A_1005 {strides = array<i32>} : memref<1x2048x2048xf32, #tpu.memory_space<vmem>>, vector<1x8x2048xf32>,
    %get3A_1006 = arith.constant 0 : index
    %get3A_1007 = arith.constant 1144 : index
    %get3A_1008 = vector.load %arg1[%get3A_1006, %get3A_1007] : memref<8x4088xf32, #tpu.memory_space<vmem>>, vector<8x2048xf32>
    %swap3A_1009 = arith.constant 0 : index
    %swap3A_1010 = arith.constant 896 : index
    %swap3A_1011 = arith.constant 0 : index
    %swap3A_1012 = vector.load %arg2[%swap3A_1009, %swap3A_1010, %swap3A_1011] : memref<1x2048x2048xf32, #tpu.memory_space<vmem>>, vector<1x8x2048xf32>
    %swap3A_1013 = vector.shape_cast %swap3A_1012 : vector<1x8x2048xf32> to vector<8x2048xf32>
    %swap3A_1014 = vector.shape_cast %get3A_1008 : vector<8x2048xf32> to vector<1x8x2048xf32>
    tpu.vector_store %arg2[%swap3A_1009, %swap3A_1010, %swap3A_1011], %swap3A_1014 {strides = array<i32>} : memref<1x2048x2048xf32, #tpu.memory_space<vmem>>, vector<1x8x2048xf32>,
    %get3A_1015 = arith.constant 0 : index
    %get3A_1016 = arith.constant 1136 : index
    %get3A_1017 = vector.load %arg1[%get3A_1015, %get3A_1016] : memref<8x4088xf32, #tpu.memory_space<vmem>>, vector<8x2048xf32>
    %swap3A_1018 = arith.constant 0 : index
    %swap3A_1019 = arith.constant 904 : index
    %swap3A_1020 = arith.constant 0 : index
    %swap3A_1021 = vector.load %arg2[%swap3A_1018, %swap3A_1019, %swap3A_1020] : memref<1x2048x2048xf32, #tpu.memory_space<vmem>>, vector<1x8x2048xf32>
    %swap3A_1022 = vector.shape_cast %swap3A_1021 : vector<1x8x2048xf32> to vector<8x2048xf32>
    %swap3A_1023 = vector.shape_cast %get3A_1017 : vector<8x2048xf32> to vector<1x8x2048xf32>
    tpu.vector_store %arg2[%swap3A_1018, %swap3A_1019, %swap3A_1020], %swap3A_1023 {strides = array<i32>} : memref<1x2048x2048xf32, #tpu.memory_space<vmem>>, vector<1x8x2048xf32>,
    %get3A_1024 = arith.constant 0 : index
    %get3A_1025 = arith.constant 1128 : index
    %get3A_1026 = vector.load %arg1[%get3A_1024, %get3A_1025] : memref<8x4088xf32, #tpu.memory_space<vmem>>, vector<8x2048xf32>
    %swap3A_1027 = arith.constant 0 : index
    %swap3A_1028 = arith.constant 912 : index
    %swap3A_1029 = arith.constant 0 : index
    %swap3A_1030 = vector.load %arg2[%swap3A_1027, %swap3A_1028, %swap3A_1029] : memref<1x2048x2048xf32, #tpu.memory_space<vmem>>, vector<1x8x2048xf32>
    %swap3A_1031 = vector.shape_cast %swap3A_1030 : vector<1x8x2048xf32> to vector<8x2048xf32>
    %swap3A_1032 = vector.shape_cast %get3A_1026 : vector<8x2048xf32> to vector<1x8x2048xf32>
    tpu.vector_store %arg2[%swap3A_1027, %swap3A_1028, %swap3A_1029], %swap3A_1032 {strides = array<i32>} : memref<1x2048x2048xf32, #tpu.memory_space<vmem>>, vector<1x8x2048xf32>,
    %get3A_1033 = arith.constant 0 : index
    %get3A_1034 = arith.constant 1120 : index
    %get3A_1035 = vector.load %arg1[%get3A_1033, %get3A_1034] : memref<8x4088xf32, #tpu.memory_space<vmem>>, vector<8x2048xf32>
    %swap3A_1036 = arith.constant 0 : index
    %swap3A_1037 = arith.constant 920 : index
    %swap3A_1038 = arith.constant 0 : index
    %swap3A_1039 = vector.load %arg2[%swap3A_1036, %swap3A_1037, %swap3A_1038] : memref<1x2048x2048xf32, #tpu.memory_space<vmem>>, vector<1x8x2048xf32>
    %swap3A_1040 = vector.shape_cast %swap3A_1039 : vector<1x8x2048xf32> to vector<8x2048xf32>
    %swap3A_1041 = vector.shape_cast %get3A_1035 : vector<8x2048xf32> to vector<1x8x2048xf32>
    tpu.vector_store %arg2[%swap3A_1036, %swap3A_1037, %swap3A_1038], %swap3A_1041 {strides = array<i32>} : memref<1x2048x2048xf32, #tpu.memory_space<vmem>>, vector<1x8x2048xf32>,
    %get3A_1042 = arith.constant 0 : index
    %get3A_1043 = arith.constant 1112 : index
    %get3A_1044 = vector.load %arg1[%get3A_1042, %get3A_1043] : memref<8x4088xf32, #tpu.memory_space<vmem>>, vector<8x2048xf32>
    %swap3A_1045 = arith.constant 0 : index
    %swap3A_1046 = arith.constant 928 : index
    %swap3A_1047 = arith.constant 0 : index
    %swap3A_1048 = vector.load %arg2[%swap3A_1045, %swap3A_1046, %swap3A_1047] : memref<1x2048x2048xf32, #tpu.memory_space<vmem>>, vector<1x8x2048xf32>
    %swap3A_1049 = vector.shape_cast %swap3A_1048 : vector<1x8x2048xf32> to vector<8x2048xf32>
    %swap3A_1050 = vector.shape_cast %get3A_1044 : vector<8x2048xf32> to vector<1x8x2048xf32>
    tpu.vector_store %arg2[%swap3A_1045, %swap3A_1046, %swap3A_1047], %swap3A_1050 {strides = array<i32>} : memref<1x2048x2048xf32, #tpu.memory_space<vmem>>, vector<1x8x2048xf32>,
    %get3A_1051 = arith.constant 0 : index
    %get3A_1052 = arith.constant 1104 : index
    %get3A_1053 = vector.load %arg1[%get3A_1051, %get3A_1052] : memref<8x4088xf32, #tpu.memory_space<vmem>>, vector<8x2048xf32>
    %swap3A_1054 = arith.constant 0 : index
    %swap3A_1055 = arith.constant 936 : index
    %swap3A_1056 = arith.constant 0 : index
    %swap3A_1057 = vector.load %arg2[%swap3A_1054, %swap3A_1055, %swap3A_1056] : memref<1x2048x2048xf32, #tpu.memory_space<vmem>>, vector<1x8x2048xf32>
    %swap3A_1058 = vector.shape_cast %swap3A_1057 : vector<1x8x2048xf32> to vector<8x2048xf32>
    %swap3A_1059 = vector.shape_cast %get3A_1053 : vector<8x2048xf32> to vector<1x8x2048xf32>
    tpu.vector_store %arg2[%swap3A_1054, %swap3A_1055, %swap3A_1056], %swap3A_1059 {strides = array<i32>} : memref<1x2048x2048xf32, #tpu.memory_space<vmem>>, vector<1x8x2048xf32>,
    %get3A_1060 = arith.constant 0 : index
    %get3A_1061 = arith.constant 1096 : index
    %get3A_1062 = vector.load %arg1[%get3A_1060, %get3A_1061] : memref<8x4088xf32, #tpu.memory_space<vmem>>, vector<8x2048xf32>
    %swap3A_1063 = arith.constant 0 : index
    %swap3A_1064 = arith.constant 944 : index
    %swap3A_1065 = arith.constant 0 : index
    %swap3A_1066 = vector.load %arg2[%swap3A_1063, %swap3A_1064, %swap3A_1065] : memref<1x2048x2048xf32, #tpu.memory_space<vmem>>, vector<1x8x2048xf32>
    %swap3A_1067 = vector.shape_cast %swap3A_1066 : vector<1x8x2048xf32> to vector<8x2048xf32>
    %swap3A_1068 = vector.shape_cast %get3A_1062 : vector<8x2048xf32> to vector<1x8x2048xf32>
    tpu.vector_store %arg2[%swap3A_1063, %swap3A_1064, %swap3A_1065], %swap3A_1068 {strides = array<i32>} : memref<1x2048x2048xf32, #tpu.memory_space<vmem>>, vector<1x8x2048xf32>,
    %get3A_1069 = arith.constant 0 : index
    %get3A_1070 = arith.constant 1088 : index
    %get3A_1071 = vector.load %arg1[%get3A_1069, %get3A_1070] : memref<8x4088xf32, #tpu.memory_space<vmem>>, vector<8x2048xf32>
    %swap3A_1072 = arith.constant 0 : index
    %swap3A_1073 = arith.constant 952 : index
    %swap3A_1074 = arith.constant 0 : index
    %swap3A_1075 = vector.load %arg2[%swap3A_1072, %swap3A_1073, %swap3A_1074] : memref<1x2048x2048xf32, #tpu.memory_space<vmem>>, vector<1x8x2048xf32>
    %swap3A_1076 = vector.shape_cast %swap3A_1075 : vector<1x8x2048xf32> to vector<8x2048xf32>
    %swap3A_1077 = vector.shape_cast %get3A_1071 : vector<8x2048xf32> to vector<1x8x2048xf32>
    tpu.vector_store %arg2[%swap3A_1072, %swap3A_1073, %swap3A_1074], %swap3A_1077 {strides = array<i32>} : memref<1x2048x2048xf32, #tpu.memory_space<vmem>>, vector<1x8x2048xf32>,
    %get3A_1078 = arith.constant 0 : index
    %get3A_1079 = arith.constant 1080 : index
    %get3A_1080 = vector.load %arg1[%get3A_1078, %get3A_1079] : memref<8x4088xf32, #tpu.memory_space<vmem>>, vector<8x2048xf32>
    %swap3A_1081 = arith.constant 0 : index
    %swap3A_1082 = arith.constant 960 : index
    %swap3A_1083 = arith.constant 0 : index
    %swap3A_1084 = vector.load %arg2[%swap3A_1081, %swap3A_1082, %swap3A_1083] : memref<1x2048x2048xf32, #tpu.memory_space<vmem>>, vector<1x8x2048xf32>
    %swap3A_1085 = vector.shape_cast %swap3A_1084 : vector<1x8x2048xf32> to vector<8x2048xf32>
    %swap3A_1086 = vector.shape_cast %get3A_1080 : vector<8x2048xf32> to vector<1x8x2048xf32>
    tpu.vector_store %arg2[%swap3A_1081, %swap3A_1082, %swap3A_1083], %swap3A_1086 {strides = array<i32>} : memref<1x2048x2048xf32, #tpu.memory_space<vmem>>, vector<1x8x2048xf32>,
    %get3A_1087 = arith.constant 0 : index
    %get3A_1088 = arith.constant 1072 : index
    %get3A_1089 = vector.load %arg1[%get3A_1087, %get3A_1088] : memref<8x4088xf32, #tpu.memory_space<vmem>>, vector<8x2048xf32>
    %swap3A_1090 = arith.constant 0 : index
    %swap3A_1091 = arith.constant 968 : index
    %swap3A_1092 = arith.constant 0 : index
    %swap3A_1093 = vector.load %arg2[%swap3A_1090, %swap3A_1091, %swap3A_1092] : memref<1x2048x2048xf32, #tpu.memory_space<vmem>>, vector<1x8x2048xf32>
    %swap3A_1094 = vector.shape_cast %swap3A_1093 : vector<1x8x2048xf32> to vector<8x2048xf32>
    %swap3A_1095 = vector.shape_cast %get3A_1089 : vector<8x2048xf32> to vector<1x8x2048xf32>
    tpu.vector_store %arg2[%swap3A_1090, %swap3A_1091, %swap3A_1092], %swap3A_1095 {strides = array<i32>} : memref<1x2048x2048xf32, #tpu.memory_space<vmem>>, vector<1x8x2048xf32>,
    %get3A_1096 = arith.constant 0 : index
    %get3A_1097 = arith.constant 1064 : index
    %get3A_1098 = vector.load %arg1[%get3A_1096, %get3A_1097] : memref<8x4088xf32, #tpu.memory_space<vmem>>, vector<8x2048xf32>
    %swap3A_1099 = arith.constant 0 : index
    %swap3A_1100 = arith.constant 976 : index
    %swap3A_1101 = arith.constant 0 : index
    %swap3A_1102 = vector.load %arg2[%swap3A_1099, %swap3A_1100, %swap3A_1101] : memref<1x2048x2048xf32, #tpu.memory_space<vmem>>, vector<1x8x2048xf32>
    %swap3A_1103 = vector.shape_cast %swap3A_1102 : vector<1x8x2048xf32> to vector<8x2048xf32>
    %swap3A_1104 = vector.shape_cast %get3A_1098 : vector<8x2048xf32> to vector<1x8x2048xf32>
    tpu.vector_store %arg2[%swap3A_1099, %swap3A_1100, %swap3A_1101], %swap3A_1104 {strides = array<i32>} : memref<1x2048x2048xf32, #tpu.memory_space<vmem>>, vector<1x8x2048xf32>,
    %get3A_1105 = arith.constant 0 : index
    %get3A_1106 = arith.constant 1056 : index
    %get3A_1107 = vector.load %arg1[%get3A_1105, %get3A_1106] : memref<8x4088xf32, #tpu.memory_space<vmem>>, vector<8x2048xf32>
    %swap3A_1108 = arith.constant 0 : index
    %swap3A_1109 = arith.constant 984 : index
    %swap3A_1110 = arith.constant 0 : index
    %swap3A_1111 = vector.load %arg2[%swap3A_1108, %swap3A_1109, %swap3A_1110] : memref<1x2048x2048xf32, #tpu.memory_space<vmem>>, vector<1x8x2048xf32>
    %swap3A_1112 = vector.shape_cast %swap3A_1111 : vector<1x8x2048xf32> to vector<8x2048xf32>
    %swap3A_1113 = vector.shape_cast %get3A_1107 : vector<8x2048xf32> to vector<1x8x2048xf32>
    tpu.vector_store %arg2[%swap3A_1108, %swap3A_1109, %swap3A_1110], %swap3A_1113 {strides = array<i32>} : memref<1x2048x2048xf32, #tpu.memory_space<vmem>>, vector<1x8x2048xf32>,
    %get3A_1114 = arith.constant 0 : index
    %get3A_1115 = arith.constant 1048 : index
    %get3A_1116 = vector.load %arg1[%get3A_1114, %get3A_1115] : memref<8x4088xf32, #tpu.memory_space<vmem>>, vector<8x2048xf32>
    %swap3A_1117 = arith.constant 0 : index
    %swap3A_1118 = arith.constant 992 : index
    %swap3A_1119 = arith.constant 0 : index
    %swap3A_1120 = vector.load %arg2[%swap3A_1117, %swap3A_1118, %swap3A_1119] : memref<1x2048x2048xf32, #tpu.memory_space<vmem>>, vector<1x8x2048xf32>
    %swap3A_1121 = vector.shape_cast %swap3A_1120 : vector<1x8x2048xf32> to vector<8x2048xf32>
    %swap3A_1122 = vector.shape_cast %get3A_1116 : vector<8x2048xf32> to vector<1x8x2048xf32>
    tpu.vector_store %arg2[%swap3A_1117, %swap3A_1118, %swap3A_1119], %swap3A_1122 {strides = array<i32>} : memref<1x2048x2048xf32, #tpu.memory_space<vmem>>, vector<1x8x2048xf32>,
    %get3A_1123 = arith.constant 0 : index
    %get3A_1124 = arith.constant 1040 : index
    %get3A_1125 = vector.load %arg1[%get3A_1123, %get3A_1124] : memref<8x4088xf32, #tpu.memory_space<vmem>>, vector<8x2048xf32>
    %swap3A_1126 = arith.constant 0 : index
    %swap3A_1127 = arith.constant 1000 : index
    %swap3A_1128 = arith.constant 0 : index
    %swap3A_1129 = vector.load %arg2[%swap3A_1126, %swap3A_1127, %swap3A_1128] : memref<1x2048x2048xf32, #tpu.memory_space<vmem>>, vector<1x8x2048xf32>
    %swap3A_1130 = vector.shape_cast %swap3A_1129 : vector<1x8x2048xf32> to vector<8x2048xf32>
    %swap3A_1131 = vector.shape_cast %get3A_1125 : vector<8x2048xf32> to vector<1x8x2048xf32>
    tpu.vector_store %arg2[%swap3A_1126, %swap3A_1127, %swap3A_1128], %swap3A_1131 {strides = array<i32>} : memref<1x2048x2048xf32, #tpu.memory_space<vmem>>, vector<1x8x2048xf32>,
    %get3A_1132 = arith.constant 0 : index
    %get3A_1133 = arith.constant 1032 : index
    %get3A_1134 = vector.load %arg1[%get3A_1132, %get3A_1133] : memref<8x4088xf32, #tpu.memory_space<vmem>>, vector<8x2048xf32>
    %swap3A_1135 = arith.constant 0 : index
    %swap3A_1136 = arith.constant 1008 : index
    %swap3A_1137 = arith.constant 0 : index
    %swap3A_1138 = vector.load %arg2[%swap3A_1135, %swap3A_1136, %swap3A_1137] : memref<1x2048x2048xf32, #tpu.memory_space<vmem>>, vector<1x8x2048xf32>
    %swap3A_1139 = vector.shape_cast %swap3A_1138 : vector<1x8x2048xf32> to vector<8x2048xf32>
    %swap3A_1140 = vector.shape_cast %get3A_1134 : vector<8x2048xf32> to vector<1x8x2048xf32>
    tpu.vector_store %arg2[%swap3A_1135, %swap3A_1136, %swap3A_1137], %swap3A_1140 {strides = array<i32>} : memref<1x2048x2048xf32, #tpu.memory_space<vmem>>, vector<1x8x2048xf32>,
    %get3A_1141 = arith.constant 0 : index
    %get3A_1142 = arith.constant 1024 : index
    %get3A_1143 = vector.load %arg1[%get3A_1141, %get3A_1142] : memref<8x4088xf32, #tpu.memory_space<vmem>>, vector<8x2048xf32>
    %swap3A_1144 = arith.constant 0 : index
    %swap3A_1145 = arith.constant 1016 : index
    %swap3A_1146 = arith.constant 0 : index
    %swap3A_1147 = vector.load %arg2[%swap3A_1144, %swap3A_1145, %swap3A_1146] : memref<1x2048x2048xf32, #tpu.memory_space<vmem>>, vector<1x8x2048xf32>
    %swap3A_1148 = vector.shape_cast %swap3A_1147 : vector<1x8x2048xf32> to vector<8x2048xf32>
    %swap3A_1149 = vector.shape_cast %get3A_1143 : vector<8x2048xf32> to vector<1x8x2048xf32>
    tpu.vector_store %arg2[%swap3A_1144, %swap3A_1145, %swap3A_1146], %swap3A_1149 {strides = array<i32>} : memref<1x2048x2048xf32, #tpu.memory_space<vmem>>, vector<1x8x2048xf32>,
    %get3A_1150 = arith.constant 0 : index
    %get3A_1151 = arith.constant 1016 : index
    %get3A_1152 = vector.load %arg1[%get3A_1150, %get3A_1151] : memref<8x4088xf32, #tpu.memory_space<vmem>>, vector<8x2048xf32>
    %swap3A_1153 = arith.constant 0 : index
    %swap3A_1154 = arith.constant 1024 : index
    %swap3A_1155 = arith.constant 0 : index
    %swap3A_1156 = vector.load %arg2[%swap3A_1153, %swap3A_1154, %swap3A_1155] : memref<1x2048x2048xf32, #tpu.memory_space<vmem>>, vector<1x8x2048xf32>
    %swap3A_1157 = vector.shape_cast %swap3A_1156 : vector<1x8x2048xf32> to vector<8x2048xf32>
    %swap3A_1158 = vector.shape_cast %get3A_1152 : vector<8x2048xf32> to vector<1x8x2048xf32>
    tpu.vector_store %arg2[%swap3A_1153, %swap3A_1154, %swap3A_1155], %swap3A_1158 {strides = array<i32>} : memref<1x2048x2048xf32, #tpu.memory_space<vmem>>, vector<1x8x2048xf32>,
    %get3A_1159 = arith.constant 0 : index
    %get3A_1160 = arith.constant 1008 : index
    %get3A_1161 = vector.load %arg1[%get3A_1159, %get3A_1160] : memref<8x4088xf32, #tpu.memory_space<vmem>>, vector<8x2048xf32>
    %swap3A_1162 = arith.constant 0 : index
    %swap3A_1163 = arith.constant 1032 : index
    %swap3A_1164 = arith.constant 0 : index
    %swap3A_1165 = vector.load %arg2[%swap3A_1162, %swap3A_1163, %swap3A_1164] : memref<1x2048x2048xf32, #tpu.memory_space<vmem>>, vector<1x8x2048xf32>
    %swap3A_1166 = vector.shape_cast %swap3A_1165 : vector<1x8x2048xf32> to vector<8x2048xf32>
    %swap3A_1167 = vector.shape_cast %get3A_1161 : vector<8x2048xf32> to vector<1x8x2048xf32>
    tpu.vector_store %arg2[%swap3A_1162, %swap3A_1163, %swap3A_1164], %swap3A_1167 {strides = array<i32>} : memref<1x2048x2048xf32, #tpu.memory_space<vmem>>, vector<1x8x2048xf32>,
    %get3A_1168 = arith.constant 0 : index
    %get3A_1169 = arith.constant 1000 : index
    %get3A_1170 = vector.load %arg1[%get3A_1168, %get3A_1169] : memref<8x4088xf32, #tpu.memory_space<vmem>>, vector<8x2048xf32>
    %swap3A_1171 = arith.constant 0 : index
    %swap3A_1172 = arith.constant 1040 : index
    %swap3A_1173 = arith.constant 0 : index
    %swap3A_1174 = vector.load %arg2[%swap3A_1171, %swap3A_1172, %swap3A_1173] : memref<1x2048x2048xf32, #tpu.memory_space<vmem>>, vector<1x8x2048xf32>
    %swap3A_1175 = vector.shape_cast %swap3A_1174 : vector<1x8x2048xf32> to vector<8x2048xf32>
    %swap3A_1176 = vector.shape_cast %get3A_1170 : vector<8x2048xf32> to vector<1x8x2048xf32>
    tpu.vector_store %arg2[%swap3A_1171, %swap3A_1172, %swap3A_1173], %swap3A_1176 {strides = array<i32>} : memref<1x2048x2048xf32, #tpu.memory_space<vmem>>, vector<1x8x2048xf32>,
    %get3A_1177 = arith.constant 0 : index
    %get3A_1178 = arith.constant 992 : index
    %get3A_1179 = vector.load %arg1[%get3A_1177, %get3A_1178] : memref<8x4088xf32, #tpu.memory_space<vmem>>, vector<8x2048xf32>
    %swap3A_1180 = arith.constant 0 : index
    %swap3A_1181 = arith.constant 1048 : index
    %swap3A_1182 = arith.constant 0 : index
    %swap3A_1183 = vector.load %arg2[%swap3A_1180, %swap3A_1181, %swap3A_1182] : memref<1x2048x2048xf32, #tpu.memory_space<vmem>>, vector<1x8x2048xf32>
    %swap3A_1184 = vector.shape_cast %swap3A_1183 : vector<1x8x2048xf32> to vector<8x2048xf32>
    %swap3A_1185 = vector.shape_cast %get3A_1179 : vector<8x2048xf32> to vector<1x8x2048xf32>
    tpu.vector_store %arg2[%swap3A_1180, %swap3A_1181, %swap3A_1182], %swap3A_1185 {strides = array<i32>} : memref<1x2048x2048xf32, #tpu.memory_space<vmem>>, vector<1x8x2048xf32>,
    %get3A_1186 = arith.constant 0 : index
    %get3A_1187 = arith.constant 984 : index
    %get3A_1188 = vector.load %arg1[%get3A_1186, %get3A_1187] : memref<8x4088xf32, #tpu.memory_space<vmem>>, vector<8x2048xf32>
    %swap3A_1189 = arith.constant 0 : index
    %swap3A_1190 = arith.constant 1056 : index
    %swap3A_1191 = arith.constant 0 : index
    %swap3A_1192 = vector.load %arg2[%swap3A_1189, %swap3A_1190, %swap3A_1191] : memref<1x2048x2048xf32, #tpu.memory_space<vmem>>, vector<1x8x2048xf32>
    %swap3A_1193 = vector.shape_cast %swap3A_1192 : vector<1x8x2048xf32> to vector<8x2048xf32>
    %swap3A_1194 = vector.shape_cast %get3A_1188 : vector<8x2048xf32> to vector<1x8x2048xf32>
    tpu.vector_store %arg2[%swap3A_1189, %swap3A_1190, %swap3A_1191], %swap3A_1194 {strides = array<i32>} : memref<1x2048x2048xf32, #tpu.memory_space<vmem>>, vector<1x8x2048xf32>,
    %get3A_1195 = arith.constant 0 : index
    %get3A_1196 = arith.constant 976 : index
    %get3A_1197 = vector.load %arg1[%get3A_1195, %get3A_1196] : memref<8x4088xf32, #tpu.memory_space<vmem>>, vector<8x2048xf32>
    %swap3A_1198 = arith.constant 0 : index
    %swap3A_1199 = arith.constant 1064 : index
    %swap3A_1200 = arith.constant 0 : index
    %swap3A_1201 = vector.load %arg2[%swap3A_1198, %swap3A_1199, %swap3A_1200] : memref<1x2048x2048xf32, #tpu.memory_space<vmem>>, vector<1x8x2048xf32>
    %swap3A_1202 = vector.shape_cast %swap3A_1201 : vector<1x8x2048xf32> to vector<8x2048xf32>
    %swap3A_1203 = vector.shape_cast %get3A_1197 : vector<8x2048xf32> to vector<1x8x2048xf32>
    tpu.vector_store %arg2[%swap3A_1198, %swap3A_1199, %swap3A_1200], %swap3A_1203 {strides = array<i32>} : memref<1x2048x2048xf32, #tpu.memory_space<vmem>>, vector<1x8x2048xf32>,
    %get3A_1204 = arith.constant 0 : index
    %get3A_1205 = arith.constant 968 : index
    %get3A_1206 = vector.load %arg1[%get3A_1204, %get3A_1205] : memref<8x4088xf32, #tpu.memory_space<vmem>>, vector<8x2048xf32>
    %swap3A_1207 = arith.constant 0 : index
    %swap3A_1208 = arith.constant 1072 : index
    %swap3A_1209 = arith.constant 0 : index
    %swap3A_1210 = vector.load %arg2[%swap3A_1207, %swap3A_1208, %swap3A_1209] : memref<1x2048x2048xf32, #tpu.memory_space<vmem>>, vector<1x8x2048xf32>
    %swap3A_1211 = vector.shape_cast %swap3A_1210 : vector<1x8x2048xf32> to vector<8x2048xf32>
    %swap3A_1212 = vector.shape_cast %get3A_1206 : vector<8x2048xf32> to vector<1x8x2048xf32>
    tpu.vector_store %arg2[%swap3A_1207, %swap3A_1208, %swap3A_1209], %swap3A_1212 {strides = array<i32>} : memref<1x2048x2048xf32, #tpu.memory_space<vmem>>, vector<1x8x2048xf32>,
    %get3A_1213 = arith.constant 0 : index
    %get3A_1214 = arith.constant 960 : index
    %get3A_1215 = vector.load %arg1[%get3A_1213, %get3A_1214] : memref<8x4088xf32, #tpu.memory_space<vmem>>, vector<8x2048xf32>
    %swap3A_1216 = arith.constant 0 : index
    %swap3A_1217 = arith.constant 1080 : index
    %swap3A_1218 = arith.constant 0 : index
    %swap3A_1219 = vector.load %arg2[%swap3A_1216, %swap3A_1217, %swap3A_1218] : memref<1x2048x2048xf32, #tpu.memory_space<vmem>>, vector<1x8x2048xf32>
    %swap3A_1220 = vector.shape_cast %swap3A_1219 : vector<1x8x2048xf32> to vector<8x2048xf32>
    %swap3A_1221 = vector.shape_cast %get3A_1215 : vector<8x2048xf32> to vector<1x8x2048xf32>
    tpu.vector_store %arg2[%swap3A_1216, %swap3A_1217, %swap3A_1218], %swap3A_1221 {strides = array<i32>} : memref<1x2048x2048xf32, #tpu.memory_space<vmem>>, vector<1x8x2048xf32>,
    %get3A_1222 = arith.constant 0 : index
    %get3A_1223 = arith.constant 952 : index
    %get3A_1224 = vector.load %arg1[%get3A_1222, %get3A_1223] : memref<8x4088xf32, #tpu.memory_space<vmem>>, vector<8x2048xf32>
    %swap3A_1225 = arith.constant 0 : index
    %swap3A_1226 = arith.constant 1088 : index
    %swap3A_1227 = arith.constant 0 : index
    %swap3A_1228 = vector.load %arg2[%swap3A_1225, %swap3A_1226, %swap3A_1227] : memref<1x2048x2048xf32, #tpu.memory_space<vmem>>, vector<1x8x2048xf32>
    %swap3A_1229 = vector.shape_cast %swap3A_1228 : vector<1x8x2048xf32> to vector<8x2048xf32>
    %swap3A_1230 = vector.shape_cast %get3A_1224 : vector<8x2048xf32> to vector<1x8x2048xf32>
    tpu.vector_store %arg2[%swap3A_1225, %swap3A_1226, %swap3A_1227], %swap3A_1230 {strides = array<i32>} : memref<1x2048x2048xf32, #tpu.memory_space<vmem>>, vector<1x8x2048xf32>,
    %get3A_1231 = arith.constant 0 : index
    %get3A_1232 = arith.constant 944 : index
    %get3A_1233 = vector.load %arg1[%get3A_1231, %get3A_1232] : memref<8x4088xf32, #tpu.memory_space<vmem>>, vector<8x2048xf32>
    %swap3A_1234 = arith.constant 0 : index
    %swap3A_1235 = arith.constant 1096 : index
    %swap3A_1236 = arith.constant 0 : index
    %swap3A_1237 = vector.load %arg2[%swap3A_1234, %swap3A_1235, %swap3A_1236] : memref<1x2048x2048xf32, #tpu.memory_space<vmem>>, vector<1x8x2048xf32>
    %swap3A_1238 = vector.shape_cast %swap3A_1237 : vector<1x8x2048xf32> to vector<8x2048xf32>
    %swap3A_1239 = vector.shape_cast %get3A_1233 : vector<8x2048xf32> to vector<1x8x2048xf32>
    tpu.vector_store %arg2[%swap3A_1234, %swap3A_1235, %swap3A_1236], %swap3A_1239 {strides = array<i32>} : memref<1x2048x2048xf32, #tpu.memory_space<vmem>>, vector<1x8x2048xf32>,
    %get3A_1240 = arith.constant 0 : index
    %get3A_1241 = arith.constant 936 : index
    %get3A_1242 = vector.load %arg1[%get3A_1240, %get3A_1241] : memref<8x4088xf32, #tpu.memory_space<vmem>>, vector<8x2048xf32>
    %swap3A_1243 = arith.constant 0 : index
    %swap3A_1244 = arith.constant 1104 : index
    %swap3A_1245 = arith.constant 0 : index
    %swap3A_1246 = vector.load %arg2[%swap3A_1243, %swap3A_1244, %swap3A_1245] : memref<1x2048x2048xf32, #tpu.memory_space<vmem>>, vector<1x8x2048xf32>
    %swap3A_1247 = vector.shape_cast %swap3A_1246 : vector<1x8x2048xf32> to vector<8x2048xf32>
    %swap3A_1248 = vector.shape_cast %get3A_1242 : vector<8x2048xf32> to vector<1x8x2048xf32>
    tpu.vector_store %arg2[%swap3A_1243, %swap3A_1244, %swap3A_1245], %swap3A_1248 {strides = array<i32>} : memref<1x2048x2048xf32, #tpu.memory_space<vmem>>, vector<1x8x2048xf32>,
    %get3A_1249 = arith.constant 0 : index
    %get3A_1250 = arith.constant 928 : index
    %get3A_1251 = vector.load %arg1[%get3A_1249, %get3A_1250] : memref<8x4088xf32, #tpu.memory_space<vmem>>, vector<8x2048xf32>
    %swap3A_1252 = arith.constant 0 : index
    %swap3A_1253 = arith.constant 1112 : index
    %swap3A_1254 = arith.constant 0 : index
    %swap3A_1255 = vector.load %arg2[%swap3A_1252, %swap3A_1253, %swap3A_1254] : memref<1x2048x2048xf32, #tpu.memory_space<vmem>>, vector<1x8x2048xf32>
    %swap3A_1256 = vector.shape_cast %swap3A_1255 : vector<1x8x2048xf32> to vector<8x2048xf32>
    %swap3A_1257 = vector.shape_cast %get3A_1251 : vector<8x2048xf32> to vector<1x8x2048xf32>
    tpu.vector_store %arg2[%swap3A_1252, %swap3A_1253, %swap3A_1254], %swap3A_1257 {strides = array<i32>} : memref<1x2048x2048xf32, #tpu.memory_space<vmem>>, vector<1x8x2048xf32>,
    %get3A_1258 = arith.constant 0 : index
    %get3A_1259 = arith.constant 920 : index
    %get3A_1260 = vector.load %arg1[%get3A_1258, %get3A_1259] : memref<8x4088xf32, #tpu.memory_space<vmem>>, vector<8x2048xf32>
    %swap3A_1261 = arith.constant 0 : index
    %swap3A_1262 = arith.constant 1120 : index
    %swap3A_1263 = arith.constant 0 : index
    %swap3A_1264 = vector.load %arg2[%swap3A_1261, %swap3A_1262, %swap3A_1263] : memref<1x2048x2048xf32, #tpu.memory_space<vmem>>, vector<1x8x2048xf32>
    %swap3A_1265 = vector.shape_cast %swap3A_1264 : vector<1x8x2048xf32> to vector<8x2048xf32>
    %swap3A_1266 = vector.shape_cast %get3A_1260 : vector<8x2048xf32> to vector<1x8x2048xf32>
    tpu.vector_store %arg2[%swap3A_1261, %swap3A_1262, %swap3A_1263], %swap3A_1266 {strides = array<i32>} : memref<1x2048x2048xf32, #tpu.memory_space<vmem>>, vector<1x8x2048xf32>,
    %get3A_1267 = arith.constant 0 : index
    %get3A_1268 = arith.constant 912 : index
    %get3A_1269 = vector.load %arg1[%get3A_1267, %get3A_1268] : memref<8x4088xf32, #tpu.memory_space<vmem>>, vector<8x2048xf32>
    %swap3A_1270 = arith.constant 0 : index
    %swap3A_1271 = arith.constant 1128 : index
    %swap3A_1272 = arith.constant 0 : index
    %swap3A_1273 = vector.load %arg2[%swap3A_1270, %swap3A_1271, %swap3A_1272] : memref<1x2048x2048xf32, #tpu.memory_space<vmem>>, vector<1x8x2048xf32>
    %swap3A_1274 = vector.shape_cast %swap3A_1273 : vector<1x8x2048xf32> to vector<8x2048xf32>
    %swap3A_1275 = vector.shape_cast %get3A_1269 : vector<8x2048xf32> to vector<1x8x2048xf32>
    tpu.vector_store %arg2[%swap3A_1270, %swap3A_1271, %swap3A_1272], %swap3A_1275 {strides = array<i32>} : memref<1x2048x2048xf32, #tpu.memory_space<vmem>>, vector<1x8x2048xf32>,
    %get3A_1276 = arith.constant 0 : index
    %get3A_1277 = arith.constant 904 : index
    %get3A_1278 = vector.load %arg1[%get3A_1276, %get3A_1277] : memref<8x4088xf32, #tpu.memory_space<vmem>>, vector<8x2048xf32>
    %swap3A_1279 = arith.constant 0 : index
    %swap3A_1280 = arith.constant 1136 : index
    %swap3A_1281 = arith.constant 0 : index
    %swap3A_1282 = vector.load %arg2[%swap3A_1279, %swap3A_1280, %swap3A_1281] : memref<1x2048x2048xf32, #tpu.memory_space<vmem>>, vector<1x8x2048xf32>
    %swap3A_1283 = vector.shape_cast %swap3A_1282 : vector<1x8x2048xf32> to vector<8x2048xf32>
    %swap3A_1284 = vector.shape_cast %get3A_1278 : vector<8x2048xf32> to vector<1x8x2048xf32>
    tpu.vector_store %arg2[%swap3A_1279, %swap3A_1280, %swap3A_1281], %swap3A_1284 {strides = array<i32>} : memref<1x2048x2048xf32, #tpu.memory_space<vmem>>, vector<1x8x2048xf32>,
    %get3A_1285 = arith.constant 0 : index
    %get3A_1286 = arith.constant 896 : index
    %get3A_1287 = vector.load %arg1[%get3A_1285, %get3A_1286] : memref<8x4088xf32, #tpu.memory_space<vmem>>, vector<8x2048xf32>
    %swap3A_1288 = arith.constant 0 : index
    %swap3A_1289 = arith.constant 1144 : index
    %swap3A_1290 = arith.constant 0 : index
    %swap3A_1291 = vector.load %arg2[%swap3A_1288, %swap3A_1289, %swap3A_1290] : memref<1x2048x2048xf32, #tpu.memory_space<vmem>>, vector<1x8x2048xf32>
    %swap3A_1292 = vector.shape_cast %swap3A_1291 : vector<1x8x2048xf32> to vector<8x2048xf32>
    %swap3A_1293 = vector.shape_cast %get3A_1287 : vector<8x2048xf32> to vector<1x8x2048xf32>
    tpu.vector_store %arg2[%swap3A_1288, %swap3A_1289, %swap3A_1290], %swap3A_1293 {strides = array<i32>} : memref<1x2048x2048xf32, #tpu.memory_space<vmem>>, vector<1x8x2048xf32>,
    %get3A_1294 = arith.constant 0 : index
    %get3A_1295 = arith.constant 888 : index
    %get3A_1296 = vector.load %arg1[%get3A_1294, %get3A_1295] : memref<8x4088xf32, #tpu.memory_space<vmem>>, vector<8x2048xf32>
    %swap3A_1297 = arith.constant 0 : index
    %swap3A_1298 = arith.constant 1152 : index
    %swap3A_1299 = arith.constant 0 : index
    %swap3A_1300 = vector.load %arg2[%swap3A_1297, %swap3A_1298, %swap3A_1299] : memref<1x2048x2048xf32, #tpu.memory_space<vmem>>, vector<1x8x2048xf32>
    %swap3A_1301 = vector.shape_cast %swap3A_1300 : vector<1x8x2048xf32> to vector<8x2048xf32>
    %swap3A_1302 = vector.shape_cast %get3A_1296 : vector<8x2048xf32> to vector<1x8x2048xf32>
    tpu.vector_store %arg2[%swap3A_1297, %swap3A_1298, %swap3A_1299], %swap3A_1302 {strides = array<i32>} : memref<1x2048x2048xf32, #tpu.memory_space<vmem>>, vector<1x8x2048xf32>,
    %get3A_1303 = arith.constant 0 : index
    %get3A_1304 = arith.constant 880 : index
    %get3A_1305 = vector.load %arg1[%get3A_1303, %get3A_1304] : memref<8x4088xf32, #tpu.memory_space<vmem>>, vector<8x2048xf32>
    %swap3A_1306 = arith.constant 0 : index
    %swap3A_1307 = arith.constant 1160 : index
    %swap3A_1308 = arith.constant 0 : index
    %swap3A_1309 = vector.load %arg2[%swap3A_1306, %swap3A_1307, %swap3A_1308] : memref<1x2048x2048xf32, #tpu.memory_space<vmem>>, vector<1x8x2048xf32>
    %swap3A_1310 = vector.shape_cast %swap3A_1309 : vector<1x8x2048xf32> to vector<8x2048xf32>
    %swap3A_1311 = vector.shape_cast %get3A_1305 : vector<8x2048xf32> to vector<1x8x2048xf32>
    tpu.vector_store %arg2[%swap3A_1306, %swap3A_1307, %swap3A_1308], %swap3A_1311 {strides = array<i32>} : memref<1x2048x2048xf32, #tpu.memory_space<vmem>>, vector<1x8x2048xf32>,
    %get3A_1312 = arith.constant 0 : index
    %get3A_1313 = arith.constant 872 : index
    %get3A_1314 = vector.load %arg1[%get3A_1312, %get3A_1313] : memref<8x4088xf32, #tpu.memory_space<vmem>>, vector<8x2048xf32>
    %swap3A_1315 = arith.constant 0 : index
    %swap3A_1316 = arith.constant 1168 : index
    %swap3A_1317 = arith.constant 0 : index
    %swap3A_1318 = vector.load %arg2[%swap3A_1315, %swap3A_1316, %swap3A_1317] : memref<1x2048x2048xf32, #tpu.memory_space<vmem>>, vector<1x8x2048xf32>
    %swap3A_1319 = vector.shape_cast %swap3A_1318 : vector<1x8x2048xf32> to vector<8x2048xf32>
    %swap3A_1320 = vector.shape_cast %get3A_1314 : vector<8x2048xf32> to vector<1x8x2048xf32>
    tpu.vector_store %arg2[%swap3A_1315, %swap3A_1316, %swap3A_1317], %swap3A_1320 {strides = array<i32>} : memref<1x2048x2048xf32, #tpu.memory_space<vmem>>, vector<1x8x2048xf32>,
    %get3A_1321 = arith.constant 0 : index
    %get3A_1322 = arith.constant 864 : index
    %get3A_1323 = vector.load %arg1[%get3A_1321, %get3A_1322] : memref<8x4088xf32, #tpu.memory_space<vmem>>, vector<8x2048xf32>
    %swap3A_1324 = arith.constant 0 : index
    %swap3A_1325 = arith.constant 1176 : index
    %swap3A_1326 = arith.constant 0 : index
    %swap3A_1327 = vector.load %arg2[%swap3A_1324, %swap3A_1325, %swap3A_1326] : memref<1x2048x2048xf32, #tpu.memory_space<vmem>>, vector<1x8x2048xf32>
    %swap3A_1328 = vector.shape_cast %swap3A_1327 : vector<1x8x2048xf32> to vector<8x2048xf32>
    %swap3A_1329 = vector.shape_cast %get3A_1323 : vector<8x2048xf32> to vector<1x8x2048xf32>
    tpu.vector_store %arg2[%swap3A_1324, %swap3A_1325, %swap3A_1326], %swap3A_1329 {strides = array<i32>} : memref<1x2048x2048xf32, #tpu.memory_space<vmem>>, vector<1x8x2048xf32>,
    %get3A_1330 = arith.constant 0 : index
    %get3A_1331 = arith.constant 856 : index
    %get3A_1332 = vector.load %arg1[%get3A_1330, %get3A_1331] : memref<8x4088xf32, #tpu.memory_space<vmem>>, vector<8x2048xf32>
    %swap3A_1333 = arith.constant 0 : index
    %swap3A_1334 = arith.constant 1184 : index
    %swap3A_1335 = arith.constant 0 : index
    %swap3A_1336 = vector.load %arg2[%swap3A_1333, %swap3A_1334, %swap3A_1335] : memref<1x2048x2048xf32, #tpu.memory_space<vmem>>, vector<1x8x2048xf32>
    %swap3A_1337 = vector.shape_cast %swap3A_1336 : vector<1x8x2048xf32> to vector<8x2048xf32>
    %swap3A_1338 = vector.shape_cast %get3A_1332 : vector<8x2048xf32> to vector<1x8x2048xf32>
    tpu.vector_store %arg2[%swap3A_1333, %swap3A_1334, %swap3A_1335], %swap3A_1338 {strides = array<i32>} : memref<1x2048x2048xf32, #tpu.memory_space<vmem>>, vector<1x8x2048xf32>,
    %get3A_1339 = arith.constant 0 : index
    %get3A_1340 = arith.constant 848 : index
    %get3A_1341 = vector.load %arg1[%get3A_1339, %get3A_1340] : memref<8x4088xf32, #tpu.memory_space<vmem>>, vector<8x2048xf32>
    %swap3A_1342 = arith.constant 0 : index
    %swap3A_1343 = arith.constant 1192 : index
    %swap3A_1344 = arith.constant 0 : index
    %swap3A_1345 = vector.load %arg2[%swap3A_1342, %swap3A_1343, %swap3A_1344] : memref<1x2048x2048xf32, #tpu.memory_space<vmem>>, vector<1x8x2048xf32>
    %swap3A_1346 = vector.shape_cast %swap3A_1345 : vector<1x8x2048xf32> to vector<8x2048xf32>
    %swap3A_1347 = vector.shape_cast %get3A_1341 : vector<8x2048xf32> to vector<1x8x2048xf32>
    tpu.vector_store %arg2[%swap3A_1342, %swap3A_1343, %swap3A_1344], %swap3A_1347 {strides = array<i32>} : memref<1x2048x2048xf32, #tpu.memory_space<vmem>>, vector<1x8x2048xf32>,
    %get3A_1348 = arith.constant 0 : index
    %get3A_1349 = arith.constant 840 : index
    %get3A_1350 = vector.load %arg1[%get3A_1348, %get3A_1349] : memref<8x4088xf32, #tpu.memory_space<vmem>>, vector<8x2048xf32>
    %swap3A_1351 = arith.constant 0 : index
    %swap3A_1352 = arith.constant 1200 : index
    %swap3A_1353 = arith.constant 0 : index
    %swap3A_1354 = vector.load %arg2[%swap3A_1351, %swap3A_1352, %swap3A_1353] : memref<1x2048x2048xf32, #tpu.memory_space<vmem>>, vector<1x8x2048xf32>
    %swap3A_1355 = vector.shape_cast %swap3A_1354 : vector<1x8x2048xf32> to vector<8x2048xf32>
    %swap3A_1356 = vector.shape_cast %get3A_1350 : vector<8x2048xf32> to vector<1x8x2048xf32>
    tpu.vector_store %arg2[%swap3A_1351, %swap3A_1352, %swap3A_1353], %swap3A_1356 {strides = array<i32>} : memref<1x2048x2048xf32, #tpu.memory_space<vmem>>, vector<1x8x2048xf32>,
    %get3A_1357 = arith.constant 0 : index
    %get3A_1358 = arith.constant 832 : index
    %get3A_1359 = vector.load %arg1[%get3A_1357, %get3A_1358] : memref<8x4088xf32, #tpu.memory_space<vmem>>, vector<8x2048xf32>
    %swap3A_1360 = arith.constant 0 : index
    %swap3A_1361 = arith.constant 1208 : index
    %swap3A_1362 = arith.constant 0 : index
    %swap3A_1363 = vector.load %arg2[%swap3A_1360, %swap3A_1361, %swap3A_1362] : memref<1x2048x2048xf32, #tpu.memory_space<vmem>>, vector<1x8x2048xf32>
    %swap3A_1364 = vector.shape_cast %swap3A_1363 : vector<1x8x2048xf32> to vector<8x2048xf32>
    %swap3A_1365 = vector.shape_cast %get3A_1359 : vector<8x2048xf32> to vector<1x8x2048xf32>
    tpu.vector_store %arg2[%swap3A_1360, %swap3A_1361, %swap3A_1362], %swap3A_1365 {strides = array<i32>} : memref<1x2048x2048xf32, #tpu.memory_space<vmem>>, vector<1x8x2048xf32>,
    %get3A_1366 = arith.constant 0 : index
    %get3A_1367 = arith.constant 824 : index
    %get3A_1368 = vector.load %arg1[%get3A_1366, %get3A_1367] : memref<8x4088xf32, #tpu.memory_space<vmem>>, vector<8x2048xf32>
    %swap3A_1369 = arith.constant 0 : index
    %swap3A_1370 = arith.constant 1216 : index
    %swap3A_1371 = arith.constant 0 : index
    %swap3A_1372 = vector.load %arg2[%swap3A_1369, %swap3A_1370, %swap3A_1371] : memref<1x2048x2048xf32, #tpu.memory_space<vmem>>, vector<1x8x2048xf32>
    %swap3A_1373 = vector.shape_cast %swap3A_1372 : vector<1x8x2048xf32> to vector<8x2048xf32>
    %swap3A_1374 = vector.shape_cast %get3A_1368 : vector<8x2048xf32> to vector<1x8x2048xf32>
    tpu.vector_store %arg2[%swap3A_1369, %swap3A_1370, %swap3A_1371], %swap3A_1374 {strides = array<i32>} : memref<1x2048x2048xf32, #tpu.memory_space<vmem>>, vector<1x8x2048xf32>,
    %get3A_1375 = arith.constant 0 : index
    %get3A_1376 = arith.constant 816 : index
    %get3A_1377 = vector.load %arg1[%get3A_1375, %get3A_1376] : memref<8x4088xf32, #tpu.memory_space<vmem>>, vector<8x2048xf32>
    %swap3A_1378 = arith.constant 0 : index
    %swap3A_1379 = arith.constant 1224 : index
    %swap3A_1380 = arith.constant 0 : index
    %swap3A_1381 = vector.load %arg2[%swap3A_1378, %swap3A_1379, %swap3A_1380] : memref<1x2048x2048xf32, #tpu.memory_space<vmem>>, vector<1x8x2048xf32>
    %swap3A_1382 = vector.shape_cast %swap3A_1381 : vector<1x8x2048xf32> to vector<8x2048xf32>
    %swap3A_1383 = vector.shape_cast %get3A_1377 : vector<8x2048xf32> to vector<1x8x2048xf32>
    tpu.vector_store %arg2[%swap3A_1378, %swap3A_1379, %swap3A_1380], %swap3A_1383 {strides = array<i32>} : memref<1x2048x2048xf32, #tpu.memory_space<vmem>>, vector<1x8x2048xf32>,
    %get3A_1384 = arith.constant 0 : index
    %get3A_1385 = arith.constant 808 : index
    %get3A_1386 = vector.load %arg1[%get3A_1384, %get3A_1385] : memref<8x4088xf32, #tpu.memory_space<vmem>>, vector<8x2048xf32>
    %swap3A_1387 = arith.constant 0 : index
    %swap3A_1388 = arith.constant 1232 : index
    %swap3A_1389 = arith.constant 0 : index
    %swap3A_1390 = vector.load %arg2[%swap3A_1387, %swap3A_1388, %swap3A_1389] : memref<1x2048x2048xf32, #tpu.memory_space<vmem>>, vector<1x8x2048xf32>
    %swap3A_1391 = vector.shape_cast %swap3A_1390 : vector<1x8x2048xf32> to vector<8x2048xf32>
    %swap3A_1392 = vector.shape_cast %get3A_1386 : vector<8x2048xf32> to vector<1x8x2048xf32>
    tpu.vector_store %arg2[%swap3A_1387, %swap3A_1388, %swap3A_1389], %swap3A_1392 {strides = array<i32>} : memref<1x2048x2048xf32, #tpu.memory_space<vmem>>, vector<1x8x2048xf32>,
    %get3A_1393 = arith.constant 0 : index
    %get3A_1394 = arith.constant 800 : index
    %get3A_1395 = vector.load %arg1[%get3A_1393, %get3A_1394] : memref<8x4088xf32, #tpu.memory_space<vmem>>, vector<8x2048xf32>
    %swap3A_1396 = arith.constant 0 : index
    %swap3A_1397 = arith.constant 1240 : index
    %swap3A_1398 = arith.constant 0 : index
    %swap3A_1399 = vector.load %arg2[%swap3A_1396, %swap3A_1397, %swap3A_1398] : memref<1x2048x2048xf32, #tpu.memory_space<vmem>>, vector<1x8x2048xf32>
    %swap3A_1400 = vector.shape_cast %swap3A_1399 : vector<1x8x2048xf32> to vector<8x2048xf32>
    %swap3A_1401 = vector.shape_cast %get3A_1395 : vector<8x2048xf32> to vector<1x8x2048xf32>
    tpu.vector_store %arg2[%swap3A_1396, %swap3A_1397, %swap3A_1398], %swap3A_1401 {strides = array<i32>} : memref<1x2048x2048xf32, #tpu.memory_space<vmem>>, vector<1x8x2048xf32>,
    %get3A_1402 = arith.constant 0 : index
    %get3A_1403 = arith.constant 792 : index
    %get3A_1404 = vector.load %arg1[%get3A_1402, %get3A_1403] : memref<8x4088xf32, #tpu.memory_space<vmem>>, vector<8x2048xf32>
    %swap3A_1405 = arith.constant 0 : index
    %swap3A_1406 = arith.constant 1248 : index
    %swap3A_1407 = arith.constant 0 : index
    %swap3A_1408 = vector.load %arg2[%swap3A_1405, %swap3A_1406, %swap3A_1407] : memref<1x2048x2048xf32, #tpu.memory_space<vmem>>, vector<1x8x2048xf32>
    %swap3A_1409 = vector.shape_cast %swap3A_1408 : vector<1x8x2048xf32> to vector<8x2048xf32>
    %swap3A_1410 = vector.shape_cast %get3A_1404 : vector<8x2048xf32> to vector<1x8x2048xf32>
    tpu.vector_store %arg2[%swap3A_1405, %swap3A_1406, %swap3A_1407], %swap3A_1410 {strides = array<i32>} : memref<1x2048x2048xf32, #tpu.memory_space<vmem>>, vector<1x8x2048xf32>,
    %get3A_1411 = arith.constant 0 : index
    %get3A_1412 = arith.constant 784 : index
    %get3A_1413 = vector.load %arg1[%get3A_1411, %get3A_1412] : memref<8x4088xf32, #tpu.memory_space<vmem>>, vector<8x2048xf32>
    %swap3A_1414 = arith.constant 0 : index
    %swap3A_1415 = arith.constant 1256 : index
    %swap3A_1416 = arith.constant 0 : index
    %swap3A_1417 = vector.load %arg2[%swap3A_1414, %swap3A_1415, %swap3A_1416] : memref<1x2048x2048xf32, #tpu.memory_space<vmem>>, vector<1x8x2048xf32>
    %swap3A_1418 = vector.shape_cast %swap3A_1417 : vector<1x8x2048xf32> to vector<8x2048xf32>
    %swap3A_1419 = vector.shape_cast %get3A_1413 : vector<8x2048xf32> to vector<1x8x2048xf32>
    tpu.vector_store %arg2[%swap3A_1414, %swap3A_1415, %swap3A_1416], %swap3A_1419 {strides = array<i32>} : memref<1x2048x2048xf32, #tpu.memory_space<vmem>>, vector<1x8x2048xf32>,
    %get3A_1420 = arith.constant 0 : index
    %get3A_1421 = arith.constant 776 : index
    %get3A_1422 = vector.load %arg1[%get3A_1420, %get3A_1421] : memref<8x4088xf32, #tpu.memory_space<vmem>>, vector<8x2048xf32>
    %swap3A_1423 = arith.constant 0 : index
    %swap3A_1424 = arith.constant 1264 : index
    %swap3A_1425 = arith.constant 0 : index
    %swap3A_1426 = vector.load %arg2[%swap3A_1423, %swap3A_1424, %swap3A_1425] : memref<1x2048x2048xf32, #tpu.memory_space<vmem>>, vector<1x8x2048xf32>
    %swap3A_1427 = vector.shape_cast %swap3A_1426 : vector<1x8x2048xf32> to vector<8x2048xf32>
    %swap3A_1428 = vector.shape_cast %get3A_1422 : vector<8x2048xf32> to vector<1x8x2048xf32>
    tpu.vector_store %arg2[%swap3A_1423, %swap3A_1424, %swap3A_1425], %swap3A_1428 {strides = array<i32>} : memref<1x2048x2048xf32, #tpu.memory_space<vmem>>, vector<1x8x2048xf32>,
    %get3A_1429 = arith.constant 0 : index
    %get3A_1430 = arith.constant 768 : index
    %get3A_1431 = vector.load %arg1[%get3A_1429, %get3A_1430] : memref<8x4088xf32, #tpu.memory_space<vmem>>, vector<8x2048xf32>
    %swap3A_1432 = arith.constant 0 : index
    %swap3A_1433 = arith.constant 1272 : index
    %swap3A_1434 = arith.constant 0 : index
    %swap3A_1435 = vector.load %arg2[%swap3A_1432, %swap3A_1433, %swap3A_1434] : memref<1x2048x2048xf32, #tpu.memory_space<vmem>>, vector<1x8x2048xf32>
    %swap3A_1436 = vector.shape_cast %swap3A_1435 : vector<1x8x2048xf32> to vector<8x2048xf32>
    %swap3A_1437 = vector.shape_cast %get3A_1431 : vector<8x2048xf32> to vector<1x8x2048xf32>
    tpu.vector_store %arg2[%swap3A_1432, %swap3A_1433, %swap3A_1434], %swap3A_1437 {strides = array<i32>} : memref<1x2048x2048xf32, #tpu.memory_space<vmem>>, vector<1x8x2048xf32>,
    %get3A_1438 = arith.constant 0 : index
    %get3A_1439 = arith.constant 760 : index
    %get3A_1440 = vector.load %arg1[%get3A_1438, %get3A_1439] : memref<8x4088xf32, #tpu.memory_space<vmem>>, vector<8x2048xf32>
    %swap3A_1441 = arith.constant 0 : index
    %swap3A_1442 = arith.constant 1280 : index
    %swap3A_1443 = arith.constant 0 : index
    %swap3A_1444 = vector.load %arg2[%swap3A_1441, %swap3A_1442, %swap3A_1443] : memref<1x2048x2048xf32, #tpu.memory_space<vmem>>, vector<1x8x2048xf32>
    %swap3A_1445 = vector.shape_cast %swap3A_1444 : vector<1x8x2048xf32> to vector<8x2048xf32>
    %swap3A_1446 = vector.shape_cast %get3A_1440 : vector<8x2048xf32> to vector<1x8x2048xf32>
    tpu.vector_store %arg2[%swap3A_1441, %swap3A_1442, %swap3A_1443], %swap3A_1446 {strides = array<i32>} : memref<1x2048x2048xf32, #tpu.memory_space<vmem>>, vector<1x8x2048xf32>,
    %get3A_1447 = arith.constant 0 : index
    %get3A_1448 = arith.constant 752 : index
    %get3A_1449 = vector.load %arg1[%get3A_1447, %get3A_1448] : memref<8x4088xf32, #tpu.memory_space<vmem>>, vector<8x2048xf32>
    %swap3A_1450 = arith.constant 0 : index
    %swap3A_1451 = arith.constant 1288 : index
    %swap3A_1452 = arith.constant 0 : index
    %swap3A_1453 = vector.load %arg2[%swap3A_1450, %swap3A_1451, %swap3A_1452] : memref<1x2048x2048xf32, #tpu.memory_space<vmem>>, vector<1x8x2048xf32>
    %swap3A_1454 = vector.shape_cast %swap3A_1453 : vector<1x8x2048xf32> to vector<8x2048xf32>
    %swap3A_1455 = vector.shape_cast %get3A_1449 : vector<8x2048xf32> to vector<1x8x2048xf32>
    tpu.vector_store %arg2[%swap3A_1450, %swap3A_1451, %swap3A_1452], %swap3A_1455 {strides = array<i32>} : memref<1x2048x2048xf32, #tpu.memory_space<vmem>>, vector<1x8x2048xf32>,
    %get3A_1456 = arith.constant 0 : index
    %get3A_1457 = arith.constant 744 : index
    %get3A_1458 = vector.load %arg1[%get3A_1456, %get3A_1457] : memref<8x4088xf32, #tpu.memory_space<vmem>>, vector<8x2048xf32>
    %swap3A_1459 = arith.constant 0 : index
    %swap3A_1460 = arith.constant 1296 : index
    %swap3A_1461 = arith.constant 0 : index
    %swap3A_1462 = vector.load %arg2[%swap3A_1459, %swap3A_1460, %swap3A_1461] : memref<1x2048x2048xf32, #tpu.memory_space<vmem>>, vector<1x8x2048xf32>
    %swap3A_1463 = vector.shape_cast %swap3A_1462 : vector<1x8x2048xf32> to vector<8x2048xf32>
    %swap3A_1464 = vector.shape_cast %get3A_1458 : vector<8x2048xf32> to vector<1x8x2048xf32>
    tpu.vector_store %arg2[%swap3A_1459, %swap3A_1460, %swap3A_1461], %swap3A_1464 {strides = array<i32>} : memref<1x2048x2048xf32, #tpu.memory_space<vmem>>, vector<1x8x2048xf32>,
    %get3A_1465 = arith.constant 0 : index
    %get3A_1466 = arith.constant 736 : index
    %get3A_1467 = vector.load %arg1[%get3A_1465, %get3A_1466] : memref<8x4088xf32, #tpu.memory_space<vmem>>, vector<8x2048xf32>
    %swap3A_1468 = arith.constant 0 : index
    %swap3A_1469 = arith.constant 1304 : index
    %swap3A_1470 = arith.constant 0 : index
    %swap3A_1471 = vector.load %arg2[%swap3A_1468, %swap3A_1469, %swap3A_1470] : memref<1x2048x2048xf32, #tpu.memory_space<vmem>>, vector<1x8x2048xf32>
    %swap3A_1472 = vector.shape_cast %swap3A_1471 : vector<1x8x2048xf32> to vector<8x2048xf32>
    %swap3A_1473 = vector.shape_cast %get3A_1467 : vector<8x2048xf32> to vector<1x8x2048xf32>
    tpu.vector_store %arg2[%swap3A_1468, %swap3A_1469, %swap3A_1470], %swap3A_1473 {strides = array<i32>} : memref<1x2048x2048xf32, #tpu.memory_space<vmem>>, vector<1x8x2048xf32>,
    %get3A_1474 = arith.constant 0 : index
    %get3A_1475 = arith.constant 728 : index
    %get3A_1476 = vector.load %arg1[%get3A_1474, %get3A_1475] : memref<8x4088xf32, #tpu.memory_space<vmem>>, vector<8x2048xf32>
    %swap3A_1477 = arith.constant 0 : index
    %swap3A_1478 = arith.constant 1312 : index
    %swap3A_1479 = arith.constant 0 : index
    %swap3A_1480 = vector.load %arg2[%swap3A_1477, %swap3A_1478, %swap3A_1479] : memref<1x2048x2048xf32, #tpu.memory_space<vmem>>, vector<1x8x2048xf32>
    %swap3A_1481 = vector.shape_cast %swap3A_1480 : vector<1x8x2048xf32> to vector<8x2048xf32>
    %swap3A_1482 = vector.shape_cast %get3A_1476 : vector<8x2048xf32> to vector<1x8x2048xf32>
    tpu.vector_store %arg2[%swap3A_1477, %swap3A_1478, %swap3A_1479], %swap3A_1482 {strides = array<i32>} : memref<1x2048x2048xf32, #tpu.memory_space<vmem>>, vector<1x8x2048xf32>,
    %get3A_1483 = arith.constant 0 : index
    %get3A_1484 = arith.constant 720 : index
    %get3A_1485 = vector.load %arg1[%get3A_1483, %get3A_1484] : memref<8x4088xf32, #tpu.memory_space<vmem>>, vector<8x2048xf32>
    %swap3A_1486 = arith.constant 0 : index
    %swap3A_1487 = arith.constant 1320 : index
    %swap3A_1488 = arith.constant 0 : index
    %swap3A_1489 = vector.load %arg2[%swap3A_1486, %swap3A_1487, %swap3A_1488] : memref<1x2048x2048xf32, #tpu.memory_space<vmem>>, vector<1x8x2048xf32>
    %swap3A_1490 = vector.shape_cast %swap3A_1489 : vector<1x8x2048xf32> to vector<8x2048xf32>
    %swap3A_1491 = vector.shape_cast %get3A_1485 : vector<8x2048xf32> to vector<1x8x2048xf32>
    tpu.vector_store %arg2[%swap3A_1486, %swap3A_1487, %swap3A_1488], %swap3A_1491 {strides = array<i32>} : memref<1x2048x2048xf32, #tpu.memory_space<vmem>>, vector<1x8x2048xf32>,
    %get3A_1492 = arith.constant 0 : index
    %get3A_1493 = arith.constant 712 : index
    %get3A_1494 = vector.load %arg1[%get3A_1492, %get3A_1493] : memref<8x4088xf32, #tpu.memory_space<vmem>>, vector<8x2048xf32>
    %swap3A_1495 = arith.constant 0 : index
    %swap3A_1496 = arith.constant 1328 : index
    %swap3A_1497 = arith.constant 0 : index
    %swap3A_1498 = vector.load %arg2[%swap3A_1495, %swap3A_1496, %swap3A_1497] : memref<1x2048x2048xf32, #tpu.memory_space<vmem>>, vector<1x8x2048xf32>
    %swap3A_1499 = vector.shape_cast %swap3A_1498 : vector<1x8x2048xf32> to vector<8x2048xf32>
    %swap3A_1500 = vector.shape_cast %get3A_1494 : vector<8x2048xf32> to vector<1x8x2048xf32>
    tpu.vector_store %arg2[%swap3A_1495, %swap3A_1496, %swap3A_1497], %swap3A_1500 {strides = array<i32>} : memref<1x2048x2048xf32, #tpu.memory_space<vmem>>, vector<1x8x2048xf32>,
    %get3A_1501 = arith.constant 0 : index
    %get3A_1502 = arith.constant 704 : index
    %get3A_1503 = vector.load %arg1[%get3A_1501, %get3A_1502] : memref<8x4088xf32, #tpu.memory_space<vmem>>, vector<8x2048xf32>
    %swap3A_1504 = arith.constant 0 : index
    %swap3A_1505 = arith.constant 1336 : index
    %swap3A_1506 = arith.constant 0 : index
    %swap3A_1507 = vector.load %arg2[%swap3A_1504, %swap3A_1505, %swap3A_1506] : memref<1x2048x2048xf32, #tpu.memory_space<vmem>>, vector<1x8x2048xf32>
    %swap3A_1508 = vector.shape_cast %swap3A_1507 : vector<1x8x2048xf32> to vector<8x2048xf32>
    %swap3A_1509 = vector.shape_cast %get3A_1503 : vector<8x2048xf32> to vector<1x8x2048xf32>
    tpu.vector_store %arg2[%swap3A_1504, %swap3A_1505, %swap3A_1506], %swap3A_1509 {strides = array<i32>} : memref<1x2048x2048xf32, #tpu.memory_space<vmem>>, vector<1x8x2048xf32>,
    %get3A_1510 = arith.constant 0 : index
    %get3A_1511 = arith.constant 696 : index
    %get3A_1512 = vector.load %arg1[%get3A_1510, %get3A_1511] : memref<8x4088xf32, #tpu.memory_space<vmem>>, vector<8x2048xf32>
    %swap3A_1513 = arith.constant 0 : index
    %swap3A_1514 = arith.constant 1344 : index
    %swap3A_1515 = arith.constant 0 : index
    %swap3A_1516 = vector.load %arg2[%swap3A_1513, %swap3A_1514, %swap3A_1515] : memref<1x2048x2048xf32, #tpu.memory_space<vmem>>, vector<1x8x2048xf32>
    %swap3A_1517 = vector.shape_cast %swap3A_1516 : vector<1x8x2048xf32> to vector<8x2048xf32>
    %swap3A_1518 = vector.shape_cast %get3A_1512 : vector<8x2048xf32> to vector<1x8x2048xf32>
    tpu.vector_store %arg2[%swap3A_1513, %swap3A_1514, %swap3A_1515], %swap3A_1518 {strides = array<i32>} : memref<1x2048x2048xf32, #tpu.memory_space<vmem>>, vector<1x8x2048xf32>,
    %get3A_1519 = arith.constant 0 : index
    %get3A_1520 = arith.constant 688 : index
    %get3A_1521 = vector.load %arg1[%get3A_1519, %get3A_1520] : memref<8x4088xf32, #tpu.memory_space<vmem>>, vector<8x2048xf32>
    %swap3A_1522 = arith.constant 0 : index
    %swap3A_1523 = arith.constant 1352 : index
    %swap3A_1524 = arith.constant 0 : index
    %swap3A_1525 = vector.load %arg2[%swap3A_1522, %swap3A_1523, %swap3A_1524] : memref<1x2048x2048xf32, #tpu.memory_space<vmem>>, vector<1x8x2048xf32>
    %swap3A_1526 = vector.shape_cast %swap3A_1525 : vector<1x8x2048xf32> to vector<8x2048xf32>
    %swap3A_1527 = vector.shape_cast %get3A_1521 : vector<8x2048xf32> to vector<1x8x2048xf32>
    tpu.vector_store %arg2[%swap3A_1522, %swap3A_1523, %swap3A_1524], %swap3A_1527 {strides = array<i32>} : memref<1x2048x2048xf32, #tpu.memory_space<vmem>>, vector<1x8x2048xf32>,
    %get3A_1528 = arith.constant 0 : index
    %get3A_1529 = arith.constant 680 : index
    %get3A_1530 = vector.load %arg1[%get3A_1528, %get3A_1529] : memref<8x4088xf32, #tpu.memory_space<vmem>>, vector<8x2048xf32>
    %swap3A_1531 = arith.constant 0 : index
    %swap3A_1532 = arith.constant 1360 : index
    %swap3A_1533 = arith.constant 0 : index
    %swap3A_1534 = vector.load %arg2[%swap3A_1531, %swap3A_1532, %swap3A_1533] : memref<1x2048x2048xf32, #tpu.memory_space<vmem>>, vector<1x8x2048xf32>
    %swap3A_1535 = vector.shape_cast %swap3A_1534 : vector<1x8x2048xf32> to vector<8x2048xf32>
    %swap3A_1536 = vector.shape_cast %get3A_1530 : vector<8x2048xf32> to vector<1x8x2048xf32>
    tpu.vector_store %arg2[%swap3A_1531, %swap3A_1532, %swap3A_1533], %swap3A_1536 {strides = array<i32>} : memref<1x2048x2048xf32, #tpu.memory_space<vmem>>, vector<1x8x2048xf32>,
    %get3A_1537 = arith.constant 0 : index
    %get3A_1538 = arith.constant 672 : index
    %get3A_1539 = vector.load %arg1[%get3A_1537, %get3A_1538] : memref<8x4088xf32, #tpu.memory_space<vmem>>, vector<8x2048xf32>
    %swap3A_1540 = arith.constant 0 : index
    %swap3A_1541 = arith.constant 1368 : index
    %swap3A_1542 = arith.constant 0 : index
    %swap3A_1543 = vector.load %arg2[%swap3A_1540, %swap3A_1541, %swap3A_1542] : memref<1x2048x2048xf32, #tpu.memory_space<vmem>>, vector<1x8x2048xf32>
    %swap3A_1544 = vector.shape_cast %swap3A_1543 : vector<1x8x2048xf32> to vector<8x2048xf32>
    %swap3A_1545 = vector.shape_cast %get3A_1539 : vector<8x2048xf32> to vector<1x8x2048xf32>
    tpu.vector_store %arg2[%swap3A_1540, %swap3A_1541, %swap3A_1542], %swap3A_1545 {strides = array<i32>} : memref<1x2048x2048xf32, #tpu.memory_space<vmem>>, vector<1x8x2048xf32>,
    %get3A_1546 = arith.constant 0 : index
    %get3A_1547 = arith.constant 664 : index
    %get3A_1548 = vector.load %arg1[%get3A_1546, %get3A_1547] : memref<8x4088xf32, #tpu.memory_space<vmem>>, vector<8x2048xf32>
    %swap3A_1549 = arith.constant 0 : index
    %swap3A_1550 = arith.constant 1376 : index
    %swap3A_1551 = arith.constant 0 : index
    %swap3A_1552 = vector.load %arg2[%swap3A_1549, %swap3A_1550, %swap3A_1551] : memref<1x2048x2048xf32, #tpu.memory_space<vmem>>, vector<1x8x2048xf32>
    %swap3A_1553 = vector.shape_cast %swap3A_1552 : vector<1x8x2048xf32> to vector<8x2048xf32>
    %swap3A_1554 = vector.shape_cast %get3A_1548 : vector<8x2048xf32> to vector<1x8x2048xf32>
    tpu.vector_store %arg2[%swap3A_1549, %swap3A_1550, %swap3A_1551], %swap3A_1554 {strides = array<i32>} : memref<1x2048x2048xf32, #tpu.memory_space<vmem>>, vector<1x8x2048xf32>,
    %get3A_1555 = arith.constant 0 : index
    %get3A_1556 = arith.constant 656 : index
    %get3A_1557 = vector.load %arg1[%get3A_1555, %get3A_1556] : memref<8x4088xf32, #tpu.memory_space<vmem>>, vector<8x2048xf32>
    %swap3A_1558 = arith.constant 0 : index
    %swap3A_1559 = arith.constant 1384 : index
    %swap3A_1560 = arith.constant 0 : index
    %swap3A_1561 = vector.load %arg2[%swap3A_1558, %swap3A_1559, %swap3A_1560] : memref<1x2048x2048xf32, #tpu.memory_space<vmem>>, vector<1x8x2048xf32>
    %swap3A_1562 = vector.shape_cast %swap3A_1561 : vector<1x8x2048xf32> to vector<8x2048xf32>
    %swap3A_1563 = vector.shape_cast %get3A_1557 : vector<8x2048xf32> to vector<1x8x2048xf32>
    tpu.vector_store %arg2[%swap3A_1558, %swap3A_1559, %swap3A_1560], %swap3A_1563 {strides = array<i32>} : memref<1x2048x2048xf32, #tpu.memory_space<vmem>>, vector<1x8x2048xf32>,
    %get3A_1564 = arith.constant 0 : index
    %get3A_1565 = arith.constant 648 : index
    %get3A_1566 = vector.load %arg1[%get3A_1564, %get3A_1565] : memref<8x4088xf32, #tpu.memory_space<vmem>>, vector<8x2048xf32>
    %swap3A_1567 = arith.constant 0 : index
    %swap3A_1568 = arith.constant 1392 : index
    %swap3A_1569 = arith.constant 0 : index
    %swap3A_1570 = vector.load %arg2[%swap3A_1567, %swap3A_1568, %swap3A_1569] : memref<1x2048x2048xf32, #tpu.memory_space<vmem>>, vector<1x8x2048xf32>
    %swap3A_1571 = vector.shape_cast %swap3A_1570 : vector<1x8x2048xf32> to vector<8x2048xf32>
    %swap3A_1572 = vector.shape_cast %get3A_1566 : vector<8x2048xf32> to vector<1x8x2048xf32>
    tpu.vector_store %arg2[%swap3A_1567, %swap3A_1568, %swap3A_1569], %swap3A_1572 {strides = array<i32>} : memref<1x2048x2048xf32, #tpu.memory_space<vmem>>, vector<1x8x2048xf32>,
    %get3A_1573 = arith.constant 0 : index
    %get3A_1574 = arith.constant 640 : index
    %get3A_1575 = vector.load %arg1[%get3A_1573, %get3A_1574] : memref<8x4088xf32, #tpu.memory_space<vmem>>, vector<8x2048xf32>
    %swap3A_1576 = arith.constant 0 : index
    %swap3A_1577 = arith.constant 1400 : index
    %swap3A_1578 = arith.constant 0 : index
    %swap3A_1579 = vector.load %arg2[%swap3A_1576, %swap3A_1577, %swap3A_1578] : memref<1x2048x2048xf32, #tpu.memory_space<vmem>>, vector<1x8x2048xf32>
    %swap3A_1580 = vector.shape_cast %swap3A_1579 : vector<1x8x2048xf32> to vector<8x2048xf32>
    %swap3A_1581 = vector.shape_cast %get3A_1575 : vector<8x2048xf32> to vector<1x8x2048xf32>
    tpu.vector_store %arg2[%swap3A_1576, %swap3A_1577, %swap3A_1578], %swap3A_1581 {strides = array<i32>} : memref<1x2048x2048xf32, #tpu.memory_space<vmem>>, vector<1x8x2048xf32>,
    %get3A_1582 = arith.constant 0 : index
    %get3A_1583 = arith.constant 632 : index
    %get3A_1584 = vector.load %arg1[%get3A_1582, %get3A_1583] : memref<8x4088xf32, #tpu.memory_space<vmem>>, vector<8x2048xf32>
    %swap3A_1585 = arith.constant 0 : index
    %swap3A_1586 = arith.constant 1408 : index
    %swap3A_1587 = arith.constant 0 : index
    %swap3A_1588 = vector.load %arg2[%swap3A_1585, %swap3A_1586, %swap3A_1587] : memref<1x2048x2048xf32, #tpu.memory_space<vmem>>, vector<1x8x2048xf32>
    %swap3A_1589 = vector.shape_cast %swap3A_1588 : vector<1x8x2048xf32> to vector<8x2048xf32>
    %swap3A_1590 = vector.shape_cast %get3A_1584 : vector<8x2048xf32> to vector<1x8x2048xf32>
    tpu.vector_store %arg2[%swap3A_1585, %swap3A_1586, %swap3A_1587], %swap3A_1590 {strides = array<i32>} : memref<1x2048x2048xf32, #tpu.memory_space<vmem>>, vector<1x8x2048xf32>,
    %get3A_1591 = arith.constant 0 : index
    %get3A_1592 = arith.constant 624 : index
    %get3A_1593 = vector.load %arg1[%get3A_1591, %get3A_1592] : memref<8x4088xf32, #tpu.memory_space<vmem>>, vector<8x2048xf32>
    %swap3A_1594 = arith.constant 0 : index
    %swap3A_1595 = arith.constant 1416 : index
    %swap3A_1596 = arith.constant 0 : index
    %swap3A_1597 = vector.load %arg2[%swap3A_1594, %swap3A_1595, %swap3A_1596] : memref<1x2048x2048xf32, #tpu.memory_space<vmem>>, vector<1x8x2048xf32>
    %swap3A_1598 = vector.shape_cast %swap3A_1597 : vector<1x8x2048xf32> to vector<8x2048xf32>
    %swap3A_1599 = vector.shape_cast %get3A_1593 : vector<8x2048xf32> to vector<1x8x2048xf32>
    tpu.vector_store %arg2[%swap3A_1594, %swap3A_1595, %swap3A_1596], %swap3A_1599 {strides = array<i32>} : memref<1x2048x2048xf32, #tpu.memory_space<vmem>>, vector<1x8x2048xf32>,
    %get3A_1600 = arith.constant 0 : index
    %get3A_1601 = arith.constant 616 : index
    %get3A_1602 = vector.load %arg1[%get3A_1600, %get3A_1601] : memref<8x4088xf32, #tpu.memory_space<vmem>>, vector<8x2048xf32>
    %swap3A_1603 = arith.constant 0 : index
    %swap3A_1604 = arith.constant 1424 : index
    %swap3A_1605 = arith.constant 0 : index
    %swap3A_1606 = vector.load %arg2[%swap3A_1603, %swap3A_1604, %swap3A_1605] : memref<1x2048x2048xf32, #tpu.memory_space<vmem>>, vector<1x8x2048xf32>
    %swap3A_1607 = vector.shape_cast %swap3A_1606 : vector<1x8x2048xf32> to vector<8x2048xf32>
    %swap3A_1608 = vector.shape_cast %get3A_1602 : vector<8x2048xf32> to vector<1x8x2048xf32>
    tpu.vector_store %arg2[%swap3A_1603, %swap3A_1604, %swap3A_1605], %swap3A_1608 {strides = array<i32>} : memref<1x2048x2048xf32, #tpu.memory_space<vmem>>, vector<1x8x2048xf32>,
    %get3A_1609 = arith.constant 0 : index
    %get3A_1610 = arith.constant 608 : index
    %get3A_1611 = vector.load %arg1[%get3A_1609, %get3A_1610] : memref<8x4088xf32, #tpu.memory_space<vmem>>, vector<8x2048xf32>
    %swap3A_1612 = arith.constant 0 : index
    %swap3A_1613 = arith.constant 1432 : index
    %swap3A_1614 = arith.constant 0 : index
    %swap3A_1615 = vector.load %arg2[%swap3A_1612, %swap3A_1613, %swap3A_1614] : memref<1x2048x2048xf32, #tpu.memory_space<vmem>>, vector<1x8x2048xf32>
    %swap3A_1616 = vector.shape_cast %swap3A_1615 : vector<1x8x2048xf32> to vector<8x2048xf32>
    %swap3A_1617 = vector.shape_cast %get3A_1611 : vector<8x2048xf32> to vector<1x8x2048xf32>
    tpu.vector_store %arg2[%swap3A_1612, %swap3A_1613, %swap3A_1614], %swap3A_1617 {strides = array<i32>} : memref<1x2048x2048xf32, #tpu.memory_space<vmem>>, vector<1x8x2048xf32>,
    %get3A_1618 = arith.constant 0 : index
    %get3A_1619 = arith.constant 600 : index
    %get3A_1620 = vector.load %arg1[%get3A_1618, %get3A_1619] : memref<8x4088xf32, #tpu.memory_space<vmem>>, vector<8x2048xf32>
    %swap3A_1621 = arith.constant 0 : index
    %swap3A_1622 = arith.constant 1440 : index
    %swap3A_1623 = arith.constant 0 : index
    %swap3A_1624 = vector.load %arg2[%swap3A_1621, %swap3A_1622, %swap3A_1623] : memref<1x2048x2048xf32, #tpu.memory_space<vmem>>, vector<1x8x2048xf32>
    %swap3A_1625 = vector.shape_cast %swap3A_1624 : vector<1x8x2048xf32> to vector<8x2048xf32>
    %swap3A_1626 = vector.shape_cast %get3A_1620 : vector<8x2048xf32> to vector<1x8x2048xf32>
    tpu.vector_store %arg2[%swap3A_1621, %swap3A_1622, %swap3A_1623], %swap3A_1626 {strides = array<i32>} : memref<1x2048x2048xf32, #tpu.memory_space<vmem>>, vector<1x8x2048xf32>,
    %get3A_1627 = arith.constant 0 : index
    %get3A_1628 = arith.constant 592 : index
    %get3A_1629 = vector.load %arg1[%get3A_1627, %get3A_1628] : memref<8x4088xf32, #tpu.memory_space<vmem>>, vector<8x2048xf32>
    %swap3A_1630 = arith.constant 0 : index
    %swap3A_1631 = arith.constant 1448 : index
    %swap3A_1632 = arith.constant 0 : index
    %swap3A_1633 = vector.load %arg2[%swap3A_1630, %swap3A_1631, %swap3A_1632] : memref<1x2048x2048xf32, #tpu.memory_space<vmem>>, vector<1x8x2048xf32>
    %swap3A_1634 = vector.shape_cast %swap3A_1633 : vector<1x8x2048xf32> to vector<8x2048xf32>
    %swap3A_1635 = vector.shape_cast %get3A_1629 : vector<8x2048xf32> to vector<1x8x2048xf32>
    tpu.vector_store %arg2[%swap3A_1630, %swap3A_1631, %swap3A_1632], %swap3A_1635 {strides = array<i32>} : memref<1x2048x2048xf32, #tpu.memory_space<vmem>>, vector<1x8x2048xf32>,
    %get3A_1636 = arith.constant 0 : index
    %get3A_1637 = arith.constant 584 : index
    %get3A_1638 = vector.load %arg1[%get3A_1636, %get3A_1637] : memref<8x4088xf32, #tpu.memory_space<vmem>>, vector<8x2048xf32>
    %swap3A_1639 = arith.constant 0 : index
    %swap3A_1640 = arith.constant 1456 : index
    %swap3A_1641 = arith.constant 0 : index
    %swap3A_1642 = vector.load %arg2[%swap3A_1639, %swap3A_1640, %swap3A_1641] : memref<1x2048x2048xf32, #tpu.memory_space<vmem>>, vector<1x8x2048xf32>
    %swap3A_1643 = vector.shape_cast %swap3A_1642 : vector<1x8x2048xf32> to vector<8x2048xf32>
    %swap3A_1644 = vector.shape_cast %get3A_1638 : vector<8x2048xf32> to vector<1x8x2048xf32>
    tpu.vector_store %arg2[%swap3A_1639, %swap3A_1640, %swap3A_1641], %swap3A_1644 {strides = array<i32>} : memref<1x2048x2048xf32, #tpu.memory_space<vmem>>, vector<1x8x2048xf32>,
    %get3A_1645 = arith.constant 0 : index
    %get3A_1646 = arith.constant 576 : index
    %get3A_1647 = vector.load %arg1[%get3A_1645, %get3A_1646] : memref<8x4088xf32, #tpu.memory_space<vmem>>, vector<8x2048xf32>
    %swap3A_1648 = arith.constant 0 : index
    %swap3A_1649 = arith.constant 1464 : index
    %swap3A_1650 = arith.constant 0 : index
    %swap3A_1651 = vector.load %arg2[%swap3A_1648, %swap3A_1649, %swap3A_1650] : memref<1x2048x2048xf32, #tpu.memory_space<vmem>>, vector<1x8x2048xf32>
    %swap3A_1652 = vector.shape_cast %swap3A_1651 : vector<1x8x2048xf32> to vector<8x2048xf32>
    %swap3A_1653 = vector.shape_cast %get3A_1647 : vector<8x2048xf32> to vector<1x8x2048xf32>
    tpu.vector_store %arg2[%swap3A_1648, %swap3A_1649, %swap3A_1650], %swap3A_1653 {strides = array<i32>} : memref<1x2048x2048xf32, #tpu.memory_space<vmem>>, vector<1x8x2048xf32>,
    %get3A_1654 = arith.constant 0 : index
    %get3A_1655 = arith.constant 568 : index
    %get3A_1656 = vector.load %arg1[%get3A_1654, %get3A_1655] : memref<8x4088xf32, #tpu.memory_space<vmem>>, vector<8x2048xf32>
    %swap3A_1657 = arith.constant 0 : index
    %swap3A_1658 = arith.constant 1472 : index
    %swap3A_1659 = arith.constant 0 : index
    %swap3A_1660 = vector.load %arg2[%swap3A_1657, %swap3A_1658, %swap3A_1659] : memref<1x2048x2048xf32, #tpu.memory_space<vmem>>, vector<1x8x2048xf32>
    %swap3A_1661 = vector.shape_cast %swap3A_1660 : vector<1x8x2048xf32> to vector<8x2048xf32>
    %swap3A_1662 = vector.shape_cast %get3A_1656 : vector<8x2048xf32> to vector<1x8x2048xf32>
    tpu.vector_store %arg2[%swap3A_1657, %swap3A_1658, %swap3A_1659], %swap3A_1662 {strides = array<i32>} : memref<1x2048x2048xf32, #tpu.memory_space<vmem>>, vector<1x8x2048xf32>,
    %get3A_1663 = arith.constant 0 : index
    %get3A_1664 = arith.constant 560 : index
    %get3A_1665 = vector.load %arg1[%get3A_1663, %get3A_1664] : memref<8x4088xf32, #tpu.memory_space<vmem>>, vector<8x2048xf32>
    %swap3A_1666 = arith.constant 0 : index
    %swap3A_1667 = arith.constant 1480 : index
    %swap3A_1668 = arith.constant 0 : index
    %swap3A_1669 = vector.load %arg2[%swap3A_1666, %swap3A_1667, %swap3A_1668] : memref<1x2048x2048xf32, #tpu.memory_space<vmem>>, vector<1x8x2048xf32>
    %swap3A_1670 = vector.shape_cast %swap3A_1669 : vector<1x8x2048xf32> to vector<8x2048xf32>
    %swap3A_1671 = vector.shape_cast %get3A_1665 : vector<8x2048xf32> to vector<1x8x2048xf32>
    tpu.vector_store %arg2[%swap3A_1666, %swap3A_1667, %swap3A_1668], %swap3A_1671 {strides = array<i32>} : memref<1x2048x2048xf32, #tpu.memory_space<vmem>>, vector<1x8x2048xf32>,
    %get3A_1672 = arith.constant 0 : index
    %get3A_1673 = arith.constant 552 : index
    %get3A_1674 = vector.load %arg1[%get3A_1672, %get3A_1673] : memref<8x4088xf32, #tpu.memory_space<vmem>>, vector<8x2048xf32>
    %swap3A_1675 = arith.constant 0 : index
    %swap3A_1676 = arith.constant 1488 : index
    %swap3A_1677 = arith.constant 0 : index
    %swap3A_1678 = vector.load %arg2[%swap3A_1675, %swap3A_1676, %swap3A_1677] : memref<1x2048x2048xf32, #tpu.memory_space<vmem>>, vector<1x8x2048xf32>
    %swap3A_1679 = vector.shape_cast %swap3A_1678 : vector<1x8x2048xf32> to vector<8x2048xf32>
    %swap3A_1680 = vector.shape_cast %get3A_1674 : vector<8x2048xf32> to vector<1x8x2048xf32>
    tpu.vector_store %arg2[%swap3A_1675, %swap3A_1676, %swap3A_1677], %swap3A_1680 {strides = array<i32>} : memref<1x2048x2048xf32, #tpu.memory_space<vmem>>, vector<1x8x2048xf32>,
    %get3A_1681 = arith.constant 0 : index
    %get3A_1682 = arith.constant 544 : index
    %get3A_1683 = vector.load %arg1[%get3A_1681, %get3A_1682] : memref<8x4088xf32, #tpu.memory_space<vmem>>, vector<8x2048xf32>
    %swap3A_1684 = arith.constant 0 : index
    %swap3A_1685 = arith.constant 1496 : index
    %swap3A_1686 = arith.constant 0 : index
    %swap3A_1687 = vector.load %arg2[%swap3A_1684, %swap3A_1685, %swap3A_1686] : memref<1x2048x2048xf32, #tpu.memory_space<vmem>>, vector<1x8x2048xf32>
    %swap3A_1688 = vector.shape_cast %swap3A_1687 : vector<1x8x2048xf32> to vector<8x2048xf32>
    %swap3A_1689 = vector.shape_cast %get3A_1683 : vector<8x2048xf32> to vector<1x8x2048xf32>
    tpu.vector_store %arg2[%swap3A_1684, %swap3A_1685, %swap3A_1686], %swap3A_1689 {strides = array<i32>} : memref<1x2048x2048xf32, #tpu.memory_space<vmem>>, vector<1x8x2048xf32>,
    %get3A_1690 = arith.constant 0 : index
    %get3A_1691 = arith.constant 536 : index
    %get3A_1692 = vector.load %arg1[%get3A_1690, %get3A_1691] : memref<8x4088xf32, #tpu.memory_space<vmem>>, vector<8x2048xf32>
    %swap3A_1693 = arith.constant 0 : index
    %swap3A_1694 = arith.constant 1504 : index
    %swap3A_1695 = arith.constant 0 : index
    %swap3A_1696 = vector.load %arg2[%swap3A_1693, %swap3A_1694, %swap3A_1695] : memref<1x2048x2048xf32, #tpu.memory_space<vmem>>, vector<1x8x2048xf32>
    %swap3A_1697 = vector.shape_cast %swap3A_1696 : vector<1x8x2048xf32> to vector<8x2048xf32>
    %swap3A_1698 = vector.shape_cast %get3A_1692 : vector<8x2048xf32> to vector<1x8x2048xf32>
    tpu.vector_store %arg2[%swap3A_1693, %swap3A_1694, %swap3A_1695], %swap3A_1698 {strides = array<i32>} : memref<1x2048x2048xf32, #tpu.memory_space<vmem>>, vector<1x8x2048xf32>,
    %get3A_1699 = arith.constant 0 : index
    %get3A_1700 = arith.constant 528 : index
    %get3A_1701 = vector.load %arg1[%get3A_1699, %get3A_1700] : memref<8x4088xf32, #tpu.memory_space<vmem>>, vector<8x2048xf32>
    %swap3A_1702 = arith.constant 0 : index
    %swap3A_1703 = arith.constant 1512 : index
    %swap3A_1704 = arith.constant 0 : index
    %swap3A_1705 = vector.load %arg2[%swap3A_1702, %swap3A_1703, %swap3A_1704] : memref<1x2048x2048xf32, #tpu.memory_space<vmem>>, vector<1x8x2048xf32>
    %swap3A_1706 = vector.shape_cast %swap3A_1705 : vector<1x8x2048xf32> to vector<8x2048xf32>
    %swap3A_1707 = vector.shape_cast %get3A_1701 : vector<8x2048xf32> to vector<1x8x2048xf32>
    tpu.vector_store %arg2[%swap3A_1702, %swap3A_1703, %swap3A_1704], %swap3A_1707 {strides = array<i32>} : memref<1x2048x2048xf32, #tpu.memory_space<vmem>>, vector<1x8x2048xf32>,
    %get3A_1708 = arith.constant 0 : index
    %get3A_1709 = arith.constant 520 : index
    %get3A_1710 = vector.load %arg1[%get3A_1708, %get3A_1709] : memref<8x4088xf32, #tpu.memory_space<vmem>>, vector<8x2048xf32>
    %swap3A_1711 = arith.constant 0 : index
    %swap3A_1712 = arith.constant 1520 : index
    %swap3A_1713 = arith.constant 0 : index
    %swap3A_1714 = vector.load %arg2[%swap3A_1711, %swap3A_1712, %swap3A_1713] : memref<1x2048x2048xf32, #tpu.memory_space<vmem>>, vector<1x8x2048xf32>
    %swap3A_1715 = vector.shape_cast %swap3A_1714 : vector<1x8x2048xf32> to vector<8x2048xf32>
    %swap3A_1716 = vector.shape_cast %get3A_1710 : vector<8x2048xf32> to vector<1x8x2048xf32>
    tpu.vector_store %arg2[%swap3A_1711, %swap3A_1712, %swap3A_1713], %swap3A_1716 {strides = array<i32>} : memref<1x2048x2048xf32, #tpu.memory_space<vmem>>, vector<1x8x2048xf32>,
    %get3A_1717 = arith.constant 0 : index
    %get3A_1718 = arith.constant 512 : index
    %get3A_1719 = vector.load %arg1[%get3A_1717, %get3A_1718] : memref<8x4088xf32, #tpu.memory_space<vmem>>, vector<8x2048xf32>
    %swap3A_1720 = arith.constant 0 : index
    %swap3A_1721 = arith.constant 1528 : index
    %swap3A_1722 = arith.constant 0 : index
    %swap3A_1723 = vector.load %arg2[%swap3A_1720, %swap3A_1721, %swap3A_1722] : memref<1x2048x2048xf32, #tpu.memory_space<vmem>>, vector<1x8x2048xf32>
    %swap3A_1724 = vector.shape_cast %swap3A_1723 : vector<1x8x2048xf32> to vector<8x2048xf32>
    %swap3A_1725 = vector.shape_cast %get3A_1719 : vector<8x2048xf32> to vector<1x8x2048xf32>
    tpu.vector_store %arg2[%swap3A_1720, %swap3A_1721, %swap3A_1722], %swap3A_1725 {strides = array<i32>} : memref<1x2048x2048xf32, #tpu.memory_space<vmem>>, vector<1x8x2048xf32>,
    %get3A_1726 = arith.constant 0 : index
    %get3A_1727 = arith.constant 504 : index
    %get3A_1728 = vector.load %arg1[%get3A_1726, %get3A_1727] : memref<8x4088xf32, #tpu.memory_space<vmem>>, vector<8x2048xf32>
    %swap3A_1729 = arith.constant 0 : index
    %swap3A_1730 = arith.constant 1536 : index
    %swap3A_1731 = arith.constant 0 : index
    %swap3A_1732 = vector.load %arg2[%swap3A_1729, %swap3A_1730, %swap3A_1731] : memref<1x2048x2048xf32, #tpu.memory_space<vmem>>, vector<1x8x2048xf32>
    %swap3A_1733 = vector.shape_cast %swap3A_1732 : vector<1x8x2048xf32> to vector<8x2048xf32>
    %swap3A_1734 = vector.shape_cast %get3A_1728 : vector<8x2048xf32> to vector<1x8x2048xf32>
    tpu.vector_store %arg2[%swap3A_1729, %swap3A_1730, %swap3A_1731], %swap3A_1734 {strides = array<i32>} : memref<1x2048x2048xf32, #tpu.memory_space<vmem>>, vector<1x8x2048xf32>,
    %get3A_1735 = arith.constant 0 : index
    %get3A_1736 = arith.constant 496 : index
    %get3A_1737 = vector.load %arg1[%get3A_1735, %get3A_1736] : memref<8x4088xf32, #tpu.memory_space<vmem>>, vector<8x2048xf32>
    %swap3A_1738 = arith.constant 0 : index
    %swap3A_1739 = arith.constant 1544 : index
    %swap3A_1740 = arith.constant 0 : index
    %swap3A_1741 = vector.load %arg2[%swap3A_1738, %swap3A_1739, %swap3A_1740] : memref<1x2048x2048xf32, #tpu.memory_space<vmem>>, vector<1x8x2048xf32>
    %swap3A_1742 = vector.shape_cast %swap3A_1741 : vector<1x8x2048xf32> to vector<8x2048xf32>
    %swap3A_1743 = vector.shape_cast %get3A_1737 : vector<8x2048xf32> to vector<1x8x2048xf32>
    tpu.vector_store %arg2[%swap3A_1738, %swap3A_1739, %swap3A_1740], %swap3A_1743 {strides = array<i32>} : memref<1x2048x2048xf32, #tpu.memory_space<vmem>>, vector<1x8x2048xf32>,
    %get3A_1744 = arith.constant 0 : index
    %get3A_1745 = arith.constant 488 : index
    %get3A_1746 = vector.load %arg1[%get3A_1744, %get3A_1745] : memref<8x4088xf32, #tpu.memory_space<vmem>>, vector<8x2048xf32>
    %swap3A_1747 = arith.constant 0 : index
    %swap3A_1748 = arith.constant 1552 : index
    %swap3A_1749 = arith.constant 0 : index
    %swap3A_1750 = vector.load %arg2[%swap3A_1747, %swap3A_1748, %swap3A_1749] : memref<1x2048x2048xf32, #tpu.memory_space<vmem>>, vector<1x8x2048xf32>
    %swap3A_1751 = vector.shape_cast %swap3A_1750 : vector<1x8x2048xf32> to vector<8x2048xf32>
    %swap3A_1752 = vector.shape_cast %get3A_1746 : vector<8x2048xf32> to vector<1x8x2048xf32>
    tpu.vector_store %arg2[%swap3A_1747, %swap3A_1748, %swap3A_1749], %swap3A_1752 {strides = array<i32>} : memref<1x2048x2048xf32, #tpu.memory_space<vmem>>, vector<1x8x2048xf32>,
    %get3A_1753 = arith.constant 0 : index
    %get3A_1754 = arith.constant 480 : index
    %get3A_1755 = vector.load %arg1[%get3A_1753, %get3A_1754] : memref<8x4088xf32, #tpu.memory_space<vmem>>, vector<8x2048xf32>
    %swap3A_1756 = arith.constant 0 : index
    %swap3A_1757 = arith.constant 1560 : index
    %swap3A_1758 = arith.constant 0 : index
    %swap3A_1759 = vector.load %arg2[%swap3A_1756, %swap3A_1757, %swap3A_1758] : memref<1x2048x2048xf32, #tpu.memory_space<vmem>>, vector<1x8x2048xf32>
    %swap3A_1760 = vector.shape_cast %swap3A_1759 : vector<1x8x2048xf32> to vector<8x2048xf32>
    %swap3A_1761 = vector.shape_cast %get3A_1755 : vector<8x2048xf32> to vector<1x8x2048xf32>
    tpu.vector_store %arg2[%swap3A_1756, %swap3A_1757, %swap3A_1758], %swap3A_1761 {strides = array<i32>} : memref<1x2048x2048xf32, #tpu.memory_space<vmem>>, vector<1x8x2048xf32>,
    %get3A_1762 = arith.constant 0 : index
    %get3A_1763 = arith.constant 472 : index
    %get3A_1764 = vector.load %arg1[%get3A_1762, %get3A_1763] : memref<8x4088xf32, #tpu.memory_space<vmem>>, vector<8x2048xf32>
    %swap3A_1765 = arith.constant 0 : index
    %swap3A_1766 = arith.constant 1568 : index
    %swap3A_1767 = arith.constant 0 : index
    %swap3A_1768 = vector.load %arg2[%swap3A_1765, %swap3A_1766, %swap3A_1767] : memref<1x2048x2048xf32, #tpu.memory_space<vmem>>, vector<1x8x2048xf32>
    %swap3A_1769 = vector.shape_cast %swap3A_1768 : vector<1x8x2048xf32> to vector<8x2048xf32>
    %swap3A_1770 = vector.shape_cast %get3A_1764 : vector<8x2048xf32> to vector<1x8x2048xf32>
    tpu.vector_store %arg2[%swap3A_1765, %swap3A_1766, %swap3A_1767], %swap3A_1770 {strides = array<i32>} : memref<1x2048x2048xf32, #tpu.memory_space<vmem>>, vector<1x8x2048xf32>,
    %get3A_1771 = arith.constant 0 : index
    %get3A_1772 = arith.constant 464 : index
    %get3A_1773 = vector.load %arg1[%get3A_1771, %get3A_1772] : memref<8x4088xf32, #tpu.memory_space<vmem>>, vector<8x2048xf32>
    %swap3A_1774 = arith.constant 0 : index
    %swap3A_1775 = arith.constant 1576 : index
    %swap3A_1776 = arith.constant 0 : index
    %swap3A_1777 = vector.load %arg2[%swap3A_1774, %swap3A_1775, %swap3A_1776] : memref<1x2048x2048xf32, #tpu.memory_space<vmem>>, vector<1x8x2048xf32>
    %swap3A_1778 = vector.shape_cast %swap3A_1777 : vector<1x8x2048xf32> to vector<8x2048xf32>
    %swap3A_1779 = vector.shape_cast %get3A_1773 : vector<8x2048xf32> to vector<1x8x2048xf32>
    tpu.vector_store %arg2[%swap3A_1774, %swap3A_1775, %swap3A_1776], %swap3A_1779 {strides = array<i32>} : memref<1x2048x2048xf32, #tpu.memory_space<vmem>>, vector<1x8x2048xf32>,
    %get3A_1780 = arith.constant 0 : index
    %get3A_1781 = arith.constant 456 : index
    %get3A_1782 = vector.load %arg1[%get3A_1780, %get3A_1781] : memref<8x4088xf32, #tpu.memory_space<vmem>>, vector<8x2048xf32>
    %swap3A_1783 = arith.constant 0 : index
    %swap3A_1784 = arith.constant 1584 : index
    %swap3A_1785 = arith.constant 0 : index
    %swap3A_1786 = vector.load %arg2[%swap3A_1783, %swap3A_1784, %swap3A_1785] : memref<1x2048x2048xf32, #tpu.memory_space<vmem>>, vector<1x8x2048xf32>
    %swap3A_1787 = vector.shape_cast %swap3A_1786 : vector<1x8x2048xf32> to vector<8x2048xf32>
    %swap3A_1788 = vector.shape_cast %get3A_1782 : vector<8x2048xf32> to vector<1x8x2048xf32>
    tpu.vector_store %arg2[%swap3A_1783, %swap3A_1784, %swap3A_1785], %swap3A_1788 {strides = array<i32>} : memref<1x2048x2048xf32, #tpu.memory_space<vmem>>, vector<1x8x2048xf32>,
    %get3A_1789 = arith.constant 0 : index
    %get3A_1790 = arith.constant 448 : index
    %get3A_1791 = vector.load %arg1[%get3A_1789, %get3A_1790] : memref<8x4088xf32, #tpu.memory_space<vmem>>, vector<8x2048xf32>
    %swap3A_1792 = arith.constant 0 : index
    %swap3A_1793 = arith.constant 1592 : index
    %swap3A_1794 = arith.constant 0 : index
    %swap3A_1795 = vector.load %arg2[%swap3A_1792, %swap3A_1793, %swap3A_1794] : memref<1x2048x2048xf32, #tpu.memory_space<vmem>>, vector<1x8x2048xf32>
    %swap3A_1796 = vector.shape_cast %swap3A_1795 : vector<1x8x2048xf32> to vector<8x2048xf32>
    %swap3A_1797 = vector.shape_cast %get3A_1791 : vector<8x2048xf32> to vector<1x8x2048xf32>
    tpu.vector_store %arg2[%swap3A_1792, %swap3A_1793, %swap3A_1794], %swap3A_1797 {strides = array<i32>} : memref<1x2048x2048xf32, #tpu.memory_space<vmem>>, vector<1x8x2048xf32>,
    %get3A_1798 = arith.constant 0 : index
    %get3A_1799 = arith.constant 440 : index
    %get3A_1800 = vector.load %arg1[%get3A_1798, %get3A_1799] : memref<8x4088xf32, #tpu.memory_space<vmem>>, vector<8x2048xf32>
    %swap3A_1801 = arith.constant 0 : index
    %swap3A_1802 = arith.constant 1600 : index
    %swap3A_1803 = arith.constant 0 : index
    %swap3A_1804 = vector.load %arg2[%swap3A_1801, %swap3A_1802, %swap3A_1803] : memref<1x2048x2048xf32, #tpu.memory_space<vmem>>, vector<1x8x2048xf32>
    %swap3A_1805 = vector.shape_cast %swap3A_1804 : vector<1x8x2048xf32> to vector<8x2048xf32>
    %swap3A_1806 = vector.shape_cast %get3A_1800 : vector<8x2048xf32> to vector<1x8x2048xf32>
    tpu.vector_store %arg2[%swap3A_1801, %swap3A_1802, %swap3A_1803], %swap3A_1806 {strides = array<i32>} : memref<1x2048x2048xf32, #tpu.memory_space<vmem>>, vector<1x8x2048xf32>,
    %get3A_1807 = arith.constant 0 : index
    %get3A_1808 = arith.constant 432 : index
    %get3A_1809 = vector.load %arg1[%get3A_1807, %get3A_1808] : memref<8x4088xf32, #tpu.memory_space<vmem>>, vector<8x2048xf32>
    %swap3A_1810 = arith.constant 0 : index
    %swap3A_1811 = arith.constant 1608 : index
    %swap3A_1812 = arith.constant 0 : index
    %swap3A_1813 = vector.load %arg2[%swap3A_1810, %swap3A_1811, %swap3A_1812] : memref<1x2048x2048xf32, #tpu.memory_space<vmem>>, vector<1x8x2048xf32>
    %swap3A_1814 = vector.shape_cast %swap3A_1813 : vector<1x8x2048xf32> to vector<8x2048xf32>
    %swap3A_1815 = vector.shape_cast %get3A_1809 : vector<8x2048xf32> to vector<1x8x2048xf32>
    tpu.vector_store %arg2[%swap3A_1810, %swap3A_1811, %swap3A_1812], %swap3A_1815 {strides = array<i32>} : memref<1x2048x2048xf32, #tpu.memory_space<vmem>>, vector<1x8x2048xf32>,
    %get3A_1816 = arith.constant 0 : index
    %get3A_1817 = arith.constant 424 : index
    %get3A_1818 = vector.load %arg1[%get3A_1816, %get3A_1817] : memref<8x4088xf32, #tpu.memory_space<vmem>>, vector<8x2048xf32>
    %swap3A_1819 = arith.constant 0 : index
    %swap3A_1820 = arith.constant 1616 : index
    %swap3A_1821 = arith.constant 0 : index
    %swap3A_1822 = vector.load %arg2[%swap3A_1819, %swap3A_1820, %swap3A_1821] : memref<1x2048x2048xf32, #tpu.memory_space<vmem>>, vector<1x8x2048xf32>
    %swap3A_1823 = vector.shape_cast %swap3A_1822 : vector<1x8x2048xf32> to vector<8x2048xf32>
    %swap3A_1824 = vector.shape_cast %get3A_1818 : vector<8x2048xf32> to vector<1x8x2048xf32>
    tpu.vector_store %arg2[%swap3A_1819, %swap3A_1820, %swap3A_1821], %swap3A_1824 {strides = array<i32>} : memref<1x2048x2048xf32, #tpu.memory_space<vmem>>, vector<1x8x2048xf32>,
    %get3A_1825 = arith.constant 0 : index
    %get3A_1826 = arith.constant 416 : index
    %get3A_1827 = vector.load %arg1[%get3A_1825, %get3A_1826] : memref<8x4088xf32, #tpu.memory_space<vmem>>, vector<8x2048xf32>
    %swap3A_1828 = arith.constant 0 : index
    %swap3A_1829 = arith.constant 1624 : index
    %swap3A_1830 = arith.constant 0 : index
    %swap3A_1831 = vector.load %arg2[%swap3A_1828, %swap3A_1829, %swap3A_1830] : memref<1x2048x2048xf32, #tpu.memory_space<vmem>>, vector<1x8x2048xf32>
    %swap3A_1832 = vector.shape_cast %swap3A_1831 : vector<1x8x2048xf32> to vector<8x2048xf32>
    %swap3A_1833 = vector.shape_cast %get3A_1827 : vector<8x2048xf32> to vector<1x8x2048xf32>
    tpu.vector_store %arg2[%swap3A_1828, %swap3A_1829, %swap3A_1830], %swap3A_1833 {strides = array<i32>} : memref<1x2048x2048xf32, #tpu.memory_space<vmem>>, vector<1x8x2048xf32>,
    %get3A_1834 = arith.constant 0 : index
    %get3A_1835 = arith.constant 408 : index
    %get3A_1836 = vector.load %arg1[%get3A_1834, %get3A_1835] : memref<8x4088xf32, #tpu.memory_space<vmem>>, vector<8x2048xf32>
    %swap3A_1837 = arith.constant 0 : index
    %swap3A_1838 = arith.constant 1632 : index
    %swap3A_1839 = arith.constant 0 : index
    %swap3A_1840 = vector.load %arg2[%swap3A_1837, %swap3A_1838, %swap3A_1839] : memref<1x2048x2048xf32, #tpu.memory_space<vmem>>, vector<1x8x2048xf32>
    %swap3A_1841 = vector.shape_cast %swap3A_1840 : vector<1x8x2048xf32> to vector<8x2048xf32>
    %swap3A_1842 = vector.shape_cast %get3A_1836 : vector<8x2048xf32> to vector<1x8x2048xf32>
    tpu.vector_store %arg2[%swap3A_1837, %swap3A_1838, %swap3A_1839], %swap3A_1842 {strides = array<i32>} : memref<1x2048x2048xf32, #tpu.memory_space<vmem>>, vector<1x8x2048xf32>,
    %get3A_1843 = arith.constant 0 : index
    %get3A_1844 = arith.constant 400 : index
    %get3A_1845 = vector.load %arg1[%get3A_1843, %get3A_1844] : memref<8x4088xf32, #tpu.memory_space<vmem>>, vector<8x2048xf32>
    %swap3A_1846 = arith.constant 0 : index
    %swap3A_1847 = arith.constant 1640 : index
    %swap3A_1848 = arith.constant 0 : index
    %swap3A_1849 = vector.load %arg2[%swap3A_1846, %swap3A_1847, %swap3A_1848] : memref<1x2048x2048xf32, #tpu.memory_space<vmem>>, vector<1x8x2048xf32>
    %swap3A_1850 = vector.shape_cast %swap3A_1849 : vector<1x8x2048xf32> to vector<8x2048xf32>
    %swap3A_1851 = vector.shape_cast %get3A_1845 : vector<8x2048xf32> to vector<1x8x2048xf32>
    tpu.vector_store %arg2[%swap3A_1846, %swap3A_1847, %swap3A_1848], %swap3A_1851 {strides = array<i32>} : memref<1x2048x2048xf32, #tpu.memory_space<vmem>>, vector<1x8x2048xf32>,
    %get3A_1852 = arith.constant 0 : index
    %get3A_1853 = arith.constant 392 : index
    %get3A_1854 = vector.load %arg1[%get3A_1852, %get3A_1853] : memref<8x4088xf32, #tpu.memory_space<vmem>>, vector<8x2048xf32>
    %swap3A_1855 = arith.constant 0 : index
    %swap3A_1856 = arith.constant 1648 : index
    %swap3A_1857 = arith.constant 0 : index
    %swap3A_1858 = vector.load %arg2[%swap3A_1855, %swap3A_1856, %swap3A_1857] : memref<1x2048x2048xf32, #tpu.memory_space<vmem>>, vector<1x8x2048xf32>
    %swap3A_1859 = vector.shape_cast %swap3A_1858 : vector<1x8x2048xf32> to vector<8x2048xf32>
    %swap3A_1860 = vector.shape_cast %get3A_1854 : vector<8x2048xf32> to vector<1x8x2048xf32>
    tpu.vector_store %arg2[%swap3A_1855, %swap3A_1856, %swap3A_1857], %swap3A_1860 {strides = array<i32>} : memref<1x2048x2048xf32, #tpu.memory_space<vmem>>, vector<1x8x2048xf32>,
    %get3A_1861 = arith.constant 0 : index
    %get3A_1862 = arith.constant 384 : index
    %get3A_1863 = vector.load %arg1[%get3A_1861, %get3A_1862] : memref<8x4088xf32, #tpu.memory_space<vmem>>, vector<8x2048xf32>
    %swap3A_1864 = arith.constant 0 : index
    %swap3A_1865 = arith.constant 1656 : index
    %swap3A_1866 = arith.constant 0 : index
    %swap3A_1867 = vector.load %arg2[%swap3A_1864, %swap3A_1865, %swap3A_1866] : memref<1x2048x2048xf32, #tpu.memory_space<vmem>>, vector<1x8x2048xf32>
    %swap3A_1868 = vector.shape_cast %swap3A_1867 : vector<1x8x2048xf32> to vector<8x2048xf32>
    %swap3A_1869 = vector.shape_cast %get3A_1863 : vector<8x2048xf32> to vector<1x8x2048xf32>
    tpu.vector_store %arg2[%swap3A_1864, %swap3A_1865, %swap3A_1866], %swap3A_1869 {strides = array<i32>} : memref<1x2048x2048xf32, #tpu.memory_space<vmem>>, vector<1x8x2048xf32>,
    %get3A_1870 = arith.constant 0 : index
    %get3A_1871 = arith.constant 376 : index
    %get3A_1872 = vector.load %arg1[%get3A_1870, %get3A_1871] : memref<8x4088xf32, #tpu.memory_space<vmem>>, vector<8x2048xf32>
    %swap3A_1873 = arith.constant 0 : index
    %swap3A_1874 = arith.constant 1664 : index
    %swap3A_1875 = arith.constant 0 : index
    %swap3A_1876 = vector.load %arg2[%swap3A_1873, %swap3A_1874, %swap3A_1875] : memref<1x2048x2048xf32, #tpu.memory_space<vmem>>, vector<1x8x2048xf32>
    %swap3A_1877 = vector.shape_cast %swap3A_1876 : vector<1x8x2048xf32> to vector<8x2048xf32>
    %swap3A_1878 = vector.shape_cast %get3A_1872 : vector<8x2048xf32> to vector<1x8x2048xf32>
    tpu.vector_store %arg2[%swap3A_1873, %swap3A_1874, %swap3A_1875], %swap3A_1878 {strides = array<i32>} : memref<1x2048x2048xf32, #tpu.memory_space<vmem>>, vector<1x8x2048xf32>,
    %get3A_1879 = arith.constant 0 : index
    %get3A_1880 = arith.constant 368 : index
    %get3A_1881 = vector.load %arg1[%get3A_1879, %get3A_1880] : memref<8x4088xf32, #tpu.memory_space<vmem>>, vector<8x2048xf32>
    %swap3A_1882 = arith.constant 0 : index
    %swap3A_1883 = arith.constant 1672 : index
    %swap3A_1884 = arith.constant 0 : index
    %swap3A_1885 = vector.load %arg2[%swap3A_1882, %swap3A_1883, %swap3A_1884] : memref<1x2048x2048xf32, #tpu.memory_space<vmem>>, vector<1x8x2048xf32>
    %swap3A_1886 = vector.shape_cast %swap3A_1885 : vector<1x8x2048xf32> to vector<8x2048xf32>
    %swap3A_1887 = vector.shape_cast %get3A_1881 : vector<8x2048xf32> to vector<1x8x2048xf32>
    tpu.vector_store %arg2[%swap3A_1882, %swap3A_1883, %swap3A_1884], %swap3A_1887 {strides = array<i32>} : memref<1x2048x2048xf32, #tpu.memory_space<vmem>>, vector<1x8x2048xf32>,
    %get3A_1888 = arith.constant 0 : index
    %get3A_1889 = arith.constant 360 : index
    %get3A_1890 = vector.load %arg1[%get3A_1888, %get3A_1889] : memref<8x4088xf32, #tpu.memory_space<vmem>>, vector<8x2048xf32>
    %swap3A_1891 = arith.constant 0 : index
    %swap3A_1892 = arith.constant 1680 : index
    %swap3A_1893 = arith.constant 0 : index
    %swap3A_1894 = vector.load %arg2[%swap3A_1891, %swap3A_1892, %swap3A_1893] : memref<1x2048x2048xf32, #tpu.memory_space<vmem>>, vector<1x8x2048xf32>
    %swap3A_1895 = vector.shape_cast %swap3A_1894 : vector<1x8x2048xf32> to vector<8x2048xf32>
    %swap3A_1896 = vector.shape_cast %get3A_1890 : vector<8x2048xf32> to vector<1x8x2048xf32>
    tpu.vector_store %arg2[%swap3A_1891, %swap3A_1892, %swap3A_1893], %swap3A_1896 {strides = array<i32>} : memref<1x2048x2048xf32, #tpu.memory_space<vmem>>, vector<1x8x2048xf32>,
    %get3A_1897 = arith.constant 0 : index
    %get3A_1898 = arith.constant 352 : index
    %get3A_1899 = vector.load %arg1[%get3A_1897, %get3A_1898] : memref<8x4088xf32, #tpu.memory_space<vmem>>, vector<8x2048xf32>
    %swap3A_1900 = arith.constant 0 : index
    %swap3A_1901 = arith.constant 1688 : index
    %swap3A_1902 = arith.constant 0 : index
    %swap3A_1903 = vector.load %arg2[%swap3A_1900, %swap3A_1901, %swap3A_1902] : memref<1x2048x2048xf32, #tpu.memory_space<vmem>>, vector<1x8x2048xf32>
    %swap3A_1904 = vector.shape_cast %swap3A_1903 : vector<1x8x2048xf32> to vector<8x2048xf32>
    %swap3A_1905 = vector.shape_cast %get3A_1899 : vector<8x2048xf32> to vector<1x8x2048xf32>
    tpu.vector_store %arg2[%swap3A_1900, %swap3A_1901, %swap3A_1902], %swap3A_1905 {strides = array<i32>} : memref<1x2048x2048xf32, #tpu.memory_space<vmem>>, vector<1x8x2048xf32>,
    %get3A_1906 = arith.constant 0 : index
    %get3A_1907 = arith.constant 344 : index
    %get3A_1908 = vector.load %arg1[%get3A_1906, %get3A_1907] : memref<8x4088xf32, #tpu.memory_space<vmem>>, vector<8x2048xf32>
    %swap3A_1909 = arith.constant 0 : index
    %swap3A_1910 = arith.constant 1696 : index
    %swap3A_1911 = arith.constant 0 : index
    %swap3A_1912 = vector.load %arg2[%swap3A_1909, %swap3A_1910, %swap3A_1911] : memref<1x2048x2048xf32, #tpu.memory_space<vmem>>, vector<1x8x2048xf32>
    %swap3A_1913 = vector.shape_cast %swap3A_1912 : vector<1x8x2048xf32> to vector<8x2048xf32>
    %swap3A_1914 = vector.shape_cast %get3A_1908 : vector<8x2048xf32> to vector<1x8x2048xf32>
    tpu.vector_store %arg2[%swap3A_1909, %swap3A_1910, %swap3A_1911], %swap3A_1914 {strides = array<i32>} : memref<1x2048x2048xf32, #tpu.memory_space<vmem>>, vector<1x8x2048xf32>,
    %get3A_1915 = arith.constant 0 : index
    %get3A_1916 = arith.constant 336 : index
    %get3A_1917 = vector.load %arg1[%get3A_1915, %get3A_1916] : memref<8x4088xf32, #tpu.memory_space<vmem>>, vector<8x2048xf32>
    %swap3A_1918 = arith.constant 0 : index
    %swap3A_1919 = arith.constant 1704 : index
    %swap3A_1920 = arith.constant 0 : index
    %swap3A_1921 = vector.load %arg2[%swap3A_1918, %swap3A_1919, %swap3A_1920] : memref<1x2048x2048xf32, #tpu.memory_space<vmem>>, vector<1x8x2048xf32>
    %swap3A_1922 = vector.shape_cast %swap3A_1921 : vector<1x8x2048xf32> to vector<8x2048xf32>
    %swap3A_1923 = vector.shape_cast %get3A_1917 : vector<8x2048xf32> to vector<1x8x2048xf32>
    tpu.vector_store %arg2[%swap3A_1918, %swap3A_1919, %swap3A_1920], %swap3A_1923 {strides = array<i32>} : memref<1x2048x2048xf32, #tpu.memory_space<vmem>>, vector<1x8x2048xf32>,
    %get3A_1924 = arith.constant 0 : index
    %get3A_1925 = arith.constant 328 : index
    %get3A_1926 = vector.load %arg1[%get3A_1924, %get3A_1925] : memref<8x4088xf32, #tpu.memory_space<vmem>>, vector<8x2048xf32>
    %swap3A_1927 = arith.constant 0 : index
    %swap3A_1928 = arith.constant 1712 : index
    %swap3A_1929 = arith.constant 0 : index
    %swap3A_1930 = vector.load %arg2[%swap3A_1927, %swap3A_1928, %swap3A_1929] : memref<1x2048x2048xf32, #tpu.memory_space<vmem>>, vector<1x8x2048xf32>
    %swap3A_1931 = vector.shape_cast %swap3A_1930 : vector<1x8x2048xf32> to vector<8x2048xf32>
    %swap3A_1932 = vector.shape_cast %get3A_1926 : vector<8x2048xf32> to vector<1x8x2048xf32>
    tpu.vector_store %arg2[%swap3A_1927, %swap3A_1928, %swap3A_1929], %swap3A_1932 {strides = array<i32>} : memref<1x2048x2048xf32, #tpu.memory_space<vmem>>, vector<1x8x2048xf32>,
    %get3A_1933 = arith.constant 0 : index
    %get3A_1934 = arith.constant 320 : index
    %get3A_1935 = vector.load %arg1[%get3A_1933, %get3A_1934] : memref<8x4088xf32, #tpu.memory_space<vmem>>, vector<8x2048xf32>
    %swap3A_1936 = arith.constant 0 : index
    %swap3A_1937 = arith.constant 1720 : index
    %swap3A_1938 = arith.constant 0 : index
    %swap3A_1939 = vector.load %arg2[%swap3A_1936, %swap3A_1937, %swap3A_1938] : memref<1x2048x2048xf32, #tpu.memory_space<vmem>>, vector<1x8x2048xf32>
    %swap3A_1940 = vector.shape_cast %swap3A_1939 : vector<1x8x2048xf32> to vector<8x2048xf32>
    %swap3A_1941 = vector.shape_cast %get3A_1935 : vector<8x2048xf32> to vector<1x8x2048xf32>
    tpu.vector_store %arg2[%swap3A_1936, %swap3A_1937, %swap3A_1938], %swap3A_1941 {strides = array<i32>} : memref<1x2048x2048xf32, #tpu.memory_space<vmem>>, vector<1x8x2048xf32>,
    %get3A_1942 = arith.constant 0 : index
    %get3A_1943 = arith.constant 312 : index
    %get3A_1944 = vector.load %arg1[%get3A_1942, %get3A_1943] : memref<8x4088xf32, #tpu.memory_space<vmem>>, vector<8x2048xf32>
    %swap3A_1945 = arith.constant 0 : index
    %swap3A_1946 = arith.constant 1728 : index
    %swap3A_1947 = arith.constant 0 : index
    %swap3A_1948 = vector.load %arg2[%swap3A_1945, %swap3A_1946, %swap3A_1947] : memref<1x2048x2048xf32, #tpu.memory_space<vmem>>, vector<1x8x2048xf32>
    %swap3A_1949 = vector.shape_cast %swap3A_1948 : vector<1x8x2048xf32> to vector<8x2048xf32>
    %swap3A_1950 = vector.shape_cast %get3A_1944 : vector<8x2048xf32> to vector<1x8x2048xf32>
    tpu.vector_store %arg2[%swap3A_1945, %swap3A_1946, %swap3A_1947], %swap3A_1950 {strides = array<i32>} : memref<1x2048x2048xf32, #tpu.memory_space<vmem>>, vector<1x8x2048xf32>,
    %get3A_1951 = arith.constant 0 : index
    %get3A_1952 = arith.constant 304 : index
    %get3A_1953 = vector.load %arg1[%get3A_1951, %get3A_1952] : memref<8x4088xf32, #tpu.memory_space<vmem>>, vector<8x2048xf32>
    %swap3A_1954 = arith.constant 0 : index
    %swap3A_1955 = arith.constant 1736 : index
    %swap3A_1956 = arith.constant 0 : index
    %swap3A_1957 = vector.load %arg2[%swap3A_1954, %swap3A_1955, %swap3A_1956] : memref<1x2048x2048xf32, #tpu.memory_space<vmem>>, vector<1x8x2048xf32>
    %swap3A_1958 = vector.shape_cast %swap3A_1957 : vector<1x8x2048xf32> to vector<8x2048xf32>
    %swap3A_1959 = vector.shape_cast %get3A_1953 : vector<8x2048xf32> to vector<1x8x2048xf32>
    tpu.vector_store %arg2[%swap3A_1954, %swap3A_1955, %swap3A_1956], %swap3A_1959 {strides = array<i32>} : memref<1x2048x2048xf32, #tpu.memory_space<vmem>>, vector<1x8x2048xf32>,
    %get3A_1960 = arith.constant 0 : index
    %get3A_1961 = arith.constant 296 : index
    %get3A_1962 = vector.load %arg1[%get3A_1960, %get3A_1961] : memref<8x4088xf32, #tpu.memory_space<vmem>>, vector<8x2048xf32>
    %swap3A_1963 = arith.constant 0 : index
    %swap3A_1964 = arith.constant 1744 : index
    %swap3A_1965 = arith.constant 0 : index
    %swap3A_1966 = vector.load %arg2[%swap3A_1963, %swap3A_1964, %swap3A_1965] : memref<1x2048x2048xf32, #tpu.memory_space<vmem>>, vector<1x8x2048xf32>
    %swap3A_1967 = vector.shape_cast %swap3A_1966 : vector<1x8x2048xf32> to vector<8x2048xf32>
    %swap3A_1968 = vector.shape_cast %get3A_1962 : vector<8x2048xf32> to vector<1x8x2048xf32>
    tpu.vector_store %arg2[%swap3A_1963, %swap3A_1964, %swap3A_1965], %swap3A_1968 {strides = array<i32>} : memref<1x2048x2048xf32, #tpu.memory_space<vmem>>, vector<1x8x2048xf32>,
    %get3A_1969 = arith.constant 0 : index
    %get3A_1970 = arith.constant 288 : index
    %get3A_1971 = vector.load %arg1[%get3A_1969, %get3A_1970] : memref<8x4088xf32, #tpu.memory_space<vmem>>, vector<8x2048xf32>
    %swap3A_1972 = arith.constant 0 : index
    %swap3A_1973 = arith.constant 1752 : index
    %swap3A_1974 = arith.constant 0 : index
    %swap3A_1975 = vector.load %arg2[%swap3A_1972, %swap3A_1973, %swap3A_1974] : memref<1x2048x2048xf32, #tpu.memory_space<vmem>>, vector<1x8x2048xf32>
    %swap3A_1976 = vector.shape_cast %swap3A_1975 : vector<1x8x2048xf32> to vector<8x2048xf32>
    %swap3A_1977 = vector.shape_cast %get3A_1971 : vector<8x2048xf32> to vector<1x8x2048xf32>
    tpu.vector_store %arg2[%swap3A_1972, %swap3A_1973, %swap3A_1974], %swap3A_1977 {strides = array<i32>} : memref<1x2048x2048xf32, #tpu.memory_space<vmem>>, vector<1x8x2048xf32>,
    %get3A_1978 = arith.constant 0 : index
    %get3A_1979 = arith.constant 280 : index
    %get3A_1980 = vector.load %arg1[%get3A_1978, %get3A_1979] : memref<8x4088xf32, #tpu.memory_space<vmem>>, vector<8x2048xf32>
    %swap3A_1981 = arith.constant 0 : index
    %swap3A_1982 = arith.constant 1760 : index
    %swap3A_1983 = arith.constant 0 : index
    %swap3A_1984 = vector.load %arg2[%swap3A_1981, %swap3A_1982, %swap3A_1983] : memref<1x2048x2048xf32, #tpu.memory_space<vmem>>, vector<1x8x2048xf32>
    %swap3A_1985 = vector.shape_cast %swap3A_1984 : vector<1x8x2048xf32> to vector<8x2048xf32>
    %swap3A_1986 = vector.shape_cast %get3A_1980 : vector<8x2048xf32> to vector<1x8x2048xf32>
    tpu.vector_store %arg2[%swap3A_1981, %swap3A_1982, %swap3A_1983], %swap3A_1986 {strides = array<i32>} : memref<1x2048x2048xf32, #tpu.memory_space<vmem>>, vector<1x8x2048xf32>,
    %get3A_1987 = arith.constant 0 : index
    %get3A_1988 = arith.constant 272 : index
    %get3A_1989 = vector.load %arg1[%get3A_1987, %get3A_1988] : memref<8x4088xf32, #tpu.memory_space<vmem>>, vector<8x2048xf32>
    %swap3A_1990 = arith.constant 0 : index
    %swap3A_1991 = arith.constant 1768 : index
    %swap3A_1992 = arith.constant 0 : index
    %swap3A_1993 = vector.load %arg2[%swap3A_1990, %swap3A_1991, %swap3A_1992] : memref<1x2048x2048xf32, #tpu.memory_space<vmem>>, vector<1x8x2048xf32>
    %swap3A_1994 = vector.shape_cast %swap3A_1993 : vector<1x8x2048xf32> to vector<8x2048xf32>
    %swap3A_1995 = vector.shape_cast %get3A_1989 : vector<8x2048xf32> to vector<1x8x2048xf32>
    tpu.vector_store %arg2[%swap3A_1990, %swap3A_1991, %swap3A_1992], %swap3A_1995 {strides = array<i32>} : memref<1x2048x2048xf32, #tpu.memory_space<vmem>>, vector<1x8x2048xf32>,
    %get3A_1996 = arith.constant 0 : index
    %get3A_1997 = arith.constant 264 : index
    %get3A_1998 = vector.load %arg1[%get3A_1996, %get3A_1997] : memref<8x4088xf32, #tpu.memory_space<vmem>>, vector<8x2048xf32>
    %swap3A_1999 = arith.constant 0 : index
    %swap3A_2000 = arith.constant 1776 : index
    %swap3A_2001 = arith.constant 0 : index
    %swap3A_2002 = vector.load %arg2[%swap3A_1999, %swap3A_2000, %swap3A_2001] : memref<1x2048x2048xf32, #tpu.memory_space<vmem>>, vector<1x8x2048xf32>
    %swap3A_2003 = vector.shape_cast %swap3A_2002 : vector<1x8x2048xf32> to vector<8x2048xf32>
    %swap3A_2004 = vector.shape_cast %get3A_1998 : vector<8x2048xf32> to vector<1x8x2048xf32>
    tpu.vector_store %arg2[%swap3A_1999, %swap3A_2000, %swap3A_2001], %swap3A_2004 {strides = array<i32>} : memref<1x2048x2048xf32, #tpu.memory_space<vmem>>, vector<1x8x2048xf32>,
    %get3A_2005 = arith.constant 0 : index
    %get3A_2006 = arith.constant 256 : index
    %get3A_2007 = vector.load %arg1[%get3A_2005, %get3A_2006] : memref<8x4088xf32, #tpu.memory_space<vmem>>, vector<8x2048xf32>
    %swap3A_2008 = arith.constant 0 : index
    %swap3A_2009 = arith.constant 1784 : index
    %swap3A_2010 = arith.constant 0 : index
    %swap3A_2011 = vector.load %arg2[%swap3A_2008, %swap3A_2009, %swap3A_2010] : memref<1x2048x2048xf32, #tpu.memory_space<vmem>>, vector<1x8x2048xf32>
    %swap3A_2012 = vector.shape_cast %swap3A_2011 : vector<1x8x2048xf32> to vector<8x2048xf32>
    %swap3A_2013 = vector.shape_cast %get3A_2007 : vector<8x2048xf32> to vector<1x8x2048xf32>
    tpu.vector_store %arg2[%swap3A_2008, %swap3A_2009, %swap3A_2010], %swap3A_2013 {strides = array<i32>} : memref<1x2048x2048xf32, #tpu.memory_space<vmem>>, vector<1x8x2048xf32>,
    %get3A_2014 = arith.constant 0 : index
    %get3A_2015 = arith.constant 248 : index
    %get3A_2016 = vector.load %arg1[%get3A_2014, %get3A_2015] : memref<8x4088xf32, #tpu.memory_space<vmem>>, vector<8x2048xf32>
    %swap3A_2017 = arith.constant 0 : index
    %swap3A_2018 = arith.constant 1792 : index
    %swap3A_2019 = arith.constant 0 : index
    %swap3A_2020 = vector.load %arg2[%swap3A_2017, %swap3A_2018, %swap3A_2019] : memref<1x2048x2048xf32, #tpu.memory_space<vmem>>, vector<1x8x2048xf32>
    %swap3A_2021 = vector.shape_cast %swap3A_2020 : vector<1x8x2048xf32> to vector<8x2048xf32>
    %swap3A_2022 = vector.shape_cast %get3A_2016 : vector<8x2048xf32> to vector<1x8x2048xf32>
    tpu.vector_store %arg2[%swap3A_2017, %swap3A_2018, %swap3A_2019], %swap3A_2022 {strides = array<i32>} : memref<1x2048x2048xf32, #tpu.memory_space<vmem>>, vector<1x8x2048xf32>,
    %get3A_2023 = arith.constant 0 : index
    %get3A_2024 = arith.constant 240 : index
    %get3A_2025 = vector.load %arg1[%get3A_2023, %get3A_2024] : memref<8x4088xf32, #tpu.memory_space<vmem>>, vector<8x2048xf32>
    %swap3A_2026 = arith.constant 0 : index
    %swap3A_2027 = arith.constant 1800 : index
    %swap3A_2028 = arith.constant 0 : index
    %swap3A_2029 = vector.load %arg2[%swap3A_2026, %swap3A_2027, %swap3A_2028] : memref<1x2048x2048xf32, #tpu.memory_space<vmem>>, vector<1x8x2048xf32>
    %swap3A_2030 = vector.shape_cast %swap3A_2029 : vector<1x8x2048xf32> to vector<8x2048xf32>
    %swap3A_2031 = vector.shape_cast %get3A_2025 : vector<8x2048xf32> to vector<1x8x2048xf32>
    tpu.vector_store %arg2[%swap3A_2026, %swap3A_2027, %swap3A_2028], %swap3A_2031 {strides = array<i32>} : memref<1x2048x2048xf32, #tpu.memory_space<vmem>>, vector<1x8x2048xf32>,
    %get3A_2032 = arith.constant 0 : index
    %get3A_2033 = arith.constant 232 : index
    %get3A_2034 = vector.load %arg1[%get3A_2032, %get3A_2033] : memref<8x4088xf32, #tpu.memory_space<vmem>>, vector<8x2048xf32>
    %swap3A_2035 = arith.constant 0 : index
    %swap3A_2036 = arith.constant 1808 : index
    %swap3A_2037 = arith.constant 0 : index
    %swap3A_2038 = vector.load %arg2[%swap3A_2035, %swap3A_2036, %swap3A_2037] : memref<1x2048x2048xf32, #tpu.memory_space<vmem>>, vector<1x8x2048xf32>
    %swap3A_2039 = vector.shape_cast %swap3A_2038 : vector<1x8x2048xf32> to vector<8x2048xf32>
    %swap3A_2040 = vector.shape_cast %get3A_2034 : vector<8x2048xf32> to vector<1x8x2048xf32>
    tpu.vector_store %arg2[%swap3A_2035, %swap3A_2036, %swap3A_2037], %swap3A_2040 {strides = array<i32>} : memref<1x2048x2048xf32, #tpu.memory_space<vmem>>, vector<1x8x2048xf32>,
    %get3A_2041 = arith.constant 0 : index
    %get3A_2042 = arith.constant 224 : index
    %get3A_2043 = vector.load %arg1[%get3A_2041, %get3A_2042] : memref<8x4088xf32, #tpu.memory_space<vmem>>, vector<8x2048xf32>
    %swap3A_2044 = arith.constant 0 : index
    %swap3A_2045 = arith.constant 1816 : index
    %swap3A_2046 = arith.constant 0 : index
    %swap3A_2047 = vector.load %arg2[%swap3A_2044, %swap3A_2045, %swap3A_2046] : memref<1x2048x2048xf32, #tpu.memory_space<vmem>>, vector<1x8x2048xf32>
    %swap3A_2048 = vector.shape_cast %swap3A_2047 : vector<1x8x2048xf32> to vector<8x2048xf32>
    %swap3A_2049 = vector.shape_cast %get3A_2043 : vector<8x2048xf32> to vector<1x8x2048xf32>
    tpu.vector_store %arg2[%swap3A_2044, %swap3A_2045, %swap3A_2046], %swap3A_2049 {strides = array<i32>} : memref<1x2048x2048xf32, #tpu.memory_space<vmem>>, vector<1x8x2048xf32>,
    %get3A_2050 = arith.constant 0 : index
    %get3A_2051 = arith.constant 216 : index
    %get3A_2052 = vector.load %arg1[%get3A_2050, %get3A_2051] : memref<8x4088xf32, #tpu.memory_space<vmem>>, vector<8x2048xf32>
    %swap3A_2053 = arith.constant 0 : index
    %swap3A_2054 = arith.constant 1824 : index
    %swap3A_2055 = arith.constant 0 : index
    %swap3A_2056 = vector.load %arg2[%swap3A_2053, %swap3A_2054, %swap3A_2055] : memref<1x2048x2048xf32, #tpu.memory_space<vmem>>, vector<1x8x2048xf32>
    %swap3A_2057 = vector.shape_cast %swap3A_2056 : vector<1x8x2048xf32> to vector<8x2048xf32>
    %swap3A_2058 = vector.shape_cast %get3A_2052 : vector<8x2048xf32> to vector<1x8x2048xf32>
    tpu.vector_store %arg2[%swap3A_2053, %swap3A_2054, %swap3A_2055], %swap3A_2058 {strides = array<i32>} : memref<1x2048x2048xf32, #tpu.memory_space<vmem>>, vector<1x8x2048xf32>,
    %get3A_2059 = arith.constant 0 : index
    %get3A_2060 = arith.constant 208 : index
    %get3A_2061 = vector.load %arg1[%get3A_2059, %get3A_2060] : memref<8x4088xf32, #tpu.memory_space<vmem>>, vector<8x2048xf32>
    %swap3A_2062 = arith.constant 0 : index
    %swap3A_2063 = arith.constant 1832 : index
    %swap3A_2064 = arith.constant 0 : index
    %swap3A_2065 = vector.load %arg2[%swap3A_2062, %swap3A_2063, %swap3A_2064] : memref<1x2048x2048xf32, #tpu.memory_space<vmem>>, vector<1x8x2048xf32>
    %swap3A_2066 = vector.shape_cast %swap3A_2065 : vector<1x8x2048xf32> to vector<8x2048xf32>
    %swap3A_2067 = vector.shape_cast %get3A_2061 : vector<8x2048xf32> to vector<1x8x2048xf32>
    tpu.vector_store %arg2[%swap3A_2062, %swap3A_2063, %swap3A_2064], %swap3A_2067 {strides = array<i32>} : memref<1x2048x2048xf32, #tpu.memory_space<vmem>>, vector<1x8x2048xf32>,
    %get3A_2068 = arith.constant 0 : index
    %get3A_2069 = arith.constant 200 : index
    %get3A_2070 = vector.load %arg1[%get3A_2068, %get3A_2069] : memref<8x4088xf32, #tpu.memory_space<vmem>>, vector<8x2048xf32>
    %swap3A_2071 = arith.constant 0 : index
    %swap3A_2072 = arith.constant 1840 : index
    %swap3A_2073 = arith.constant 0 : index
    %swap3A_2074 = vector.load %arg2[%swap3A_2071, %swap3A_2072, %swap3A_2073] : memref<1x2048x2048xf32, #tpu.memory_space<vmem>>, vector<1x8x2048xf32>
    %swap3A_2075 = vector.shape_cast %swap3A_2074 : vector<1x8x2048xf32> to vector<8x2048xf32>
    %swap3A_2076 = vector.shape_cast %get3A_2070 : vector<8x2048xf32> to vector<1x8x2048xf32>
    tpu.vector_store %arg2[%swap3A_2071, %swap3A_2072, %swap3A_2073], %swap3A_2076 {strides = array<i32>} : memref<1x2048x2048xf32, #tpu.memory_space<vmem>>, vector<1x8x2048xf32>,
    %get3A_2077 = arith.constant 0 : index
    %get3A_2078 = arith.constant 192 : index
    %get3A_2079 = vector.load %arg1[%get3A_2077, %get3A_2078] : memref<8x4088xf32, #tpu.memory_space<vmem>>, vector<8x2048xf32>
    %swap3A_2080 = arith.constant 0 : index
    %swap3A_2081 = arith.constant 1848 : index
    %swap3A_2082 = arith.constant 0 : index
    %swap3A_2083 = vector.load %arg2[%swap3A_2080, %swap3A_2081, %swap3A_2082] : memref<1x2048x2048xf32, #tpu.memory_space<vmem>>, vector<1x8x2048xf32>
    %swap3A_2084 = vector.shape_cast %swap3A_2083 : vector<1x8x2048xf32> to vector<8x2048xf32>
    %swap3A_2085 = vector.shape_cast %get3A_2079 : vector<8x2048xf32> to vector<1x8x2048xf32>
    tpu.vector_store %arg2[%swap3A_2080, %swap3A_2081, %swap3A_2082], %swap3A_2085 {strides = array<i32>} : memref<1x2048x2048xf32, #tpu.memory_space<vmem>>, vector<1x8x2048xf32>,
    %get3A_2086 = arith.constant 0 : index
    %get3A_2087 = arith.constant 184 : index
    %get3A_2088 = vector.load %arg1[%get3A_2086, %get3A_2087] : memref<8x4088xf32, #tpu.memory_space<vmem>>, vector<8x2048xf32>
    %swap3A_2089 = arith.constant 0 : index
    %swap3A_2090 = arith.constant 1856 : index
    %swap3A_2091 = arith.constant 0 : index
    %swap3A_2092 = vector.load %arg2[%swap3A_2089, %swap3A_2090, %swap3A_2091] : memref<1x2048x2048xf32, #tpu.memory_space<vmem>>, vector<1x8x2048xf32>
    %swap3A_2093 = vector.shape_cast %swap3A_2092 : vector<1x8x2048xf32> to vector<8x2048xf32>
    %swap3A_2094 = vector.shape_cast %get3A_2088 : vector<8x2048xf32> to vector<1x8x2048xf32>
    tpu.vector_store %arg2[%swap3A_2089, %swap3A_2090, %swap3A_2091], %swap3A_2094 {strides = array<i32>} : memref<1x2048x2048xf32, #tpu.memory_space<vmem>>, vector<1x8x2048xf32>,
    %get3A_2095 = arith.constant 0 : index
    %get3A_2096 = arith.constant 176 : index
    %get3A_2097 = vector.load %arg1[%get3A_2095, %get3A_2096] : memref<8x4088xf32, #tpu.memory_space<vmem>>, vector<8x2048xf32>
    %swap3A_2098 = arith.constant 0 : index
    %swap3A_2099 = arith.constant 1864 : index
    %swap3A_2100 = arith.constant 0 : index
    %swap3A_2101 = vector.load %arg2[%swap3A_2098, %swap3A_2099, %swap3A_2100] : memref<1x2048x2048xf32, #tpu.memory_space<vmem>>, vector<1x8x2048xf32>
    %swap3A_2102 = vector.shape_cast %swap3A_2101 : vector<1x8x2048xf32> to vector<8x2048xf32>
    %swap3A_2103 = vector.shape_cast %get3A_2097 : vector<8x2048xf32> to vector<1x8x2048xf32>
    tpu.vector_store %arg2[%swap3A_2098, %swap3A_2099, %swap3A_2100], %swap3A_2103 {strides = array<i32>} : memref<1x2048x2048xf32, #tpu.memory_space<vmem>>, vector<1x8x2048xf32>,
    %get3A_2104 = arith.constant 0 : index
    %get3A_2105 = arith.constant 168 : index
    %get3A_2106 = vector.load %arg1[%get3A_2104, %get3A_2105] : memref<8x4088xf32, #tpu.memory_space<vmem>>, vector<8x2048xf32>
    %swap3A_2107 = arith.constant 0 : index
    %swap3A_2108 = arith.constant 1872 : index
    %swap3A_2109 = arith.constant 0 : index
    %swap3A_2110 = vector.load %arg2[%swap3A_2107, %swap3A_2108, %swap3A_2109] : memref<1x2048x2048xf32, #tpu.memory_space<vmem>>, vector<1x8x2048xf32>
    %swap3A_2111 = vector.shape_cast %swap3A_2110 : vector<1x8x2048xf32> to vector<8x2048xf32>
    %swap3A_2112 = vector.shape_cast %get3A_2106 : vector<8x2048xf32> to vector<1x8x2048xf32>
    tpu.vector_store %arg2[%swap3A_2107, %swap3A_2108, %swap3A_2109], %swap3A_2112 {strides = array<i32>} : memref<1x2048x2048xf32, #tpu.memory_space<vmem>>, vector<1x8x2048xf32>,
    %get3A_2113 = arith.constant 0 : index
    %get3A_2114 = arith.constant 160 : index
    %get3A_2115 = vector.load %arg1[%get3A_2113, %get3A_2114] : memref<8x4088xf32, #tpu.memory_space<vmem>>, vector<8x2048xf32>
    %swap3A_2116 = arith.constant 0 : index
    %swap3A_2117 = arith.constant 1880 : index
    %swap3A_2118 = arith.constant 0 : index
    %swap3A_2119 = vector.load %arg2[%swap3A_2116, %swap3A_2117, %swap3A_2118] : memref<1x2048x2048xf32, #tpu.memory_space<vmem>>, vector<1x8x2048xf32>
    %swap3A_2120 = vector.shape_cast %swap3A_2119 : vector<1x8x2048xf32> to vector<8x2048xf32>
    %swap3A_2121 = vector.shape_cast %get3A_2115 : vector<8x2048xf32> to vector<1x8x2048xf32>
    tpu.vector_store %arg2[%swap3A_2116, %swap3A_2117, %swap3A_2118], %swap3A_2121 {strides = array<i32>} : memref<1x2048x2048xf32, #tpu.memory_space<vmem>>, vector<1x8x2048xf32>,
    %get3A_2122 = arith.constant 0 : index
    %get3A_2123 = arith.constant 152 : index
    %get3A_2124 = vector.load %arg1[%get3A_2122, %get3A_2123] : memref<8x4088xf32, #tpu.memory_space<vmem>>, vector<8x2048xf32>
    %swap3A_2125 = arith.constant 0 : index
    %swap3A_2126 = arith.constant 1888 : index
    %swap3A_2127 = arith.constant 0 : index
    %swap3A_2128 = vector.load %arg2[%swap3A_2125, %swap3A_2126, %swap3A_2127] : memref<1x2048x2048xf32, #tpu.memory_space<vmem>>, vector<1x8x2048xf32>
    %swap3A_2129 = vector.shape_cast %swap3A_2128 : vector<1x8x2048xf32> to vector<8x2048xf32>
    %swap3A_2130 = vector.shape_cast %get3A_2124 : vector<8x2048xf32> to vector<1x8x2048xf32>
    tpu.vector_store %arg2[%swap3A_2125, %swap3A_2126, %swap3A_2127], %swap3A_2130 {strides = array<i32>} : memref<1x2048x2048xf32, #tpu.memory_space<vmem>>, vector<1x8x2048xf32>,
    %get3A_2131 = arith.constant 0 : index
    %get3A_2132 = arith.constant 144 : index
    %get3A_2133 = vector.load %arg1[%get3A_2131, %get3A_2132] : memref<8x4088xf32, #tpu.memory_space<vmem>>, vector<8x2048xf32>
    %swap3A_2134 = arith.constant 0 : index
    %swap3A_2135 = arith.constant 1896 : index
    %swap3A_2136 = arith.constant 0 : index
    %swap3A_2137 = vector.load %arg2[%swap3A_2134, %swap3A_2135, %swap3A_2136] : memref<1x2048x2048xf32, #tpu.memory_space<vmem>>, vector<1x8x2048xf32>
    %swap3A_2138 = vector.shape_cast %swap3A_2137 : vector<1x8x2048xf32> to vector<8x2048xf32>
    %swap3A_2139 = vector.shape_cast %get3A_2133 : vector<8x2048xf32> to vector<1x8x2048xf32>
    tpu.vector_store %arg2[%swap3A_2134, %swap3A_2135, %swap3A_2136], %swap3A_2139 {strides = array<i32>} : memref<1x2048x2048xf32, #tpu.memory_space<vmem>>, vector<1x8x2048xf32>,
    %get3A_2140 = arith.constant 0 : index
    %get3A_2141 = arith.constant 136 : index
    %get3A_2142 = vector.load %arg1[%get3A_2140, %get3A_2141] : memref<8x4088xf32, #tpu.memory_space<vmem>>, vector<8x2048xf32>
    %swap3A_2143 = arith.constant 0 : index
    %swap3A_2144 = arith.constant 1904 : index
    %swap3A_2145 = arith.constant 0 : index
    %swap3A_2146 = vector.load %arg2[%swap3A_2143, %swap3A_2144, %swap3A_2145] : memref<1x2048x2048xf32, #tpu.memory_space<vmem>>, vector<1x8x2048xf32>
    %swap3A_2147 = vector.shape_cast %swap3A_2146 : vector<1x8x2048xf32> to vector<8x2048xf32>
    %swap3A_2148 = vector.shape_cast %get3A_2142 : vector<8x2048xf32> to vector<1x8x2048xf32>
    tpu.vector_store %arg2[%swap3A_2143, %swap3A_2144, %swap3A_2145], %swap3A_2148 {strides = array<i32>} : memref<1x2048x2048xf32, #tpu.memory_space<vmem>>, vector<1x8x2048xf32>,
    %get3A_2149 = arith.constant 0 : index
    %get3A_2150 = arith.constant 128 : index
    %get3A_2151 = vector.load %arg1[%get3A_2149, %get3A_2150] : memref<8x4088xf32, #tpu.memory_space<vmem>>, vector<8x2048xf32>
    %swap3A_2152 = arith.constant 0 : index
    %swap3A_2153 = arith.constant 1912 : index
    %swap3A_2154 = arith.constant 0 : index
    %swap3A_2155 = vector.load %arg2[%swap3A_2152, %swap3A_2153, %swap3A_2154] : memref<1x2048x2048xf32, #tpu.memory_space<vmem>>, vector<1x8x2048xf32>
    %swap3A_2156 = vector.shape_cast %swap3A_2155 : vector<1x8x2048xf32> to vector<8x2048xf32>
    %swap3A_2157 = vector.shape_cast %get3A_2151 : vector<8x2048xf32> to vector<1x8x2048xf32>
    tpu.vector_store %arg2[%swap3A_2152, %swap3A_2153, %swap3A_2154], %swap3A_2157 {strides = array<i32>} : memref<1x2048x2048xf32, #tpu.memory_space<vmem>>, vector<1x8x2048xf32>,
    %get3A_2158 = arith.constant 0 : index
    %get3A_2159 = arith.constant 120 : index
    %get3A_2160 = vector.load %arg1[%get3A_2158, %get3A_2159] : memref<8x4088xf32, #tpu.memory_space<vmem>>, vector<8x2048xf32>
    %swap3A_2161 = arith.constant 0 : index
    %swap3A_2162 = arith.constant 1920 : index
    %swap3A_2163 = arith.constant 0 : index
    %swap3A_2164 = vector.load %arg2[%swap3A_2161, %swap3A_2162, %swap3A_2163] : memref<1x2048x2048xf32, #tpu.memory_space<vmem>>, vector<1x8x2048xf32>
    %swap3A_2165 = vector.shape_cast %swap3A_2164 : vector<1x8x2048xf32> to vector<8x2048xf32>
    %swap3A_2166 = vector.shape_cast %get3A_2160 : vector<8x2048xf32> to vector<1x8x2048xf32>
    tpu.vector_store %arg2[%swap3A_2161, %swap3A_2162, %swap3A_2163], %swap3A_2166 {strides = array<i32>} : memref<1x2048x2048xf32, #tpu.memory_space<vmem>>, vector<1x8x2048xf32>,
    %get3A_2167 = arith.constant 0 : index
    %get3A_2168 = arith.constant 112 : index
    %get3A_2169 = vector.load %arg1[%get3A_2167, %get3A_2168] : memref<8x4088xf32, #tpu.memory_space<vmem>>, vector<8x2048xf32>
    %swap3A_2170 = arith.constant 0 : index
    %swap3A_2171 = arith.constant 1928 : index
    %swap3A_2172 = arith.constant 0 : index
    %swap3A_2173 = vector.load %arg2[%swap3A_2170, %swap3A_2171, %swap3A_2172] : memref<1x2048x2048xf32, #tpu.memory_space<vmem>>, vector<1x8x2048xf32>
    %swap3A_2174 = vector.shape_cast %swap3A_2173 : vector<1x8x2048xf32> to vector<8x2048xf32>
    %swap3A_2175 = vector.shape_cast %get3A_2169 : vector<8x2048xf32> to vector<1x8x2048xf32>
    tpu.vector_store %arg2[%swap3A_2170, %swap3A_2171, %swap3A_2172], %swap3A_2175 {strides = array<i32>} : memref<1x2048x2048xf32, #tpu.memory_space<vmem>>, vector<1x8x2048xf32>,
    %get3A_2176 = arith.constant 0 : index
    %get3A_2177 = arith.constant 104 : index
    %get3A_2178 = vector.load %arg1[%get3A_2176, %get3A_2177] : memref<8x4088xf32, #tpu.memory_space<vmem>>, vector<8x2048xf32>
    %swap3A_2179 = arith.constant 0 : index
    %swap3A_2180 = arith.constant 1936 : index
    %swap3A_2181 = arith.constant 0 : index
    %swap3A_2182 = vector.load %arg2[%swap3A_2179, %swap3A_2180, %swap3A_2181] : memref<1x2048x2048xf32, #tpu.memory_space<vmem>>, vector<1x8x2048xf32>
    %swap3A_2183 = vector.shape_cast %swap3A_2182 : vector<1x8x2048xf32> to vector<8x2048xf32>
    %swap3A_2184 = vector.shape_cast %get3A_2178 : vector<8x2048xf32> to vector<1x8x2048xf32>
    tpu.vector_store %arg2[%swap3A_2179, %swap3A_2180, %swap3A_2181], %swap3A_2184 {strides = array<i32>} : memref<1x2048x2048xf32, #tpu.memory_space<vmem>>, vector<1x8x2048xf32>,
    %get3A_2185 = arith.constant 0 : index
    %get3A_2186 = arith.constant 96 : index
    %get3A_2187 = vector.load %arg1[%get3A_2185, %get3A_2186] : memref<8x4088xf32, #tpu.memory_space<vmem>>, vector<8x2048xf32>
    %swap3A_2188 = arith.constant 0 : index
    %swap3A_2189 = arith.constant 1944 : index
    %swap3A_2190 = arith.constant 0 : index
    %swap3A_2191 = vector.load %arg2[%swap3A_2188, %swap3A_2189, %swap3A_2190] : memref<1x2048x2048xf32, #tpu.memory_space<vmem>>, vector<1x8x2048xf32>
    %swap3A_2192 = vector.shape_cast %swap3A_2191 : vector<1x8x2048xf32> to vector<8x2048xf32>
    %swap3A_2193 = vector.shape_cast %get3A_2187 : vector<8x2048xf32> to vector<1x8x2048xf32>
    tpu.vector_store %arg2[%swap3A_2188, %swap3A_2189, %swap3A_2190], %swap3A_2193 {strides = array<i32>} : memref<1x2048x2048xf32, #tpu.memory_space<vmem>>, vector<1x8x2048xf32>,
    %get3A_2194 = arith.constant 0 : index
    %get3A_2195 = arith.constant 88 : index
    %get3A_2196 = vector.load %arg1[%get3A_2194, %get3A_2195] : memref<8x4088xf32, #tpu.memory_space<vmem>>, vector<8x2048xf32>
    %swap3A_2197 = arith.constant 0 : index
    %swap3A_2198 = arith.constant 1952 : index
    %swap3A_2199 = arith.constant 0 : index
    %swap3A_2200 = vector.load %arg2[%swap3A_2197, %swap3A_2198, %swap3A_2199] : memref<1x2048x2048xf32, #tpu.memory_space<vmem>>, vector<1x8x2048xf32>
    %swap3A_2201 = vector.shape_cast %swap3A_2200 : vector<1x8x2048xf32> to vector<8x2048xf32>
    %swap3A_2202 = vector.shape_cast %get3A_2196 : vector<8x2048xf32> to vector<1x8x2048xf32>
    tpu.vector_store %arg2[%swap3A_2197, %swap3A_2198, %swap3A_2199], %swap3A_2202 {strides = array<i32>} : memref<1x2048x2048xf32, #tpu.memory_space<vmem>>, vector<1x8x2048xf32>,
    %get3A_2203 = arith.constant 0 : index
    %get3A_2204 = arith.constant 80 : index
    %get3A_2205 = vector.load %arg1[%get3A_2203, %get3A_2204] : memref<8x4088xf32, #tpu.memory_space<vmem>>, vector<8x2048xf32>
    %swap3A_2206 = arith.constant 0 : index
    %swap3A_2207 = arith.constant 1960 : index
    %swap3A_2208 = arith.constant 0 : index
    %swap3A_2209 = vector.load %arg2[%swap3A_2206, %swap3A_2207, %swap3A_2208] : memref<1x2048x2048xf32, #tpu.memory_space<vmem>>, vector<1x8x2048xf32>
    %swap3A_2210 = vector.shape_cast %swap3A_2209 : vector<1x8x2048xf32> to vector<8x2048xf32>
    %swap3A_2211 = vector.shape_cast %get3A_2205 : vector<8x2048xf32> to vector<1x8x2048xf32>
    tpu.vector_store %arg2[%swap3A_2206, %swap3A_2207, %swap3A_2208], %swap3A_2211 {strides = array<i32>} : memref<1x2048x2048xf32, #tpu.memory_space<vmem>>, vector<1x8x2048xf32>,
    %get3A_2212 = arith.constant 0 : index
    %get3A_2213 = arith.constant 72 : index
    %get3A_2214 = vector.load %arg1[%get3A_2212, %get3A_2213] : memref<8x4088xf32, #tpu.memory_space<vmem>>, vector<8x2048xf32>
    %swap3A_2215 = arith.constant 0 : index
    %swap3A_2216 = arith.constant 1968 : index
    %swap3A_2217 = arith.constant 0 : index
    %swap3A_2218 = vector.load %arg2[%swap3A_2215, %swap3A_2216, %swap3A_2217] : memref<1x2048x2048xf32, #tpu.memory_space<vmem>>, vector<1x8x2048xf32>
    %swap3A_2219 = vector.shape_cast %swap3A_2218 : vector<1x8x2048xf32> to vector<8x2048xf32>
    %swap3A_2220 = vector.shape_cast %get3A_2214 : vector<8x2048xf32> to vector<1x8x2048xf32>
    tpu.vector_store %arg2[%swap3A_2215, %swap3A_2216, %swap3A_2217], %swap3A_2220 {strides = array<i32>} : memref<1x2048x2048xf32, #tpu.memory_space<vmem>>, vector<1x8x2048xf32>,
    %get3A_2221 = arith.constant 0 : index
    %get3A_2222 = arith.constant 64 : index
    %get3A_2223 = vector.load %arg1[%get3A_2221, %get3A_2222] : memref<8x4088xf32, #tpu.memory_space<vmem>>, vector<8x2048xf32>
    %swap3A_2224 = arith.constant 0 : index
    %swap3A_2225 = arith.constant 1976 : index
    %swap3A_2226 = arith.constant 0 : index
    %swap3A_2227 = vector.load %arg2[%swap3A_2224, %swap3A_2225, %swap3A_2226] : memref<1x2048x2048xf32, #tpu.memory_space<vmem>>, vector<1x8x2048xf32>
    %swap3A_2228 = vector.shape_cast %swap3A_2227 : vector<1x8x2048xf32> to vector<8x2048xf32>
    %swap3A_2229 = vector.shape_cast %get3A_2223 : vector<8x2048xf32> to vector<1x8x2048xf32>
    tpu.vector_store %arg2[%swap3A_2224, %swap3A_2225, %swap3A_2226], %swap3A_2229 {strides = array<i32>} : memref<1x2048x2048xf32, #tpu.memory_space<vmem>>, vector<1x8x2048xf32>,
    %get3A_2230 = arith.constant 0 : index
    %get3A_2231 = arith.constant 56 : index
    %get3A_2232 = vector.load %arg1[%get3A_2230, %get3A_2231] : memref<8x4088xf32, #tpu.memory_space<vmem>>, vector<8x2048xf32>
    %swap3A_2233 = arith.constant 0 : index
    %swap3A_2234 = arith.constant 1984 : index
    %swap3A_2235 = arith.constant 0 : index
    %swap3A_2236 = vector.load %arg2[%swap3A_2233, %swap3A_2234, %swap3A_2235] : memref<1x2048x2048xf32, #tpu.memory_space<vmem>>, vector<1x8x2048xf32>
    %swap3A_2237 = vector.shape_cast %swap3A_2236 : vector<1x8x2048xf32> to vector<8x2048xf32>
    %swap3A_2238 = vector.shape_cast %get3A_2232 : vector<8x2048xf32> to vector<1x8x2048xf32>
    tpu.vector_store %arg2[%swap3A_2233, %swap3A_2234, %swap3A_2235], %swap3A_2238 {strides = array<i32>} : memref<1x2048x2048xf32, #tpu.memory_space<vmem>>, vector<1x8x2048xf32>,
    %get3A_2239 = arith.constant 0 : index
    %get3A_2240 = arith.constant 48 : index
    %get3A_2241 = vector.load %arg1[%get3A_2239, %get3A_2240] : memref<8x4088xf32, #tpu.memory_space<vmem>>, vector<8x2048xf32>
    %swap3A_2242 = arith.constant 0 : index
    %swap3A_2243 = arith.constant 1992 : index
    %swap3A_2244 = arith.constant 0 : index
    %swap3A_2245 = vector.load %arg2[%swap3A_2242, %swap3A_2243, %swap3A_2244] : memref<1x2048x2048xf32, #tpu.memory_space<vmem>>, vector<1x8x2048xf32>
    %swap3A_2246 = vector.shape_cast %swap3A_2245 : vector<1x8x2048xf32> to vector<8x2048xf32>
    %swap3A_2247 = vector.shape_cast %get3A_2241 : vector<8x2048xf32> to vector<1x8x2048xf32>
    tpu.vector_store %arg2[%swap3A_2242, %swap3A_2243, %swap3A_2244], %swap3A_2247 {strides = array<i32>} : memref<1x2048x2048xf32, #tpu.memory_space<vmem>>, vector<1x8x2048xf32>,
    %get3A_2248 = arith.constant 0 : index
    %get3A_2249 = arith.constant 40 : index
    %get3A_2250 = vector.load %arg1[%get3A_2248, %get3A_2249] : memref<8x4088xf32, #tpu.memory_space<vmem>>, vector<8x2048xf32>
    %swap3A_2251 = arith.constant 0 : index
    %swap3A_2252 = arith.constant 2000 : index
    %swap3A_2253 = arith.constant 0 : index
    %swap3A_2254 = vector.load %arg2[%swap3A_2251, %swap3A_2252, %swap3A_2253] : memref<1x2048x2048xf32, #tpu.memory_space<vmem>>, vector<1x8x2048xf32>
    %swap3A_2255 = vector.shape_cast %swap3A_2254 : vector<1x8x2048xf32> to vector<8x2048xf32>
    %swap3A_2256 = vector.shape_cast %get3A_2250 : vector<8x2048xf32> to vector<1x8x2048xf32>
    tpu.vector_store %arg2[%swap3A_2251, %swap3A_2252, %swap3A_2253], %swap3A_2256 {strides = array<i32>} : memref<1x2048x2048xf32, #tpu.memory_space<vmem>>, vector<1x8x2048xf32>,
    %get3A_2257 = arith.constant 0 : index
    %get3A_2258 = arith.constant 32 : index
    %get3A_2259 = vector.load %arg1[%get3A_2257, %get3A_2258] : memref<8x4088xf32, #tpu.memory_space<vmem>>, vector<8x2048xf32>
    %swap3A_2260 = arith.constant 0 : index
    %swap3A_2261 = arith.constant 2008 : index
    %swap3A_2262 = arith.constant 0 : index
    %swap3A_2263 = vector.load %arg2[%swap3A_2260, %swap3A_2261, %swap3A_2262] : memref<1x2048x2048xf32, #tpu.memory_space<vmem>>, vector<1x8x2048xf32>
    %swap3A_2264 = vector.shape_cast %swap3A_2263 : vector<1x8x2048xf32> to vector<8x2048xf32>
    %swap3A_2265 = vector.shape_cast %get3A_2259 : vector<8x2048xf32> to vector<1x8x2048xf32>
    tpu.vector_store %arg2[%swap3A_2260, %swap3A_2261, %swap3A_2262], %swap3A_2265 {strides = array<i32>} : memref<1x2048x2048xf32, #tpu.memory_space<vmem>>, vector<1x8x2048xf32>,
    %get3A_2266 = arith.constant 0 : index
    %get3A_2267 = arith.constant 24 : index
    %get3A_2268 = vector.load %arg1[%get3A_2266, %get3A_2267] : memref<8x4088xf32, #tpu.memory_space<vmem>>, vector<8x2048xf32>
    %swap3A_2269 = arith.constant 0 : index
    %swap3A_2270 = arith.constant 2016 : index
    %swap3A_2271 = arith.constant 0 : index
    %swap3A_2272 = vector.load %arg2[%swap3A_2269, %swap3A_2270, %swap3A_2271] : memref<1x2048x2048xf32, #tpu.memory_space<vmem>>, vector<1x8x2048xf32>
    %swap3A_2273 = vector.shape_cast %swap3A_2272 : vector<1x8x2048xf32> to vector<8x2048xf32>
    %swap3A_2274 = vector.shape_cast %get3A_2268 : vector<8x2048xf32> to vector<1x8x2048xf32>
    tpu.vector_store %arg2[%swap3A_2269, %swap3A_2270, %swap3A_2271], %swap3A_2274 {strides = array<i32>} : memref<1x2048x2048xf32, #tpu.memory_space<vmem>>, vector<1x8x2048xf32>,
    %get3A_2275 = arith.constant 0 : index
    %get3A_2276 = arith.constant 16 : index
    %get3A_2277 = vector.load %arg1[%get3A_2275, %get3A_2276] : memref<8x4088xf32, #tpu.memory_space<vmem>>, vector<8x2048xf32>
    %swap3A_2278 = arith.constant 0 : index
    %swap3A_2279 = arith.constant 2024 : index
    %swap3A_2280 = arith.constant 0 : index
    %swap3A_2281 = vector.load %arg2[%swap3A_2278, %swap3A_2279, %swap3A_2280] : memref<1x2048x2048xf32, #tpu.memory_space<vmem>>, vector<1x8x2048xf32>
    %swap3A_2282 = vector.shape_cast %swap3A_2281 : vector<1x8x2048xf32> to vector<8x2048xf32>
    %swap3A_2283 = vector.shape_cast %get3A_2277 : vector<8x2048xf32> to vector<1x8x2048xf32>
    tpu.vector_store %arg2[%swap3A_2278, %swap3A_2279, %swap3A_2280], %swap3A_2283 {strides = array<i32>} : memref<1x2048x2048xf32, #tpu.memory_space<vmem>>, vector<1x8x2048xf32>,
    %get3A_2284 = arith.constant 0 : index
    %get3A_2285 = arith.constant 8 : index
    %get3A_2286 = vector.load %arg1[%get3A_2284, %get3A_2285] : memref<8x4088xf32, #tpu.memory_space<vmem>>, vector<8x2048xf32>
    %swap3A_2287 = arith.constant 0 : index
    %swap3A_2288 = arith.constant 2032 : index
    %swap3A_2289 = arith.constant 0 : index
    %swap3A_2290 = vector.load %arg2[%swap3A_2287, %swap3A_2288, %swap3A_2289] : memref<1x2048x2048xf32, #tpu.memory_space<vmem>>, vector<1x8x2048xf32>
    %swap3A_2291 = vector.shape_cast %swap3A_2290 : vector<1x8x2048xf32> to vector<8x2048xf32>
    %swap3A_2292 = vector.shape_cast %get3A_2286 : vector<8x2048xf32> to vector<1x8x2048xf32>
    tpu.vector_store %arg2[%swap3A_2287, %swap3A_2288, %swap3A_2289], %swap3A_2292 {strides = array<i32>} : memref<1x2048x2048xf32, #tpu.memory_space<vmem>>, vector<1x8x2048xf32>,
    %get3A_2293 = arith.constant 0 : index
    %get3A_2294 = arith.constant 0 : index
    %get3A_2295 = vector.load %arg1[%get3A_2293, %get3A_2294] : memref<8x4088xf32, #tpu.memory_space<vmem>>, vector<8x2048xf32>
    %swap3A_2296 = arith.constant 0 : index
    %swap3A_2297 = arith.constant 2040 : index
    %swap3A_2298 = arith.constant 0 : index
    %swap3A_2299 = vector.load %arg2[%swap3A_2296, %swap3A_2297, %swap3A_2298] : memref<1x2048x2048xf32, #tpu.memory_space<vmem>>, vector<1x8x2048xf32>
    %swap3A_2300 = vector.shape_cast %swap3A_2299 : vector<1x8x2048xf32> to vector<8x2048xf32>
    %swap3A_2301 = vector.shape_cast %get3A_2295 : vector<8x2048xf32> to vector<1x8x2048xf32>
    tpu.vector_store %arg2[%swap3A_2296, %swap3A_2297, %swap3A_2298], %swap3A_2301 {strides = array<i32>} : memref<1x2048x2048xf32, #tpu.memory_space<vmem>>, vector<1x8x2048xf32>,
    return
  }
  func.func @transform_0(%arg0: i32) -> (i32, i32) {
    %c0_i32 = arith.constant 0 : i32
    %c0_i32_0 = arith.constant 0 : i32
    return %arg0, %c0_i32 : i32, i32
  }
  func.func @transform_1(%arg0: i32) -> (i32, i32, i32) {
    %c0_i32 = arith.constant 0 : i32
    %c0_i32_0 = arith.constant 0 : i32
    %c0_i32_1 = arith.constant 0 : i32
    return %arg0, %c0_i32, %c0_i32_0 : i32, i32, i32
  }
}

</mosaic_0001>

<sc_bundles>
// kernel: _materialize.4.cloned.1.call-start
scs
__scs_entry_jumppad:
0x0: {  	(pc) =	sbr.rel $0x88, $3  }
0x1: {  	(tag) =	ssettag $0x0;
	lr =	simm.s32 $0x1  }
0x2: {  	[smem:$0x3FA0] =	sst lr;
	_ =	strace $0xD0000000  }
0x3: {  	_ = 	snop  }
0x4: {  	_ = 	snop  }
0x5: {  	_ = 	snop  }
0x6: {  	_ = 	snop  }
0x7: {  	_ = 	snop  }
__scs_overlays_trampoline_lowered:
0x8: {  	[smem:$0x3FAF] =	sst s0  }
0x9: {  	[smem:$0x3FB0] =	sst s1  }
0xa: {  	[smem:$0x3FB1] =	sst s2  }
0xb: {  	[smem:$0x3FB2] =	sst s3  }
0xc: {  	[smem:$0x3FB3] =	sst s4  }
0xd: {  	[smem:$0x3FB4] =	sst s5  }
0xe: {  	[smem:$0x3FB5] =	sst s6  }
0xf: {  	[smem:$0x3FB6] =	sst s7  }
0x10: {  	[smem:$0x3FB7] =	sst s8  }
0x11: {  	[smem:$0x3FB8] =	sst s9;
	s0 =	simm.s32 @!p0 $0x0  }
0x12: {  	s1 =	sld [smem:$0x3F9E];
	s0 =	simm.s32 @p0 $0x1  }
0x13: {  	[smem:$0x3FB9] =	sst s0;
	s0 =	simm.s32 @!p1 $0x0  }
0x14: {  	s2 =	sld [smem:$0x3F9D];
	s0 =	simm.s32 @p1 $0x1  }
0x15: {  	[smem:$0x3FBA] =	sst s0;
	s0 =	simm.s32 @!p2 $0x0  }
0x16: {  	s3 =	sld [smem:$0x3FDB];
	s0 =	simm.s32 @p2 $0x1  }
0x17: {  	s4 =	simm.s32 $0x1BF5;
	[smem:$0x3FBC] =	sst s0  }
0x18: {  	s0 =	sld [smem:$0x3F9F];
	_ =	swait.ge [sflag:s4], $0x0  }
0x19: {  	s7 =	sld [smem:$0x3FA0]  }
0x1a: {  	s8 =	sadd.s32 $0xFFFFE003, lr  }
0x1b: {  	s9 =	sadd.s32 $0xFFFFFEF7, lr;
	s5 =	simm.s32 $0xFFFFFFFF;
	p2 =	slt.u32 s8, $0xFFFFF086  }
0x1c: {  	p1 =	slt.u32 s9, $0xF7A;
	s5 =	simm.s32 @!p2 $0x0  }
0x1d: {  	s5 =	simm.s32 @p1 $0x1;
	p0 =	seq.s32 s7, s2  }
0x1e: {  	s7 =	smul.u32 @!p0 $0xF7A, s2;
	p2 =	seq.s32 @!p0 s5, $0x0  }
0x1f: {  	s9 =	smul.u32 $0xF7A, s1;
	s8 =	simm.s32 @!p0 $0x1BF5;
	p2 =	por !p2, p0  }
0x20: {  	[sflag:s8] =	ssyncset.s32 @!p0 $0xFFFFF086;
	s6 =	sadd.s32 @!p0 s3, s7;
	s7 =	simm.s32 @!p0 $0x108  }
0x21: {  	s3 =	sadd.s32 s3, s9;
	s6 =	sadd.s32 @!p0 $0x88, s6;
	s7 =	simm.s32 @p2 $0x1082  }
0x22: {  	[simem:s7], [sflag:s8] =	dma.local @!p0 [hbm:s6], $0xF7A  }
0x23: {  	s9 =	sor.u32 $0xD0000000, s2;
	s6 =	simm.s32 $0x108;
	_ =	swait.ge @!p0 [sflag:s8], $0x0  }
0x24: {  	s3 =	sadd.s32 $0x88, s3;
	s6 =	simm.s32 @!p1 $0x1082;
	[sflag:s4] =	ssyncset.s32 $0xFFFFF086  }
0x25: {  	[simem:s6], [sflag:s4] =	dma.local [hbm:s3], $0xF7A  }
0x26: {  	[smem:$0x3FA0] =	sst s1;
	(tag) =	ssettag s2;
	_ =	strace s9  }
0x27: {  	s1 =	sld [smem:$0x3FB0]  }
0x28: {  	s2 =	sld [smem:$0x3FB1]  }
0x29: {  	s4 =	sld [smem:$0x3FB3]  }
0x2a: {  	p0 =	seq.s32 s5, $0x0;
	s5 =	sld [smem:$0x3FB4]  }
0x2b: {  	s6 =	sld [smem:$0x3FB5]  }
0x2c: {  	s7 =	sld [smem:$0x3FB6]  }
0x2d: {  	s3 =	simm.s32 $0x108;
	s8 =	sld [smem:$0x3FB7]  }
0x2e: {  	s3 =	simm.s32 @!p0 $0x1082;
	s9 =	sld [smem:$0x3FB8]  }
0x2f: {  	lr =	sadd.s32 s0, s3;
	s0 =	sld [smem:$0x3FAF]  }
0x30: {  	s3 =	sld [smem:$0x3FB2]  }
0x31: {  	[smem:$0x3FBB] =	sst s10  }
0x32: {  	s10 =	sld [smem:$0x3FB9];
	_ =	sdelay $0x3  }
0x33: {  	p0 =	seq.s32 s10, $0x1;
	s10 =	sld [smem:$0x3FBB];
	_ =	sdelay $0x3  }
0x34: {  	[smem:$0x3FBB] =	sst s10  }
0x35: {  	s10 =	sld [smem:$0x3FBA];
	_ =	sdelay $0x3  }
0x36: {  	p1 =	seq.s32 s10, $0x1;
	s10 =	sld [smem:$0x3FBB];
	_ =	sdelay $0x3  }
0x37: {  	[smem:$0x3FBB] =	sst s10  }
0x38: {  	s10 =	sld [smem:$0x3FBC]  }
0x39: {  	_ = 	snop;
	(pc) =	sbr.ind lr, $3  }
0x3a: {  	_ = 	snop  }
0x3b: {  	_ = 	snop  }
0x3c: {  	p2 =	seq.s32 s10, $0x1;
	s10 =	sld [smem:$0x3FBB]  }
0x3d: {  	_ =	shalt  }
0x3e: {  	_ =	shalt  }
0x3f: {  	_ =	shalt  }
0x40: {  	_ =	shalt  }
0x41: {  	_ =	shalt  }
0x42: {  	_ =	shalt  }
0x43: {  	_ =	shalt  }
0x44: {  	_ =	shalt  }
0x45: {  	_ =	shalt  }
0x46: {  	_ =	shalt  }
0x47: {  	_ =	shalt  }
0x48: {  	_ =	shalt  }
0x49: {  	_ =	shalt  }
0x4a: {  	_ =	shalt  }
0x4b: {  	_ =	shalt  }
0x4c: {  	_ =	shalt  }
0x4d: {  	_ =	shalt  }
0x4e: {  	_ =	shalt  }
0x4f: {  	_ =	shalt  }
0x50: {  	_ =	shalt  }
0x51: {  	_ =	shalt  }
0x52: {  	_ =	shalt  }
0x53: {  	_ =	shalt  }
0x54: {  	_ =	shalt  }
0x55: {  	_ =	shalt  }
0x56: {  	_ =	shalt  }
0x57: {  	_ =	shalt  }
0x58: {  	_ =	shalt  }
0x59: {  	_ =	shalt  }
0x5a: {  	_ =	shalt  }
0x5b: {  	_ =	shalt  }
0x5c: {  	_ =	shalt  }
0x5d: {  	_ =	shalt  }
0x5e: {  	_ =	shalt  }
0x5f: {  	_ =	shalt  }
0x60: {  	_ =	shalt  }
0x61: {  	_ =	shalt  }
0x62: {  	_ =	shalt  }
0x63: {  	_ =	shalt  }
0x64: {  	_ =	shalt  }
0x65: {  	_ =	shalt  }
0x66: {  	_ =	shalt  }
0x67: {  	_ =	shalt  }
0x68: {  	_ =	shalt  }
0x69: {  	_ =	shalt  }
0x6a: {  	_ =	shalt  }
0x6b: {  	_ =	shalt  }
0x6c: {  	_ =	shalt  }
0x6d: {  	_ =	shalt  }
0x6e: {  	_ =	shalt  }
0x6f: {  	_ =	shalt  }
0x70: {  	_ =	shalt  }
0x71: {  	_ =	shalt  }
0x72: {  	_ =	shalt  }
0x73: {  	_ =	shalt  }
0x74: {  	_ =	shalt  }
0x75: {  	_ =	shalt  }
0x76: {  	_ =	shalt  }
0x77: {  	_ =	shalt  }
0x78: {  	_ =	shalt  }
0x79: {  	_ =	shalt  }
0x7a: {  	_ =	shalt  }
0x7b: {  	_ =	shalt  }
0x7c: {  	_ =	shalt  }
0x7d: {  	_ =	shalt  }
0x7e: {  	_ =	shalt  }
0x7f: {  	_ =	shalt  }
0x80: {  	_ =	shalt  }
0x81: {  	_ =	shalt  }
0x82: {  	_ =	shalt  }
0x83: {  	_ =	shalt  }
0x84: {  	_ =	shalt  }
0x85: {  	_ =	shalt  }
0x86: {  	_ =	shalt  }
0x87: {  	_ =	shalt  }
.Lfunc_end0:
.L_simem_size_0:
called_computation_lowered:
.L_overlay_start_0:
0x88: {  	s2 =	sld [smem:$0x3FD9]  }
0x89: {  	s3 =	sld [smem:$0x3FFE];
	_ =	sdelay $0x1  }
0x8a: {  	s1 =	srdreg.scid  }
0x8b: {  	s0 =	sand.u32 $0x1, s1  }
0x8c: {  	s18 =	sshll.u32 s0, $0xA;
	s2 =	sadd.s32 s3, s2  }
0x8d: {  	s2 =	sadd.s32 s2, s18  }
0x8e: {  	[smem:$0x3FC7] =	sst s2  }
0x8f: {  	_ = 	snop  }
0x90: {  	s2 =	sld [smem:$0x3FC9]  }
0x91: {  	s19 =	sld [smem:$0x3FD0];
	(tm) =	ssettm $0x1  }
0x92: {  	s4 =	sld [smem:$0x3FFB];
	_ =	sdelay $0x3  }
0x93: {  	_ =	strace s4  }
0x94: {  	s4 =	sld [smem:$0x3FFC];
	_ =	sdelay $0x3  }
0x95: {  	_ =	strace s4  }
0x96: {  	s4 =	sld [smem:$0x3FFD];
	_ =	sdelay $0x3  }
0x97: {  	_ =	strace s4  }
0x98: {  	_ =	strace $0x8FFFFFFF  }
0x99: {  	s20 =	sld [smem:$0x3FDB];
	_ =	sdelay $0x1  }
0x9a: {  	s5 =	simm.s32 $_scs_section_size  }
0x9b: {  	s6 =	simm.s32 $_size__tile_overlayer_lowered;
	s7 =	simm.s32 $_tile_overlayer_lowered  }
0x9c: {  	s23 =	simm.s32 $0x1BFF;
	s22 =	sshll.u32 s7, $0x1;
	s4 =	sadd.s32 s5, s20  }
0x9d: {  	s8 =	simm.s32 $0x0;
	s21 =	sshll.u32 s6, $0x1;
	s6 =	sadd.s32 s22, s4  }
0x9e: {  	[timem:s8], [sflag:s23] =	dma.local [hbm:s6], s21  }
0x9f: {  	_ =	swait.ge [sflag:s23], s21  }
0xa0: {  	s5 =	ssub.s32 $0x0, s21;
	[sflag:s23] =	ssyncset.done $0x0  }
0xa1: {  	[sflag:s23] =	ssyncadd.s32 s5;
	_ =	sdelay $0x1  }
0xa2: {  	s24 =	simm.s32 $0x1B8B  }
0xa3: {  	_ =	swait.ge [sflag:s24], $0x1  }
0xa4: {  	[sflag:s24] =	ssyncset.done $0x0  }
0xa5: {  	s25 =	simm.s32 $0x1B8E;
	[sflag:s24] =	ssyncadd.s32 $0xFFFFFFFF  }
0xa6: {  	s26 =	simm.s32 $execute0_lowered;
	[smem:$0x3FD2] =	sst s25  }
0xa7: {  	s5 =	sshll.u32 s26, $0x1;
	_ =	strace $0x80000046;
	[dreg:$0x1] =	wrdreg $0xFFFFFFFF  }
0xa8: {  	s28 =	simm.s32 $_size_execute0_lowered;
	s4 =	sadd.s32 s4, s5;
	[dreg:$0x0] =	wrdreg $0x0  }
0xa9: {  	s5 =	sshll.u32 s28, $0x1;
	[dreg:$0x2] =	wrdreg s4  }
0xaa: {  	[dreg:$0x3] =	wrdreg s5  }
0xab: {  	[dreg:$0x4] =	wrdreg $0xC0  }
0xac: {  	_ =	task [dreg:s8], $0x5FFFF  }
0xad: {  	[dreg:$0x1] =	wrdreg $0xFFFFFFFF  }
0xae: {  	[dreg:$0x0] =	wrdreg $0x60  }
0xaf: {  	[dreg:$0x2] =	wrdreg s2  }
0xb0: {  	[dreg:$0x3] =	wrdreg s19  }
0xb1: {  	[dreg:$0x4] =	wrdreg $0x9  }
0xb2: {  	_ =	task.clear_ibuf [dreg:s8], $0x5FFFF;
	_ =	strace $0x90000046  }
0xb3: {  	s29 =	simm.s32 $0x9;
	_ =	strace $0x80000048  }
0xb4: {  	_ =	swait.ge [sflag:s29], $0x1  }
0xb5: {  	[sflag:s29] =	ssyncadd.s32 $0xFFFFFFFF  }
0xb6: {  	_ =	strace $0x90000048  }
0xb7: {  	_ =	sfence  }
0xb8: {  	s30 =	sld [smem:$0x0];
	_ =	sdelay $0x2  }
0xb9: {  	s31 =	sshll.u32 s1, $0xD;
	s1 =	sshrl.u32 s1, $0x2  }
0xba: {  	s3 =	sand.u32 $0x4000, s31;
	s1 =	sadd.s32 s1, s30  }
0xbb: {  	s0 =	sor.u32 s3, s0;
	s1 =	sshll.u32 s1, $0x11  }
0xbc: {  	s0 =	sor.u32 s1, s0  }
0xbd: {  	s0 =	sadd.s32 $0x8F2B, s0  }
0xbe: {  	[sflag:s0] =	ssyncadd.remote.s32 $0x1  }
0xbf: {  	_ =	sfence.sel $0xFFFF  }
0xc0: {  	[dreg:$0x0] =	wrdreg $0xFFFFFFFF;
	(pc) =	sbr.abs _section_cstart, $3  }
0xc1: {  	[dreg:$0x1] =	wrdreg $0xFFFFFFFF  }
0xc2: {  	_ =	task.clear_ibuf [dreg:s8], $0x2FFFF;
	_ =	strace $0x9FFFFFFF  }
0xc3: {  	(tm) =	ssettm $0x7FFFFFFF  }
tec
execute0_lowered:
.L_overlay_start_1:
0x0: {  	(tag) =	ssettag $0x1  }
0x1: {  	s1 =	rddreg [dreg:$0x0]  }
0x2: {  	s4 =	rddreg [dreg:$0x1]  }
0x3: {  	s0 =	rddreg [dreg:$0x2];
	s3 =	simm.s32 $0x0;
	s5 =	srdreg.scid  }
0x4: {  	s2 =	stileid.u32;
	s9 =	simm.s32 $0x5100;
	s15 =	simm.s32 $0x0  }
0x5: {  	[smem:$0x7FF] =	sst s3;
	s5 =	sand.u32 $0x1, s5;
	s7 =	sshll.u32 s2, $0x3  }
0x6: {  	s6 =	ssub.s32 $0x2, s5;
	s5 =	sshll.u32 s5, $0x2;
	_ =	strace $0x80000047  }
0x7: {  	s8 =	sshrl.u32 s6, $0x1;
	s7 =	sor.u32 s5, s7;
	s10 =	sxor.u32 $0x7, s5  }
0x8: {  	s11 =	sxor.u32 $0x6, s5;
	s13 =	sxor.u32 $0x5, s5;
	s14 =	sxor.u32 $0x4, s5  }
0x9: {  	s6 =	ssub.s32 s6, s8;
	s7 =	smul.u32 $0x1FF, s7;
	v2 =	vmov s11;
	s11 =	simm.s32 $0x6200  }
0xa: {  	v0 =	vmov s2;
	v3 =	vmov s13;
	v4 =	vmov s14;
	s13 =	simm.s32 $0x7300;
	s14 =	simm.s32 $0x1;
	s5 =	smax.u32 s6, $0x1  }
0xb: {  	v1 =	vor.u32 $0xFFFFA000, v0;
	s6 =	simm.s32 $0x2;
	s4 =	sadd.s32 s4, s7;
	s7 =	simm.s32 $0x4000  }
0xc: {  	v5 =	vlaneseq.u32;
	v1 =	vbroadcast v1, $0x0;
	v0 =	vmov s10;
	s8 =	sadd.s32 $0x1FF, s4;
	s10 =	sadd.s32 $0x3FE, s4;
	s12 =	sadd.s32 $0x5FD, s4  }
.LBB2_1:
0xd: {  	s16 =	simm.s32 $0x0  }
0xe: {  	v6 =	vor.u32 s16, v5  }
0xf: {  	v7 =	vadd.s32 v0, v6  }
0x10: {  	vm0 =	vgt.s32 v7, $0x600  }
0x11: {  	v7 =	vnsel vm0, $0x600, v7  }
0x12: {  	v7 =	vmin.u32 v7, $0x9FE  }
0x13: {  	v7 =	vshll.u32 v7, $0x4  }
0x14: {  	v7 =	vadd.s32 v1, v7  }
0x15: {  	[tilespmem:s3], [sflag:$0x2] =	stream.linear.gather [hbm4b:s1+s3], $0x3FF0, $0x38;
	v8 =	vadd.s32 v2, v6;
	[tilespmem:$0x8400] =	vst v63  }
0x16: {  	_ =	swait.ge [sflag:s6], $0x3FF0;
	vm9 =	vgt.s32 v8, $0x600  }
0x17: {  	[sflag:s6] =	ssyncset.done $0x0;
	v8 =	vnsel vm9, $0x600, v8  }
0x18: {  	[sflag:s6] =	ssyncadd.s32 $0xFFFFC010;
	v8 =	vmin.u32 v8, $0x9FE  }
0x19: {  	v8 =	vshll.u32 v8, $0x4;
	v7 =	vld.idx.msk [tilespmem:v7+s3+$0x0], $0xffff  }
0x1a: {  	v8 =	vadd.s32 v1, v8  }
0x1b: {  	v9 =	vadd.s32 v3, v6  }
0x1c: {  	vm10 =	vgt.s32 v9, $0x600  }
0x1d: {  	v9 =	vnsel vm10, $0x600, v9  }
0x1e: {  	[tilespmem:s11+$0xFFFFDE00] =	vst v7;
	v7 =	vmin.u32 v9, $0x9FE  }
0x1f: {  	v8 =	vld.idx.msk [tilespmem:v8+s3+$0x0], $0xffff;
	v7 =	vshll.u32 v7, $0x4  }
0x20: {  	v7 =	vadd.s32 v1, v7  }
0x21: {  	v6 =	vadd.s32 v4, v6  }
0x22: {  	vm11 =	vgt.s32 v6, $0x600  }
0x23: {  	v6 =	vnsel vm11, $0x600, v6  }
0x24: {  	v6 =	vmin.u32 v6, $0x9FE;
	[tilespmem:s11+$0xFFFFEF00] =	vst v8  }
0x25: {  	s31 =	simm.s32 $0x10;
	v6 =	vshll.u32 v6, $0x4;
	v7 =	vld.idx.msk [tilespmem:v7+s3+$0x0], $0xffff  }
0x26: {  	v6 =	vadd.s32 v1, v6;
	v8 =	vor.u32 s31, v5  }
0x27: {  	v61 =	vadd.s32 v0, v8  }
0x28: {  	vm12 =	vgt.s32 v61, $0x600  }
0x29: {  	v9 =	vnsel vm12, $0x600, v61  }
0x2a: {  	[tilespmem:s11+$0x0] =	vst v7;
	v7 =	vmin.u32 v9, $0x9FE  }
0x2b: {  	v6 =	vld.idx.msk [tilespmem:v6+s3+$0x0], $0xffff;
	v7 =	vshll.u32 v7, $0x4  }
0x2c: {  	v7 =	vadd.s32 v1, v7  }
0x2d: {  	v62 =	vadd.s32 v2, v8  }
0x2e: {  	vm13 =	vgt.s32 v62, $0x600  }
0x2f: {  	v9 =	vnsel vm13, $0x600, v62  }
0x30: {  	[tilespmem:s11+$0x1100] =	vst v6;
	v6 =	vmin.u32 v9, $0x9FE  }
0x31: {  	v7 =	vld.idx.msk [tilespmem:v7+s3+$0x0], $0xffff;
	v6 =	vshll.u32 v6, $0x4  }
0x32: {  	v6 =	vadd.s32 v1, v6  }
0x33: {  	v63 =	vadd.s32 v3, v8  }
0x34: {  	vm14 =	vgt.s32 v63, $0x600  }
0x35: {  	v9 =	vnsel vm14, $0x600, v63  }
0x36: {  	[tilespmem:s11+$0xFFFFDE10] =	vst v7;
	v7 =	vmin.u32 v9, $0x9FE  }
0x37: {  	v6 =	vld.idx.msk [tilespmem:v6+s3+$0x0], $0xffff;
	v7 =	vshll.u32 v7, $0x4  }
0x38: {  	v7 =	vadd.s32 v1, v7  }
0x39: {  	v8 =	vadd.s32 v4, v8  }
0x3a: {  	vm15 =	vgt.s32 v8, $0x600  }
0x3b: {  	v8 =	vnsel vm15, $0x600, v8  }
0x3c: {  	v8 =	vmin.u32 v8, $0x9FE;
	[tilespmem:s11+$0xFFFFEF10] =	vst v6  }
0x3d: {  	s19 =	simm.s32 $0x20;
	v8 =	vshll.u32 v8, $0x4;
	v6 =	vld.idx.msk [tilespmem:v7+s3+$0x0], $0xffff  }
0x3e: {  	s18 =	simm.s32 $0x50;
	s17 =	simm.s32 $0x6200;
	s16 =	simm.s32 $0x30;
	v7 =	vadd.s32 v1, v8  }
.LBB2_2:
0x3f: {  	p0 =	sne.s32 s18, $0x10F0;
	v8 =	vor.u32 s19, v5  }
0x40: {  	v9 =	vadd.s32 v0, v8  }
0x41: {  	vm0 =	vgt.s32 v9, $0x600  }
0x42: {  	v9 =	vnsel vm0, $0x600, v9;
	[tilespmem:s17+$0x10] =	vst v6  }
0x43: {  	v6 =	vmin.u32 v9, $0x9FE;
	v7 =	vld.idx.msk [tilespmem:v7+s3+$0x0], $0xffff  }
0x44: {  	v6 =	vshll.u32 v6, $0x4  }
0x45: {  	v6 =	vadd.s32 v1, v6;
	_ =	sdelay $0x1  }
0x46: {  	v9 =	vadd.s32 v2, v8  }
0x47: {  	vm0 =	vgt.s32 v9, $0x600  }
0x48: {  	v9 =	vnsel vm0, $0x600, v9;
	[tilespmem:s17+$0x1110] =	vst v7  }
0x49: {  	v7 =	vmin.u32 v9, $0x9FE;
	v6 =	vld.idx.msk [tilespmem:v6+s3+$0x0], $0xffff  }
0x4a: {  	v7 =	vshll.u32 v7, $0x4  }
0x4b: {  	v7 =	vadd.s32 v1, v7;
	_ =	sdelay $0x1  }
0x4c: {  	v9 =	vadd.s32 v3, v8  }
0x4d: {  	s17 =	sadd.s32 $0x20, s17;
	vm0 =	vgt.s32 v9, $0x600  }
0x4e: {  	[tilespmem:s17+$0xFFFFDE00] =	vst v6;
	v6 =	vnsel vm0, $0x600, v9  }
0x4f: {  	v7 =	vld.idx.msk [tilespmem:v7+s3+$0x0], $0xffff;
	v6 =	vmin.u32 v6, $0x9FE  }
0x50: {  	v6 =	vshll.u32 v6, $0x4  }
0x51: {  	v6 =	vadd.s32 v1, v6;
	_ =	sdelay $0x1  }
0x52: {  	v8 =	vadd.s32 v4, v8  }
0x53: {  	vm0 =	vgt.s32 v8, $0x600  }
0x54: {  	[tilespmem:s17+$0xFFFFEF00] =	vst v7;
	v7 =	vnsel vm0, $0x600, v8  }
0x55: {  	v6 =	vld.idx.msk [tilespmem:v6+s3+$0x0], $0xffff;
	v7 =	vmin.u32 v7, $0x9FE  }
0x56: {  	v7 =	vshll.u32 v7, $0x4  }
0x57: {  	v7 =	vadd.s32 v1, v7  }
0x58: {  	v8 =	vor.u32 s16, v5;
	s16 =	smov.u32 s18  }
0x59: {  	v9 =	vadd.s32 v0, v8  }
0x5a: {  	vm0 =	vgt.s32 v9, $0x600  }
0x5b: {  	[tilespmem:s17+$0x0] =	vst v6;
	v6 =	vnsel vm0, $0x600, v9  }
0x5c: {  	v7 =	vld.idx.msk [tilespmem:v7+s3+$0x0], $0xffff;
	v6 =	vmin.u32 v6, $0x9FE  }
0x5d: {  	v6 =	vshll.u32 v6, $0x4  }
0x5e: {  	v6 =	vadd.s32 v1, v6;
	_ =	sdelay $0x1  }
0x5f: {  	v9 =	vadd.s32 v2, v8  }
0x60: {  	vm0 =	vgt.s32 v9, $0x600  }
0x61: {  	[tilespmem:s17+$0x1100] =	vst v7;
	v7 =	vnsel vm0, $0x600, v9  }
0x62: {  	v6 =	vld.idx.msk [tilespmem:v6+s3+$0x0], $0xffff;
	v7 =	vmin.u32 v7, $0x9FE  }
0x63: {  	v7 =	vshll.u32 v7, $0x4  }
0x64: {  	v7 =	vadd.s32 v1, v7;
	_ =	sdelay $0x1  }
0x65: {  	v9 =	vadd.s32 v3, v8  }
0x66: {  	vm0 =	vgt.s32 v9, $0x600  }
0x67: {  	[tilespmem:s17+$0xFFFFDE10] =	vst v6;
	v6 =	vnsel vm0, $0x600, v9  }
0x68: {  	v7 =	vld.idx.msk [tilespmem:v7+s3+$0x0], $0xffff;
	v6 =	vmin.u32 v6, $0x9FE  }
0x69: {  	v6 =	vshll.u32 v6, $0x4  }
0x6a: {  	v6 =	vadd.s32 v1, v6;
	_ =	sdelay $0x1  }
0x6b: {  	v8 =	vadd.s32 v4, v8  }
.Ltmp0:
0x6c: {  	vm0 =	vgt.s32 v8, $0x600;
	(pc) =	sbr.rel @p0 .LBB2_2-.Ltmp0, $4  }
0x6d: {  	[tilespmem:s17+$0xFFFFEF10] =	vst v7;
	v7 =	vnsel vm0, $0x600, v8  }
0x6e: {  	v6 =	vld.idx.msk [tilespmem:v6+s3+$0x0], $0xffff;
	v7 =	vmin.u32 v7, $0x9FE  }
0x6f: {  	v7 =	vshll.u32 v7, $0x4  }
0x70: {  	s18 =	sadd.s32 $0x20, s18;
	s19 =	sadd.s32 $0xFFFFFFF0, s16;
	v7 =	vadd.s32 v1, v7  }
0x71: {  	v8 =	vor.u32 s19, v5  }
0x72: {  	v9 =	vadd.s32 v0, v8  }
0x73: {  	vm0 =	vgt.s32 v9, $0x600  }
0x74: {  	v9 =	vnsel vm0, $0x600, v9  }
0x75: {  	[tilespmem:s17+$0x10] =	vst v6;
	v6 =	vmin.u32 v9, $0x9FE  }
0x76: {  	v7 =	vld.idx.msk [tilespmem:v7+s3+$0x0], $0xffff;
	v6 =	vshll.u32 v6, $0x4  }
0x77: {  	v6 =	vadd.s32 v1, v6  }
0x78: {  	v58 =	vadd.s32 v2, v8  }
0x79: {  	vm9 =	vgt.s32 v58, $0x600  }
0x7a: {  	v9 =	vnsel vm9, $0x600, v58  }
0x7b: {  	[tilespmem:s17+$0x1110] =	vst v7;
	v7 =	vmin.u32 v9, $0x9FE  }
0x7c: {  	v7 =	vshll.u32 v7, $0x4;
	v6 =	vld.idx.msk [tilespmem:v6+s3+$0x0], $0xffff  }
0x7d: {  	v7 =	vadd.s32 v1, v7  }
0x7e: {  	v59 =	vadd.s32 v3, v8  }
0x7f: {  	vm10 =	vgt.s32 v59, $0x600  }
0x80: {  	s31 =	sadd.s32 $0x20, s17;
	v9 =	vnsel vm10, $0x600, v59  }
0x81: {  	[tilespmem:s31+$0xFFFFDE00] =	vst v6;
	v6 =	vmin.u32 v9, $0x9FE  }
0x82: {  	v7 =	vld.idx.msk [tilespmem:v7+s3+$0x0], $0xffff;
	v6 =	vshll.u32 v6, $0x4  }
0x83: {  	v6 =	vadd.s32 v1, v6  }
0x84: {  	v8 =	vadd.s32 v4, v8  }
0x85: {  	vm11 =	vgt.s32 v8, $0x600  }
0x86: {  	v8 =	vnsel vm11, $0x600, v8  }
0x87: {  	[tilespmem:s31+$0xFFFFEF00] =	vst v7;
	v7 =	vmin.u32 v8, $0x9FE  }
0x88: {  	v6 =	vld.idx.msk [tilespmem:v6+s3+$0x0], $0xffff;
	v7 =	vshll.u32 v7, $0x4  }
0x89: {  	v60 =	vor.u32 s16, v5;
	v7 =	vadd.s32 v1, v7  }
0x8a: {  	v61 =	vadd.s32 v0, v60  }
0x8b: {  	vm12 =	vgt.s32 v61, $0x600  }
0x8c: {  	v9 =	vnsel vm12, $0x600, v61  }
0x8d: {  	[tilespmem:s31+$0x0] =	vst v6;
	v6 =	vmin.u32 v9, $0x9FE  }
0x8e: {  	v7 =	vld.idx.msk [tilespmem:v7+s3+$0x0], $0xffff;
	v6 =	vshll.u32 v6, $0x4  }
0x8f: {  	v6 =	vadd.s32 v1, v6  }
0x90: {  	v62 =	vadd.s32 v2, v60  }
0x91: {  	vm13 =	vgt.s32 v62, $0x600  }
0x92: {  	v9 =	vnsel vm13, $0x600, v62  }
0x93: {  	[tilespmem:s31+$0x1100] =	vst v7;
	v7 =	vmin.u32 v9, $0x9FE  }
0x94: {  	v6 =	vld.idx.msk [tilespmem:v6+s3+$0x0], $0xffff;
	v7 =	vshll.u32 v7, $0x4  }
0x95: {  	v7 =	vadd.s32 v1, v7  }
0x96: {  	v63 =	vadd.s32 v3, v60  }
0x97: {  	vm14 =	vgt.s32 v63, $0x600  }
0x98: {  	v9 =	vnsel vm14, $0x600, v63  }
0x99: {  	[tilespmem:s31+$0xFFFFDE10] =	vst v6;
	v6 =	vmin.u32 v9, $0x9FE  }
0x9a: {  	v7 =	vld.idx.msk [tilespmem:v7+s3+$0x0], $0xffff;
	v6 =	vshll.u32 v6, $0x4  }
0x9b: {  	v6 =	vadd.s32 v1, v6  }
0x9c: {  	v8 =	vadd.s32 v4, v60  }
0x9d: {  	vm15 =	vgt.s32 v8, $0x600  }
0x9e: {  	v8 =	vnsel vm15, $0x600, v8  }
0x9f: {  	[tilespmem:s31+$0xFFFFEF10] =	vst v7;
	v7 =	vmin.u32 v8, $0x9FE  }
0xa0: {  	v6 =	vld.idx.msk [tilespmem:v6+s3+$0x0], $0xffff;
	v7 =	vshll.u32 v7, $0x4  }
0xa1: {  	v7 =	vadd.s32 v1, v7;
	_ =	sdelay $0x3  }
0xa2: {  	[tilespmem:s31+$0x10] =	vst v6  }
0xa3: {  	v6 =	vld.idx.msk [tilespmem:v7+s3+$0x0], $0xffff;
	_ =	sdelay $0x4  }
0xa4: {  	[tilespmem:s31+$0x1110] =	vst v6  }
0xa5: {  	[hbm4b:s4+s3] =	stream.linear.scatter [tilespmem:s7], [sflag:$0x1], $0xFF8, $0x38;
	[tilespmem:$0x8400] =	vst v63  }
0xa6: {  	s15 =	sadd.s32 $0x1, s15  }
0xa7: {  	[hbm4b:s8+s3] =	stream.linear.scatter [tilespmem:s9], [sflag:$0x1], $0xFF8, $0x38;
	[tilespmem:$0x8400] =	vst v63  }
0xa8: {  	p0 =	sne.s32 s15, s5  }
0xa9: {  	[hbm4b:s10+s3] =	stream.linear.scatter [tilespmem:s11], [sflag:$0x1], $0xFF8, $0x38;
	[tilespmem:$0x8400] =	vst v63  }
.Ltmp1:
0xaa: {  	_ = 	snop;
	(pc) =	sbr.rel @p0 .LBB2_1-.Ltmp1, $4  }
0xab: {  	[hbm4b:s12+s3] =	stream.linear.scatter [tilespmem:s13], [sflag:$0x1], $0xFF8, $0x38;
	[tilespmem:$0x8400] =	vst v63  }
0xac: {  	_ =	swait.ge [sflag:s14], $0x3FE0  }
0xad: {  	[sflag:s14] =	ssyncset.done $0x0  }
0xae: {  	[sflag:s14] =	ssyncadd.s32 $0xFFFFC020  }
0xaf: {  	_ =	sfence.sel $0x180000  }
0xb0: {  	[bflag:$0x0] =	sbarrier.arrive $0xFFFF  }
0xb1: {  	p0 =	sne.s32 s2, $0x0;
	_ =	strace $0x90000047  }
0xb2: {  	s0 =	sadd.s32 @!p0 $0x100000, s0;
	[bflag:$0x2] =	sbarrier.arrive $0xFFFF  }
0xb3: {  	[sflag:s0] =	ssyncadd.tile.s32 @!p0 $0x1;
	_ =	shalt  }
.Lfunc_end2:
_tile_overlayer_lowered:
.L_overlay_start_2:
0xb4: {  	(tag) =	ssettag $0x2  }
0xb5: {  	s0 =	rddreg [dreg:$0x0];
	s2 =	stileid.u32  }
0xb6: {  	s1 =	rddreg [dreg:$0x1];
	p0 =	sne.s32 s2, $0x0  }
0xb7: {  	s3 =	rddreg [dreg:$0x2];
	[bflag:$0x3] =	sbarrier.arrive $0xFFFF;
	s2 =	simm.s32 @!p0 $0x1C02  }
0xb8: {  	[timem:s3], [sflag:s2] =	dma.local @!p0 [hbm:s0], s1  }
0xb9: {  	s0 =	simm.s32 @!p0 $0x2  }
0xba: {  	_ =	swait.ge @!p0 [sflag:s0], s1  }
0xbb: {  	s1 =	ssub.s32 @!p0 $0x0, s1;
	[sflag:s0] =	ssyncset.done @!p0 $0x0  }
0xbc: {  	[sflag:s0] =	ssyncadd.s32 @!p0 s1  }
0xbd: {  	[bflag:$0x3] =	sbarrier.arrive $0xFFFF  }
0xbe: {  	_ =	shalt  }

</sc_bundles>
